<compile_context>
chip_gen: v7x
topology: tpu7x:2x2x1
jax: 0.10.2.dev20260603
libtpu: 0.0.44.dev20260713+nightly
codegen_flags: <defaults>
</compile_context>

<pallas_src>
import functools

import jax
import jax.numpy as jnp
from jax import lax
from jax.experimental import pallas as pl
from jax.experimental.pallas import tpu as pltpu
from jax.experimental.pallas import tpu_sc as plsc

N = 10000
E = 320000
F = 128

NPAD = 10240
CH = 128
NCH = 80
NTILES = 32
EPT = NCH * CH
EPAD_TOT = NTILES * EPT
ROWS_PER_TILE = NPAD // 16

EROWS = E // F
PROWS = EPAD_TOT // F

NB = 10
BR = N // NB

_mesh = plsc.VectorSubcoreMesh(core_axis_name="c", subcore_axis_name="s")




EPR = E // NTILES
FULLROWS = EPR // CH
REM = EPR - FULLROWS * CH


def _deg_pack_kernel(ei):

    @functools.partial(
        pl.kernel,
        out_type=[
            jax.ShapeDtypeStruct((2, NPAD), jnp.float32),
            jax.ShapeDtypeStruct((NTILES, NCH, CH), jnp.int32),
        ],
        mesh=_mesh,
        scratch_types=[
            pltpu.VMEM((EPR + CH - REM,), jnp.int32),
            pltpu.VMEM((EPR + CH - REM,), jnp.int32),
            pltpu.VMEM((NCH, CH), jnp.int32),
            pltpu.VMEM((NCH, CH), jnp.int32),
            pltpu.VMEM((CH,), jnp.float32),
            pltpu.VMEM((ROWS_PER_TILE,), jnp.float32),
            pltpu.VMEM_SHARED((NPAD,), jnp.float32),
            pltpu.SemaphoreType.DMA,
            pltpu.SemaphoreType.DMA,
        ],
    )
    def k(ei_hbm, deg_hbm, pk_hbm, src1, dst1, pk_v, dst2, ones_v, zeros_v,
          deg_sh, sem0, sem1):
        c = lax.axis_index("c")
        s = lax.axis_index("s")
        w = c * 16 + s
        off = (w % 8) * REM
        a0 = pl.multiple_of(w * EPR - off, CH)
        nfetch = EPR + CH - REM
        pltpu.async_copy(ei_hbm.at[0].at[pl.ds(a0, nfetch)], src1, sem0)
        pltpu.async_copy(ei_hbm.at[1].at[pl.ds(a0, nfetch)], dst1, sem1)

        @pl.loop(0, CH, step=16)
        def _(i):
            ones_v.at[pl.ds(i, 16)][...] = jnp.full((16,), 1.0, jnp.float32)

        @pl.loop(0, ROWS_PER_TILE, step=16)
        def _(i):
            zeros_v.at[pl.ds(i, 16)][...] = jnp.full((16,), 0.0, jnp.float32)

        base = s * ROWS_PER_TILE
        pltpu.sync_copy(zeros_v, deg_sh.at[pl.ds(base, ROWS_PER_TILE)])
        pltpu.make_async_copy(ei_hbm.at[0].at[pl.ds(a0, nfetch)], src1,
                              sem0).wait()
        pltpu.make_async_copy(ei_hbm.at[1].at[pl.ds(a0, nfetch)], dst1,
                              sem1).wait()

        @pl.loop(0, FULLROWS)
        def _(r):
            @pl.loop(0, CH, step=16)
            def _(col):
                sv = src1.at[pl.ds(off + r * CH + col, 16)][...]
                dv = dst1.at[pl.ds(off + r * CH + col, 16)][...]
                pk_v.at[r, pl.ds(col, 16)][...] = (dv << 16) | sv
                dst2.at[r, pl.ds(col, 16)][...] = dv

        lane = lax.iota(jnp.int32, 16)

        @pl.loop(FULLROWS, NCH)
        def _(r):
            @pl.loop(0, CH, step=16)
            def _(col):
                flat = r * CH + col
                pdst = N + (flat + lane) % (NPAD - N)
                psrc = ((flat + lane) * 61) % N
                pk = (pdst << 16) | psrc

                @pl.when(jnp.logical_and(r == FULLROWS, col < REM))
                def _():
                    sv = src1.at[pl.ds(off + r * CH + col, 16)][...]
                    dv = dst1.at[pl.ds(off + r * CH + col, 16)][...]
                    pk_v.at[r, pl.ds(col, 16)][...] = (dv << 16) | sv
                    dst2.at[r, pl.ds(col, 16)][...] = dv

                @pl.when(jnp.logical_or(r != FULLROWS, col >= REM))
                def _():
                    pk_v.at[r, pl.ds(col, 16)][...] = pk
                    dst2.at[r, pl.ds(col, 16)][...] = pdst

        pltpu.async_copy(pk_v, pk_hbm.at[w], sem0)
        plsc.subcore_barrier()

        @pl.loop(0, NCH)
        def _(j):
            pltpu.async_copy(ones_v, deg_sh.at[dst2.at[j]], sem1, add=True)

        @pl.loop(0, NCH)
        def _(j):
            pltpu.make_async_copy(ones_v, deg_sh.at[dst2.at[j]], sem1).wait()

        plsc.subcore_barrier()
        pltpu.sync_copy(deg_sh.at[pl.ds(base, ROWS_PER_TILE)],
                        deg_hbm.at[c].at[pl.ds(base, ROWS_PER_TILE)])
        pltpu.make_async_copy(pk_v, pk_hbm.at[w], sem0).wait()

    return k(ei)


def _scatter_kernel(hs, pk_t):

    @functools.partial(
        pl.kernel,
        out_type=jax.ShapeDtypeStruct((2, NPAD, F), jnp.float32),
        mesh=_mesh,
        scratch_types=[
            pltpu.VMEM((NCH, CH), jnp.int32),
            pltpu.VMEM((2, CH), jnp.int32),
            pltpu.VMEM((2, CH), jnp.int32),
            pltpu.VMEM((CH, F), jnp.float32),
            pltpu.VMEM((CH, F), jnp.float32),
            pltpu.VMEM_SHARED((NPAD, F), jnp.float32),
            pltpu.SemaphoreType.DMA,
            pltpu.SemaphoreType.DMA,
        ],
    )
    def k(hs_hbm, pk_hbm, out_hbm, pk_v, si_v, di_v, msg0, msg1,
          acc_sh, sem0, sem1):
        c = lax.axis_index("c")
        s = lax.axis_index("s")
        w = c * 16 + s
        pltpu.sync_copy(pk_hbm.at[w], pk_v)

        def unpack_src(j, slot):
            @pl.loop(0, CH, step=16)
            def _(i):
                p = pk_v.at[j, pl.ds(i, 16)][...]
                si_v.at[slot, pl.ds(i, 16)][...] = jnp.bitwise_and(
                    p, jnp.int32(0xFFFF))

        def unpack_dst(j, slot):
            @pl.loop(0, CH, step=16)
            def _(i):
                p = pk_v.at[j, pl.ds(i, 16)][...]
                di_v.at[slot, pl.ds(i, 16)][...] = lax.shift_right_logical(
                    p, jnp.int32(16))

        @pl.loop(0, CH)
        def _(r):
            @pl.loop(0, F, step=16)
            def _(col):
                msg0.at[r, pl.ds(col, 16)][...] = jnp.full((16,), 0.0,
                                                           jnp.float32)

        base = s * ROWS_PER_TILE

        @pl.loop(0, ROWS_PER_TILE, step=CH)
        def _(r):
            pltpu.sync_copy(msg0, acc_sh.at[pl.ds(base + r, CH)])

        plsc.subcore_barrier()

        unpack_src(0, 0)
        pltpu.async_copy(hs_hbm.at[si_v.at[0]], msg0, sem0)
        unpack_src(1, 1)
        pltpu.async_copy(hs_hbm.at[si_v.at[1]], msg1, sem1)

        @pl.loop(0, NCH, step=2)
        def _(j):
            pltpu.make_async_copy(hs_hbm.at[si_v.at[0]], msg0, sem0).wait()
            unpack_dst(j, 0)
            pltpu.sync_copy(msg0, acc_sh.at[di_v.at[0]], add=True)

            @pl.when(j + 2 < NCH)
            def _():
                unpack_src(j + 2, 0)
                pltpu.async_copy(hs_hbm.at[si_v.at[0]], msg0, sem0)

            pltpu.make_async_copy(hs_hbm.at[si_v.at[1]], msg1, sem1).wait()
            unpack_dst(j + 1, 1)
            pltpu.sync_copy(msg1, acc_sh.at[di_v.at[1]], add=True)

            @pl.when(j + 3 < NCH)
            def _():
                unpack_src(j + 3, 1)
                pltpu.async_copy(hs_hbm.at[si_v.at[1]], msg1, sem1)

        plsc.subcore_barrier()

        @pl.loop(0, ROWS_PER_TILE, step=CH)
        def _(r):
            pltpu.sync_copy(acc_sh.at[pl.ds(base + r, CH)],
                            out_hbm.at[c].at[pl.ds(base + r, CH)])

    return k(hs, pk_t)




def _sigma_from(W, u):
    u = u / (jnp.sqrt(jnp.sum(u * u)) + 1e-12)
    v = lax.dot_general(u, W, (((1,), (0,)), ((), ())),
                        preferred_element_type=jnp.float32)
    v = v / (jnp.sqrt(jnp.sum(v * v)) + 1e-12)
    Wv = lax.dot_general(v, W, (((1,), (1,)), ((), ())),
                         preferred_element_type=jnp.float32)
    nWv = jnp.sqrt(jnp.sum(Wv * Wv))
    return (nWv * nWv) / (nWv + 1e-12)


def _mm_body(x_ref, W_ref, u_ref, h_ref):
    sigma = _sigma_from(W_ref[...], u_ref[...])
    h_ref[...] = jnp.dot(x_ref[...], W_ref[...] / sigma,
                         preferred_element_type=jnp.float32)


def _mm(x, W, u_r):
    return pl.pallas_call(
        _mm_body,
        out_shape=jax.ShapeDtypeStruct((N, F), jnp.float32),
    )(x, W, u_r)


def _prep_body(degp_ref, dinv_ref):
    deg = degp_ref[0] + degp_ref[1] + 1.0
    dinv_ref[...] = lax.rsqrt(deg)


def _prep(deg_parts):
    return pl.pallas_call(
        _prep_body,
        out_shape=jax.ShapeDtypeStruct((NPAD // F, F), jnp.float32),
    )(deg_parts.reshape(2, NPAD // F, F))


def _scale_body(h_ref, dinv_ref, hs_ref):
    hs_ref[...] = h_ref[...] * dinv_ref[...]


def _scale(h, dinv_col):
    return pl.pallas_call(
        _scale_body,
        out_shape=jax.ShapeDtypeStruct((N, F), jnp.float32),
    )(h, dinv_col)


def _combine1_body(p_ref, hs1_ref, dinv_ref, b_ref, Wx_ref, ux_ref,
                   z1_ref, hs2_ref):
    dinv = dinv_ref[...]
    agg = p_ref[0, pl.ds(0, N), :] + p_ref[1, pl.ds(0, N), :]
    z1 = jnp.maximum(dinv * agg + dinv * hs1_ref[...] + b_ref[...], 0.0)
    z1_ref[...] = z1
    sigma = _sigma_from(Wx_ref[...], ux_ref[...])
    h2 = jnp.dot(z1, Wx_ref[...] / sigma,
                 preferred_element_type=jnp.float32)
    hs2_ref[...] = h2 * dinv


def _combine1(p1, hs1, dinv_col, b1r, Wx, uxr):
    return pl.pallas_call(
        _combine1_body,
        out_shape=[
            jax.ShapeDtypeStruct((N, F), jnp.float32),
            jax.ShapeDtypeStruct((N, F), jnp.float32),
        ],
    )(p1, hs1, dinv_col, b1r, Wx, uxr)


def _combine2_body(p_ref, hs2_ref, z1_ref, dinv_ref, b_ref, out_ref):
    dinv = dinv_ref[...]
    agg = p_ref[0, pl.ds(0, N), :] + p_ref[1, pl.ds(0, N), :]
    z2 = jnp.maximum(dinv * agg + dinv * hs2_ref[...] + b_ref[...], 0.0)
    out_ref[...] = jnp.maximum(z1_ref[...], z2)


def _combine2(p2, hs2, z1, dinv_col, bxr):
    return pl.pallas_call(
        _combine2_body,
        out_shape=jax.ShapeDtypeStruct((N, F), jnp.float32),
    )(p2, hs2, z1, dinv_col, bxr)




def kernel(x, edge_index, W1, b1, u1, Wx, bx, ux):
    u1r = u1.reshape(1, F)
    uxr = ux.reshape(1, F)
    b1r = b1.reshape(1, F)
    bxr = bx.reshape(1, F)

    deg_parts, pk_t = _deg_pack_kernel(edge_index)
    h1 = _mm(x, W1, u1r)
    dinv_grid = _prep(deg_parts)
    dinv_col = dinv_grid.reshape(NPAD, 1)[:N]
    hs1 = _scale(h1, dinv_col)

    p1 = _scatter_kernel(hs1, pk_t)
    z1, hs2 = _combine1(p1, hs1, dinv_col, b1r, Wx, uxr)
    p2 = _scatter_kernel(hs2, pk_t)
    out = _combine2(p2, hs2, z1, dinv_col, bxr)
    return out

# --- scband reference (transcript-rebuilt; emitter-appended) ---
"""Pipeline reference for scband-jk-19928648253623 (READ-ONLY COPY).

The authoritative reference and input builder live on the scoring server;
editing this copy changes nothing except your own understanding.
"""

import jax, jax.numpy as jnp
import numpy as np

N = 10000
E = 320000
NFEAT = 128
NHID = 128


def _xavier(key, fan_in, fan_out):
    lim = float(np.sqrt(6.0 / (fan_in + fan_out)))
    return jax.random.uniform(key, (fan_in, fan_out), dtype=jnp.float32, minval=-lim, maxval=lim)


def setup_inputs(seed: int = 0) -> dict:
    key = jax.random.key(seed)
    ks = jax.random.split(key, 8)
    x = jax.random.normal(ks[0], (N, NFEAT), dtype=jnp.float32)
    edge_index = jax.random.randint(ks[1], (2, E), 0, N, dtype=jnp.int32)
    W1 = _xavier(ks[2], NFEAT, NHID)
    b1 = jnp.zeros((NHID,), dtype=jnp.float32)
    u1 = jax.random.normal(ks[3], (NFEAT,), dtype=jnp.float32)
    Wx = _xavier(ks[4], NHID, NHID)
    bx = jnp.zeros((NHID,), dtype=jnp.float32)
    ux = jax.random.normal(ks[5], (NHID,), dtype=jnp.float32)
    return {"x": x, "edge_index": edge_index, "W1": W1, "b1": b1, "u1": u1, "Wx": Wx, "bx": bx, "ux": ux}


def _spectral_sigma(W, u):
    # one power-iteration step as in torch.nn.utils.parametrizations.spectral_norm (eval-style, u/v detached)
    u = u / (jnp.linalg.norm(u) + 1e-12)
    v = W.T @ u
    v = v / (jnp.linalg.norm(v) + 1e-12)
    u2 = W @ v
    u2 = u2 / (jnp.linalg.norm(u2) + 1e-12)
    u2 = jax.lax.stop_gradient(u2)
    v = jax.lax.stop_gradient(v)
    return jnp.dot(u2, W @ v)


def _gcn_conv(x, edge_index, W, b, u):
    # spectral-normalized weight
    sigma = _spectral_sigma(W, u)
    Wn = W / sigma
    n = x.shape[0]
    src = edge_index[0]
    dst = edge_index[1]
    loop = jnp.arange(n, dtype=src.dtype)
    src = jnp.concatenate([src, loop])
    dst = jnp.concatenate([dst, loop])
    # symmetric normalization D^{-1/2} (A+I) D^{-1/2}
    deg = jnp.zeros((n,), jnp.float32).at[dst].add(1.0)
    dinv = jnp.where(deg > 0, 1.0 / jnp.sqrt(jnp.maximum(deg, 1e-12)), 0.0)
    norm = dinv[src] * dinv[dst]
    h = x @ Wn
    msg = h[src] * norm[:, None]
    out = jnp.zeros((n, h.shape[1]), jnp.float32).at[dst].add(msg)
    return out + b


def reference(x, edge_index, W1, b1, u1, Wx, bx, ux):
    xs = []
    h = _gcn_conv(x, edge_index, W1, b1, u1)
    h = jax.nn.relu(h)
    xs.append(h)
    h = _gcn_conv(h, edge_index, Wx, bx, ux)
    h = jax.nn.relu(h)
    xs.append(h)
    # JumpingKnowledge mode='max': element-wise max over layer outputs
    out = jnp.max(jnp.stack(xs, axis=0), axis=0)
    return out

if __name__ == "__main__":
    import jax
    _d = setup_inputs()
    print(jax.jit(kernel)(*tuple(_d.values())))

</pallas_src>

<mosaic_0001>
#map = affine_map<(d0, d1) -> (0, 0)>
#map1 = affine_map<(d0, d1) -> (0, 0, 0)>
module attributes {stable_mosaic.version = 14 : i64} {
  func.func @k(%arg0: i32, %arg1: i32, %arg2: memref<2x320000xi32, #tpu.memory_space<hbm>>, %arg3: memref<2x10240xf32, #tpu.memory_space<hbm>>, %arg4: memref<32x80x128xi32, #tpu.memory_space<hbm>>, %arg5: memref<10112xi32, #tpu.memory_space<vmem>>, %arg6: memref<10112xi32, #tpu.memory_space<vmem>>, %arg7: memref<80x128xi32, #tpu.memory_space<vmem>>, %arg8: memref<80x128xi32, #tpu.memory_space<vmem>>, %arg9: memref<128xf32, #tpu.memory_space<vmem>>, %arg10: memref<640xf32, #tpu.memory_space<vmem>>, %arg11: memref<10240xf32, #tpu.memory_space<vmem_shared>>, %arg12: memref<!tpu.dma_semaphore, #tpu.memory_space<semaphore_mem>>, %arg13: memref<!tpu.dma_semaphore, #tpu.memory_space<semaphore_mem>>) attributes {dimension_semantics = [#tpu.dimension_semantics<core_parallel>, #tpu.dimension_semantics<subcore_parallel>], iteration_bounds = array<i64: 2, 16>, scalar_prefetch = 0 : i64, scratch_operands = 9 : i64, tpu.core_type = #tpu.core_type<sc_vector_subcore>, window_params = [{transform_indices = #map}, {transform_indices = #map}, {transform_indices = #map1}]} {
    %mul3A = arith.constant 16 : i32
    %mul3A_0 = arith.muli %arg0, %mul3A : i32
    %add3A = arith.addi %mul3A_0, %arg1 : i32
    %jit3A = arith.constant 8 : i32
    %eq3A = arith.constant 0 : i32
    %eq3A_1 = arith.cmpi eq, %jit3A, %eq3A : i32
    %jit3A_2 = arith.constant 1 : i32
    %select_n3A = arith.select %eq3A_1, %jit3A_2, %jit3A : i32
    %rem3A = arith.remsi %add3A, %select_n3A : i32
    %ne3A = arith.constant 0 : i32
    %ne3A_3 = arith.cmpi ne, %rem3A, %ne3A : i32
    %lt3A = arith.constant 0 : i32
    %lt3A_4 = arith.cmpi slt, %rem3A, %lt3A : i32
    %lt3A_5 = arith.constant 0 : i32
    %lt3A_6 = arith.cmpi slt, %select_n3A, %lt3A_5 : i32
    %ne3A_7 = arith.xori %lt3A_4, %lt3A_6 : i1
    %and3A = arith.andi %ne3A_7, %ne3A_3 : i1
    %add3A_8 = arith.addi %rem3A, %select_n3A : i32
    %select_n3A_9 = arith.select %and3A, %add3A_8, %rem3A : i32
    %mul3A_10 = arith.constant 16 : i32
    %mul3A_11 = arith.muli %select_n3A_9, %mul3A_10 : i32
    %mul3A_12 = arith.constant 10000 : i32
    %mul3A_13 = arith.muli %add3A, %mul3A_12 : i32
    %sub3A = arith.subi %mul3A_13, %mul3A_11 : i32
    %multiple_of3A = tpu.assume_multiple %sub3A, 128 : i32
    %dma_start3A = arith.constant 0 : i32
    %dma_start3A_14 = arith.constant 0 : i32
    %dma_start3A_15 = tpu.memref_slice %arg2[%dma_start3A, %dma_start3A_14] : memref<2x320000xi32, #tpu.memory_space<hbm>> -> memref<1x320000xi32, #tpu.memory_space<hbm>>
    %dma_start3A_16 = tpu.memref_squeeze %dma_start3A_15 : memref<1x320000xi32, #tpu.memory_space<hbm>> -> memref<320000xi32, #tpu.memory_space<hbm>>
    %dma_start3A_17 = tpu.memref_slice %dma_start3A_16[%multiple_of3A] : memref<320000xi32, #tpu.memory_space<hbm>> -> memref<10112xi32, #tpu.memory_space<hbm>>
    %dma_start3A_18 = arith.constant 0 : i32
    %dma_start3A_19 = tpu.memref_slice %arg2[%dma_start3A, %dma_start3A_18] : memref<2x320000xi32, #tpu.memory_space<hbm>> -> memref<1x320000xi32, #tpu.memory_space<hbm>>
    %dma_start3A_20 = tpu.memref_squeeze %dma_start3A_19 : memref<1x320000xi32, #tpu.memory_space<hbm>> -> memref<320000xi32, #tpu.memory_space<hbm>>
    %dma_start3A_21 = tpu.memref_slice %dma_start3A_20[%multiple_of3A] : memref<320000xi32, #tpu.memory_space<hbm>> -> memref<10112xi32, #tpu.memory_space<hbm>>
    tpu.enqueue_dma source(%dma_start3A_21 : memref<10112xi32, #tpu.memory_space<hbm>>) target(%arg5 : memref<10112xi32, #tpu.memory_space<vmem>>) target_semaphore(%arg12 : memref<!tpu.dma_semaphore, #tpu.memory_space<semaphore_mem>>)
    %dma_start3A_22 = arith.constant 1 : i32
    %dma_start3A_23 = arith.constant 0 : i32
    %dma_start3A_24 = tpu.memref_slice %arg2[%dma_start3A_22, %dma_start3A_23] : memref<2x320000xi32, #tpu.memory_space<hbm>> -> memref<1x320000xi32, #tpu.memory_space<hbm>>
    %dma_start3A_25 = tpu.memref_squeeze %dma_start3A_24 : memref<1x320000xi32, #tpu.memory_space<hbm>> -> memref<320000xi32, #tpu.memory_space<hbm>>
    %dma_start3A_26 = tpu.memref_slice %dma_start3A_25[%multiple_of3A] : memref<320000xi32, #tpu.memory_space<hbm>> -> memref<10112xi32, #tpu.memory_space<hbm>>
    %dma_start3A_27 = arith.constant 0 : i32
    %dma_start3A_28 = tpu.memref_slice %arg2[%dma_start3A_22, %dma_start3A_27] : memref<2x320000xi32, #tpu.memory_space<hbm>> -> memref<1x320000xi32, #tpu.memory_space<hbm>>
    %dma_start3A_29 = tpu.memref_squeeze %dma_start3A_28 : memref<1x320000xi32, #tpu.memory_space<hbm>> -> memref<320000xi32, #tpu.memory_space<hbm>>
    %dma_start3A_30 = tpu.memref_slice %dma_start3A_29[%multiple_of3A] : memref<320000xi32, #tpu.memory_space<hbm>> -> memref<10112xi32, #tpu.memory_space<hbm>>
    tpu.enqueue_dma source(%dma_start3A_30 : memref<10112xi32, #tpu.memory_space<hbm>>) target(%arg6 : memref<10112xi32, #tpu.memory_space<vmem>>) target_semaphore(%arg13 : memref<!tpu.dma_semaphore, #tpu.memory_space<semaphore_mem>>)
    %scan3A = arith.constant 0 : i32
    %scan3A_31 = arith.constant 8 : i32
    %scan3A_32 = arith.addi %scan3A, %scan3A_31 : i32
    %scan3A_33 = arith.constant 1 : i32
    scf.for %scan3A_96 = %scan3A to %scan3A_32 step %scan3A_33  : i32 {
      %mul3A_97 = arith.constant 16 : i32
      %mul3A_98 = arith.muli %scan3A_96, %mul3A_97 : i32
      %add3A_99 = arith.constant 0 : i32
      %add3A_100 = arith.addi %add3A_99, %mul3A_98 : i32
      %broadcast_in_dim3A = arith.constant 1.000000e+00 : f32
      %broadcast_in_dim3A_101 = vector.broadcast %broadcast_in_dim3A : f32 to vector<16xf32>
      %swap3A = arith.index_cast %add3A_100 : i32 to index
      %swap3A_102 = tpu.vector_load %arg9[%swap3A] {strides = array<i32>} : memref<128xf32, #tpu.memory_space<vmem>>, vector<16xf32>,
      %swap3A_103 = vector.shape_cast %swap3A_102 : vector<16xf32> to vector<16xf32>
      %swap3A_104 = vector.shape_cast %broadcast_in_dim3A_101 : vector<16xf32> to vector<16xf32>
      tpu.vector_store %arg9[%swap3A], %swap3A_104 {strides = array<i32>} : memref<128xf32, #tpu.memory_space<vmem>>, vector<16xf32>,
    }
    %scan3A_34 = arith.constant 8 : i32
    %scan3A_35 = arith.constant 0 : i32
    %scan3A_36 = arith.constant 40 : i32
    %scan3A_37 = arith.addi %scan3A_35, %scan3A_36 : i32
    %scan3A_38 = arith.constant 1 : i32
    scf.for %scan3A_96 = %scan3A_35 to %scan3A_37 step %scan3A_38  : i32 {
      %mul3A_97 = arith.constant 16 : i32
      %mul3A_98 = arith.muli %scan3A_96, %mul3A_97 : i32
      %add3A_99 = arith.constant 0 : i32
      %add3A_100 = arith.addi %add3A_99, %mul3A_98 : i32
      %broadcast_in_dim3A = arith.constant 0.000000e+00 : f32
      %broadcast_in_dim3A_101 = vector.broadcast %broadcast_in_dim3A : f32 to vector<16xf32>
      %swap3A = arith.index_cast %add3A_100 : i32 to index
      %swap3A_102 = tpu.vector_load %arg10[%swap3A] {strides = array<i32>} : memref<640xf32, #tpu.memory_space<vmem>>, vector<16xf32>,
      %swap3A_103 = vector.shape_cast %swap3A_102 : vector<16xf32> to vector<16xf32>
      %swap3A_104 = vector.shape_cast %broadcast_in_dim3A_101 : vector<16xf32> to vector<16xf32>
      tpu.vector_store %arg10[%swap3A], %swap3A_104 {strides = array<i32>} : memref<640xf32, #tpu.memory_space<vmem>>, vector<16xf32>,
    }
    %scan3A_39 = arith.constant 40 : i32
    %mul3A_40 = arith.constant 640 : i32
    %mul3A_41 = arith.muli %arg1, %mul3A_40 : i32
    "tpu.region"() ({
      %run_scoped3A = tpu.sem_alloc : memref<!tpu.dma_semaphore, #tpu.memory_space<semaphore_mem>>
      %dma_start3A_96 = tpu.memref_slice %arg11[%mul3A_41] : memref<10240xf32, #tpu.memory_space<vmem_shared>> -> memref<640xf32, #tpu.memory_space<vmem_shared>>
      %dma_start3A_97 = tpu.memref_slice %arg11[%mul3A_41] : memref<10240xf32, #tpu.memory_space<vmem_shared>> -> memref<640xf32, #tpu.memory_space<vmem_shared>>
      tpu.enqueue_dma source(%arg10 : memref<640xf32, #tpu.memory_space<vmem>>) target(%dma_start3A_97 : memref<640xf32, #tpu.memory_space<vmem_shared>>) target_semaphore(%run_scoped3A : memref<!tpu.dma_semaphore, #tpu.memory_space<semaphore_mem>>)
      %dma_wait3A_98 = tpu.memref_slice %arg11[%mul3A_41] : memref<10240xf32, #tpu.memory_space<vmem_shared>> -> memref<640xf32, #tpu.memory_space<vmem_shared>>
      %dma_wait3A_99 = tpu.memref_slice %arg11[%mul3A_41] : memref<10240xf32, #tpu.memory_space<vmem_shared>> -> memref<640xf32, #tpu.memory_space<vmem_shared>>
      tpu.wait_dma2 semaphore(%run_scoped3A : memref<!tpu.dma_semaphore, #tpu.memory_space<semaphore_mem>>) src(%arg10 : memref<640xf32, #tpu.memory_space<vmem>>) dst(%dma_wait3A_99 : memref<640xf32, #tpu.memory_space<vmem_shared>>)
      tpu.yield
    }) : () -> ()
    %dma_wait3A = arith.constant 0 : i32
    %dma_wait3A_42 = arith.constant 0 : i32
    %dma_wait3A_43 = tpu.memref_slice %arg2[%dma_wait3A, %dma_wait3A_42] : memref<2x320000xi32, #tpu.memory_space<hbm>> -> memref<1x320000xi32, #tpu.memory_space<hbm>>
    %dma_wait3A_44 = tpu.memref_squeeze %dma_wait3A_43 : memref<1x320000xi32, #tpu.memory_space<hbm>> -> memref<320000xi32, #tpu.memory_space<hbm>>
    %dma_wait3A_45 = tpu.memref_slice %dma_wait3A_44[%multiple_of3A] : memref<320000xi32, #tpu.memory_space<hbm>> -> memref<10112xi32, #tpu.memory_space<hbm>>
    %dma_wait3A_46 = arith.constant 0 : i32
    %dma_wait3A_47 = tpu.memref_slice %arg2[%dma_wait3A, %dma_wait3A_46] : memref<2x320000xi32, #tpu.memory_space<hbm>> -> memref<1x320000xi32, #tpu.memory_space<hbm>>
    %dma_wait3A_48 = tpu.memref_squeeze %dma_wait3A_47 : memref<1x320000xi32, #tpu.memory_space<hbm>> -> memref<320000xi32, #tpu.memory_space<hbm>>
    %dma_wait3A_49 = tpu.memref_slice %dma_wait3A_48[%multiple_of3A] : memref<320000xi32, #tpu.memory_space<hbm>> -> memref<10112xi32, #tpu.memory_space<hbm>>
    tpu.wait_dma2 semaphore(%arg12 : memref<!tpu.dma_semaphore, #tpu.memory_space<semaphore_mem>>) src(%dma_wait3A_49 : memref<10112xi32, #tpu.memory_space<hbm>>) dst(%arg5 : memref<10112xi32, #tpu.memory_space<vmem>>)
    %dma_wait3A_50 = arith.constant 1 : i32
    %dma_wait3A_51 = arith.constant 0 : i32
    %dma_wait3A_52 = tpu.memref_slice %arg2[%dma_wait3A_50, %dma_wait3A_51] : memref<2x320000xi32, #tpu.memory_space<hbm>> -> memref<1x320000xi32, #tpu.memory_space<hbm>>
    %dma_wait3A_53 = tpu.memref_squeeze %dma_wait3A_52 : memref<1x320000xi32, #tpu.memory_space<hbm>> -> memref<320000xi32, #tpu.memory_space<hbm>>
    %dma_wait3A_54 = tpu.memref_slice %dma_wait3A_53[%multiple_of3A] : memref<320000xi32, #tpu.memory_space<hbm>> -> memref<10112xi32, #tpu.memory_space<hbm>>
    %dma_wait3A_55 = arith.constant 0 : i32
    %dma_wait3A_56 = tpu.memref_slice %arg2[%dma_wait3A_50, %dma_wait3A_55] : memref<2x320000xi32, #tpu.memory_space<hbm>> -> memref<1x320000xi32, #tpu.memory_space<hbm>>
    %dma_wait3A_57 = tpu.memref_squeeze %dma_wait3A_56 : memref<1x320000xi32, #tpu.memory_space<hbm>> -> memref<320000xi32, #tpu.memory_space<hbm>>
    %dma_wait3A_58 = tpu.memref_slice %dma_wait3A_57[%multiple_of3A] : memref<320000xi32, #tpu.memory_space<hbm>> -> memref<10112xi32, #tpu.memory_space<hbm>>
    tpu.wait_dma2 semaphore(%arg13 : memref<!tpu.dma_semaphore, #tpu.memory_space<semaphore_mem>>) src(%dma_wait3A_58 : memref<10112xi32, #tpu.memory_space<hbm>>) dst(%arg6 : memref<10112xi32, #tpu.memory_space<vmem>>)
    %scan3A_59 = arith.constant 0 : i32
    %scan3A_60 = arith.constant 78 : i32
    %scan3A_61 = arith.addi %scan3A_59, %scan3A_60 : i32
    %scan3A_62 = arith.constant 1 : i32
    scf.for %scan3A_96 = %scan3A_59 to %scan3A_61 step %scan3A_62  : i32 {
      %mul3A_97 = arith.constant 1 : i32
      %mul3A_98 = arith.muli %scan3A_96, %mul3A_97 : i32
      %add3A_99 = arith.constant 0 : i32
      %add3A_100 = arith.addi %add3A_99, %mul3A_98 : i32
      %scan3A_101 = arith.constant 0 : i32
      %scan3A_102 = arith.constant 8 : i32
      %scan3A_103 = arith.addi %scan3A_101, %scan3A_102 : i32
      %scan3A_104 = arith.constant 1 : i32
      scf.for %scan3A_106 = %scan3A_101 to %scan3A_103 step %scan3A_104  : i32 {
        %mul3A_107 = arith.constant 16 : i32
        %mul3A_108 = arith.muli %scan3A_106, %mul3A_107 : i32
        %add3A_109 = arith.constant 0 : i32
        %add3A_110 = arith.addi %add3A_109, %mul3A_108 : i32
        %mul3A_111 = arith.constant 128 : i32
        %mul3A_112 = arith.muli %add3A_100, %mul3A_111 : i32
        %add3A_113 = arith.addi %mul3A_11, %mul3A_112 : i32
        %add3A_114 = arith.addi %add3A_113, %add3A_110 : i32
        %get3A = arith.index_cast %add3A_114 : i32 to index
        %get3A_115 = tpu.vector_load %arg5[%get3A] {strides = array<i32>} : memref<10112xi32, #tpu.memory_space<vmem>>, vector<16xi32>,
        %get3A_116 = vector.shape_cast %get3A_115 : vector<16xi32> to vector<16xi32>
        %mul3A_117 = arith.constant 128 : i32
        %mul3A_118 = arith.muli %add3A_100, %mul3A_117 : i32
        %add3A_119 = arith.addi %mul3A_11, %mul3A_118 : i32
        %add3A_120 = arith.addi %add3A_119, %add3A_110 : i32
        %get3A_121 = arith.index_cast %add3A_120 : i32 to index
        %get3A_122 = tpu.vector_load %arg6[%get3A_121] {strides = array<i32>} : memref<10112xi32, #tpu.memory_space<vmem>>, vector<16xi32>,
        %get3A_123 = vector.shape_cast %get3A_122 : vector<16xi32> to vector<16xi32>
        %shift_left3A = arith.constant 16 : i32
        %shift_left3A_124 = vector.broadcast %shift_left3A : i32 to vector<16xi32>
        %shift_left3A_125 = arith.shli %get3A_123, %shift_left3A_124 : vector<16xi32>
        %or3A = arith.ori %shift_left3A_125, %get3A_116 : vector<16xi32>
        %swap3A = arith.index_cast %add3A_100 : i32 to index
        %swap3A_126 = arith.index_cast %add3A_110 : i32 to index
        %swap3A_127 = tpu.vector_load %arg7[%swap3A, %swap3A_126] {strides = array<i32>} : memref<80x128xi32, #tpu.memory_space<vmem>>, vector<1x16xi32>,
        %swap3A_128 = vector.shape_cast %swap3A_127 : vector<1x16xi32> to vector<16xi32>
        %swap3A_129 = vector.shape_cast %or3A : vector<16xi32> to vector<1x16xi32>
        tpu.vector_store %arg7[%swap3A, %swap3A_126], %swap3A_129 {strides = array<i32>} : memref<80x128xi32, #tpu.memory_space<vmem>>, vector<1x16xi32>,
        %swap3A_130 = arith.index_cast %add3A_100 : i32 to index
        %swap3A_131 = arith.index_cast %add3A_110 : i32 to index
        %swap3A_132 = tpu.vector_load %arg8[%swap3A_130, %swap3A_131] {strides = array<i32>} : memref<80x128xi32, #tpu.memory_space<vmem>>, vector<1x16xi32>,
        %swap3A_133 = vector.shape_cast %swap3A_132 : vector<1x16xi32> to vector<16xi32>
        %swap3A_134 = vector.shape_cast %get3A_123 : vector<16xi32> to vector<1x16xi32>
        tpu.vector_store %arg8[%swap3A_130, %swap3A_131], %swap3A_134 {strides = array<i32>} : memref<80x128xi32, #tpu.memory_space<vmem>>, vector<1x16xi32>,
      }
      %scan3A_105 = arith.constant 8 : i32
    }
    %scan3A_63 = arith.constant 78 : i32
    %iota3A = tpu.iota {dimensions = array<i32: 0>} : vector<16xi32>
    %scan3A_64 = arith.constant 0 : i32
    %scan3A_65 = arith.constant 2 : i32
    %scan3A_66 = arith.addi %scan3A_64, %scan3A_65 : i32
    %scan3A_67 = arith.constant 1 : i32
    scf.for %scan3A_96 = %scan3A_64 to %scan3A_66 step %scan3A_67  : i32 {
      %mul3A_97 = arith.constant 1 : i32
      %mul3A_98 = arith.muli %scan3A_96, %mul3A_97 : i32
      %add3A_99 = arith.constant 78 : i32
      %add3A_100 = arith.addi %add3A_99, %mul3A_98 : i32
      %scan3A_101 = arith.constant 0 : i32
      %scan3A_102 = arith.constant 8 : i32
      %scan3A_103 = arith.addi %scan3A_101, %scan3A_102 : i32
      %scan3A_104 = arith.constant 1 : i32
      scf.for %scan3A_106 = %scan3A_101 to %scan3A_103 step %scan3A_104  : i32 {
        %mul3A_107 = arith.constant 16 : i32
        %mul3A_108 = arith.muli %scan3A_106, %mul3A_107 : i32
        %add3A_109 = arith.constant 0 : i32
        %add3A_110 = arith.addi %add3A_109, %mul3A_108 : i32
        %mul3A_111 = arith.constant 128 : i32
        %mul3A_112 = arith.muli %add3A_100, %mul3A_111 : i32
        %add3A_113 = arith.addi %mul3A_112, %add3A_110 : i32
        %add3A_114 = vector.broadcast %add3A_113 : i32 to vector<16xi32>
        %add3A_115 = arith.addi %add3A_114, %iota3A : vector<16xi32>
        %jit3A_116 = arith.constant 240 : i32
        %eq3A_117 = arith.constant 0 : i32
        %eq3A_118 = arith.cmpi eq, %jit3A_116, %eq3A_117 : i32
        %jit3A_119 = arith.constant 1 : i32
        %select_n3A_120 = arith.select %eq3A_118, %jit3A_119, %jit3A_116 : i32
        %rem3A_121 = vector.broadcast %select_n3A_120 : i32 to vector<16xi32>
        %rem3A_122 = arith.remsi %add3A_115, %rem3A_121 : vector<16xi32>
        %ne3A_123 = arith.constant 0 : i32
        %ne3A_124 = vector.broadcast %ne3A_123 : i32 to vector<16xi32>
        %ne3A_125 = arith.cmpi ne, %rem3A_122, %ne3A_124 : vector<16xi32>
        %lt3A_126 = arith.constant 0 : i32
        %lt3A_127 = vector.broadcast %lt3A_126 : i32 to vector<16xi32>
        %lt3A_128 = arith.cmpi slt, %rem3A_122, %lt3A_127 : vector<16xi32>
        %lt3A_129 = arith.constant 0 : i32
        %lt3A_130 = arith.cmpi slt, %select_n3A_120, %lt3A_129 : i32
        %ne3A_131 = vector.broadcast %lt3A_130 : i1 to vector<16xi1>
        %ne3A_132 = vector.broadcast %ne3A_131 : vector<16xi1> to vector<16xi1>
        %ne3A_133 = arith.xori %lt3A_128, %ne3A_132 : vector<16xi1>
        %and3A_134 = arith.andi %ne3A_133, %ne3A_125 : vector<16xi1>
        %add3A_135 = vector.broadcast %select_n3A_120 : i32 to vector<16xi32>
        %add3A_136 = arith.addi %rem3A_122, %add3A_135 : vector<16xi32>
        %select_n3A_137 = arith.select %and3A_134, %add3A_136, %rem3A_122 : vector<16xi1>, vector<16xi32>
        %add3A_138 = arith.constant 10000 : i32
        %add3A_139 = vector.broadcast %add3A_138 : i32 to vector<16xi32>
        %add3A_140 = arith.addi %add3A_139, %select_n3A_137 : vector<16xi32>
        %add3A_141 = vector.broadcast %add3A_113 : i32 to vector<16xi32>
        %add3A_142 = arith.addi %add3A_141, %iota3A : vector<16xi32>
        %mul3A_143 = arith.constant 61 : i32
        %mul3A_144 = vector.broadcast %mul3A_143 : i32 to vector<16xi32>
        %mul3A_145 = arith.muli %add3A_142, %mul3A_144 : vector<16xi32>
        %jit3A_146 = arith.constant 10000 : i32
        %eq3A_147 = arith.constant 0 : i32
        %eq3A_148 = arith.cmpi eq, %jit3A_146, %eq3A_147 : i32
        %jit3A_149 = arith.constant 1 : i32
        %select_n3A_150 = arith.select %eq3A_148, %jit3A_149, %jit3A_146 : i32
        %rem3A_151 = vector.broadcast %select_n3A_150 : i32 to vector<16xi32>
        %rem3A_152 = arith.remsi %mul3A_145, %rem3A_151 : vector<16xi32>
        %ne3A_153 = arith.constant 0 : i32
        %ne3A_154 = vector.broadcast %ne3A_153 : i32 to vector<16xi32>
        %ne3A_155 = arith.cmpi ne, %rem3A_152, %ne3A_154 : vector<16xi32>
        %lt3A_156 = arith.constant 0 : i32
        %lt3A_157 = vector.broadcast %lt3A_156 : i32 to vector<16xi32>
        %lt3A_158 = arith.cmpi slt, %rem3A_152, %lt3A_157 : vector<16xi32>
        %lt3A_159 = arith.constant 0 : i32
        %lt3A_160 = arith.cmpi slt, %select_n3A_150, %lt3A_159 : i32
        %ne3A_161 = vector.broadcast %lt3A_160 : i1 to vector<16xi1>
        %ne3A_162 = vector.broadcast %ne3A_161 : vector<16xi1> to vector<16xi1>
        %ne3A_163 = arith.xori %lt3A_158, %ne3A_162 : vector<16xi1>
        %and3A_164 = arith.andi %ne3A_163, %ne3A_155 : vector<16xi1>
        %add3A_165 = vector.broadcast %select_n3A_150 : i32 to vector<16xi32>
        %add3A_166 = arith.addi %rem3A_152, %add3A_165 : vector<16xi32>
        %select_n3A_167 = arith.select %and3A_164, %add3A_166, %rem3A_152 : vector<16xi1>, vector<16xi32>
        %shift_left3A = arith.constant 16 : i32
        %shift_left3A_168 = vector.broadcast %shift_left3A : i32 to vector<16xi32>
        %shift_left3A_169 = arith.shli %add3A_140, %shift_left3A_168 : vector<16xi32>
        %or3A = arith.ori %shift_left3A_169, %select_n3A_167 : vector<16xi32>
        %eq3A_170 = arith.constant 78 : i32
        %eq3A_171 = arith.cmpi eq, %add3A_100, %eq3A_170 : i32
        %lt3A_172 = arith.constant 16 : i32
        %lt3A_173 = arith.cmpi slt, %add3A_110, %lt3A_172 : i32
        %and3A_174 = arith.andi %eq3A_171, %lt3A_173 : i1
        %convert_element_type3A = arith.extui %and3A_174 : i1 to i32
        %cond3A = arith.constant 0 : i32
        %cond3A_175 = arith.cmpi ne, %convert_element_type3A, %cond3A : i32
        scf.if %cond3A_175 {
          %mul3A_183 = arith.constant 128 : i32
          %mul3A_184 = arith.muli %add3A_100, %mul3A_183 : i32
          %add3A_185 = arith.addi %mul3A_11, %mul3A_184 : i32
          %add3A_186 = arith.addi %add3A_185, %add3A_110 : i32
          %get3A = arith.index_cast %add3A_186 : i32 to index
          %get3A_187 = tpu.vector_load %arg5[%get3A] {strides = array<i32>} : memref<10112xi32, #tpu.memory_space<vmem>>, vector<16xi32>,
          %get3A_188 = vector.shape_cast %get3A_187 : vector<16xi32> to vector<16xi32>
          %mul3A_189 = arith.constant 128 : i32
          %mul3A_190 = arith.muli %add3A_100, %mul3A_189 : i32
          %add3A_191 = arith.addi %mul3A_11, %mul3A_190 : i32
          %add3A_192 = arith.addi %add3A_191, %add3A_110 : i32
          %get3A_193 = arith.index_cast %add3A_192 : i32 to index
          %get3A_194 = tpu.vector_load %arg6[%get3A_193] {strides = array<i32>} : memref<10112xi32, #tpu.memory_space<vmem>>, vector<16xi32>,
          %get3A_195 = vector.shape_cast %get3A_194 : vector<16xi32> to vector<16xi32>
          %shift_left3A_196 = arith.constant 16 : i32
          %shift_left3A_197 = vector.broadcast %shift_left3A_196 : i32 to vector<16xi32>
          %shift_left3A_198 = arith.shli %get3A_195, %shift_left3A_197 : vector<16xi32>
          %or3A_199 = arith.ori %shift_left3A_198, %get3A_188 : vector<16xi32>
          %swap3A = arith.index_cast %add3A_100 : i32 to index
          %swap3A_200 = arith.index_cast %add3A_110 : i32 to index
          %swap3A_201 = tpu.vector_load %arg7[%swap3A, %swap3A_200] {strides = array<i32>} : memref<80x128xi32, #tpu.memory_space<vmem>>, vector<1x16xi32>,
          %swap3A_202 = vector.shape_cast %swap3A_201 : vector<1x16xi32> to vector<16xi32>
          %swap3A_203 = vector.shape_cast %or3A_199 : vector<16xi32> to vector<1x16xi32>
          tpu.vector_store %arg7[%swap3A, %swap3A_200], %swap3A_203 {strides = array<i32>} : memref<80x128xi32, #tpu.memory_space<vmem>>, vector<1x16xi32>,
          %swap3A_204 = arith.index_cast %add3A_100 : i32 to index
          %swap3A_205 = arith.index_cast %add3A_110 : i32 to index
          %swap3A_206 = tpu.vector_load %arg8[%swap3A_204, %swap3A_205] {strides = array<i32>} : memref<80x128xi32, #tpu.memory_space<vmem>>, vector<1x16xi32>,
          %swap3A_207 = vector.shape_cast %swap3A_206 : vector<1x16xi32> to vector<16xi32>
          %swap3A_208 = vector.shape_cast %get3A_195 : vector<16xi32> to vector<1x16xi32>
          tpu.vector_store %arg8[%swap3A_204, %swap3A_205], %swap3A_208 {strides = array<i32>} : memref<80x128xi32, #tpu.memory_space<vmem>>, vector<1x16xi32>,
        } else {
        }
        %ne3A_176 = arith.constant 78 : i32
        %ne3A_177 = arith.cmpi ne, %add3A_100, %ne3A_176 : i32
        %ge3A = arith.constant 16 : i32
        %ge3A_178 = arith.cmpi sge, %add3A_110, %ge3A : i32
        %or3A_179 = arith.ori %ne3A_177, %ge3A_178 : i1
        %convert_element_type3A_180 = arith.extui %or3A_179 : i1 to i32
        %cond3A_181 = arith.constant 0 : i32
        %cond3A_182 = arith.cmpi ne, %convert_element_type3A_180, %cond3A_181 : i32
        scf.if %cond3A_182 {
          %swap3A = arith.index_cast %add3A_100 : i32 to index
          %swap3A_183 = arith.index_cast %add3A_110 : i32 to index
          %swap3A_184 = tpu.vector_load %arg7[%swap3A, %swap3A_183] {strides = array<i32>} : memref<80x128xi32, #tpu.memory_space<vmem>>, vector<1x16xi32>,
          %swap3A_185 = vector.shape_cast %swap3A_184 : vector<1x16xi32> to vector<16xi32>
          %swap3A_186 = vector.shape_cast %or3A : vector<16xi32> to vector<1x16xi32>
          tpu.vector_store %arg7[%swap3A, %swap3A_183], %swap3A_186 {strides = array<i32>} : memref<80x128xi32, #tpu.memory_space<vmem>>, vector<1x16xi32>,
          %swap3A_187 = arith.index_cast %add3A_100 : i32 to index
          %swap3A_188 = arith.index_cast %add3A_110 : i32 to index
          %swap3A_189 = tpu.vector_load %arg8[%swap3A_187, %swap3A_188] {strides = array<i32>} : memref<80x128xi32, #tpu.memory_space<vmem>>, vector<1x16xi32>,
          %swap3A_190 = vector.shape_cast %swap3A_189 : vector<1x16xi32> to vector<16xi32>
          %swap3A_191 = vector.shape_cast %add3A_140 : vector<16xi32> to vector<1x16xi32>
          tpu.vector_store %arg8[%swap3A_187, %swap3A_188], %swap3A_191 {strides = array<i32>} : memref<80x128xi32, #tpu.memory_space<vmem>>, vector<1x16xi32>,
        } else {
        }
      }
      %scan3A_105 = arith.constant 8 : i32
    }
    %scan3A_68 = arith.constant 2 : i32
    %dma_start3A_69 = arith.constant 0 : i32
    %dma_start3A_70 = arith.constant 0 : i32
    %dma_start3A_71 = tpu.memref_slice %arg4[%add3A, %dma_start3A_69, %dma_start3A_70] : memref<32x80x128xi32, #tpu.memory_space<hbm>> -> memref<1x80x128xi32, #tpu.memory_space<hbm>>
    %dma_start3A_72 = tpu.memref_squeeze %dma_start3A_71 : memref<1x80x128xi32, #tpu.memory_space<hbm>> -> memref<80x128xi32, #tpu.memory_space<hbm>>
    %dma_start3A_73 = arith.constant 0 : i32
    %dma_start3A_74 = arith.constant 0 : i32
    %dma_start3A_75 = tpu.memref_slice %arg4[%add3A, %dma_start3A_73, %dma_start3A_74] : memref<32x80x128xi32, #tpu.memory_space<hbm>> -> memref<1x80x128xi32, #tpu.memory_space<hbm>>
    %dma_start3A_76 = tpu.memref_squeeze %dma_start3A_75 : memref<1x80x128xi32, #tpu.memory_space<hbm>> -> memref<80x128xi32, #tpu.memory_space<hbm>>
    tpu.enqueue_dma source(%arg7 : memref<80x128xi32, #tpu.memory_space<vmem>>) target(%dma_start3A_76 : memref<80x128xi32, #tpu.memory_space<hbm>>) target_semaphore(%arg12 : memref<!tpu.dma_semaphore, #tpu.memory_space<semaphore_mem>>)
    %barrier3A = arith.constant 0 : index
    tpu.barrier barrier_id(%barrier3A)
    %scan3A_77 = arith.constant 0 : i32
    %scan3A_78 = arith.constant 80 : i32
    %scan3A_79 = arith.addi %scan3A_77, %scan3A_78 : i32
    %scan3A_80 = arith.constant 1 : i32
    scf.for %scan3A_96 = %scan3A_77 to %scan3A_79 step %scan3A_80  : i32 {
      %mul3A_97 = arith.constant 1 : i32
      %mul3A_98 = arith.muli %scan3A_96, %mul3A_97 : i32
      %add3A_99 = arith.constant 0 : i32
      %add3A_100 = arith.addi %add3A_99, %mul3A_98 : i32
      %dma_start3A_101 = arith.constant 0 : i32
      %dma_start3A_102 = tpu.memref_slice %arg8[%add3A_100, %dma_start3A_101] : memref<80x128xi32, #tpu.memory_space<vmem>> -> memref<1x128xi32, #tpu.memory_space<vmem>>
      %dma_start3A_103 = tpu.memref_squeeze %dma_start3A_102 : memref<1x128xi32, #tpu.memory_space<vmem>> -> memref<128xi32, #tpu.memory_space<vmem>>
      %dma_start3A_104 = arith.constant 0 : i32
      %dma_start3A_105 = tpu.memref_slice %arg11[%dma_start3A_104] : memref<10240xf32, #tpu.memory_space<vmem_shared>> -> memref<10240xf32, #tpu.memory_space<vmem_shared>>
      tpu.enqueue_indirect_dma source(%arg9 : memref<128xf32, #tpu.memory_space<vmem>>) target(%dma_start3A_105 : memref<10240xf32, #tpu.memory_space<vmem_shared>>) offsets(%dma_start3A_103 : memref<128xi32, #tpu.memory_space<vmem>>) semaphore(%arg13 : memref<!tpu.dma_semaphore, #tpu.memory_space<semaphore_mem>>) {add = true}
    }
    %scan3A_81 = arith.constant 80 : i32
    %scan3A_82 = arith.constant 0 : i32
    %scan3A_83 = arith.constant 80 : i32
    %scan3A_84 = arith.addi %scan3A_82, %scan3A_83 : i32
    %scan3A_85 = arith.constant 1 : i32
    scf.for %scan3A_96 = %scan3A_82 to %scan3A_84 step %scan3A_85  : i32 {
      %mul3A_97 = arith.constant 1 : i32
      %mul3A_98 = arith.muli %scan3A_96, %mul3A_97 : i32
      %add3A_99 = arith.constant 0 : i32
      %add3A_100 = arith.addi %add3A_99, %mul3A_98 : i32
      %dma_wait3A_101 = arith.constant 0 : i32
      %dma_wait3A_102 = tpu.memref_slice %arg8[%add3A_100, %dma_wait3A_101] : memref<80x128xi32, #tpu.memory_space<vmem>> -> memref<1x128xi32, #tpu.memory_space<vmem>>
      %dma_wait3A_103 = tpu.memref_squeeze %dma_wait3A_102 : memref<1x128xi32, #tpu.memory_space<vmem>> -> memref<128xi32, #tpu.memory_space<vmem>>
      %dma_wait3A_104 = arith.constant 0 : i32
      %dma_wait3A_105 = tpu.memref_slice %arg11[%dma_wait3A_104] : memref<10240xf32, #tpu.memory_space<vmem_shared>> -> memref<10240xf32, #tpu.memory_space<vmem_shared>>
      tpu.wait_indirect_dma semaphore(%arg13 : memref<!tpu.dma_semaphore, #tpu.memory_space<semaphore_mem>>) src(%arg9 : memref<128xf32, #tpu.memory_space<vmem>>) dst(%dma_wait3A_105 : memref<10240xf32, #tpu.memory_space<vmem_shared>>)
    }
    %scan3A_86 = arith.constant 80 : i32
    %barrier3A_87 = arith.constant 0 : index
    tpu.barrier barrier_id(%barrier3A_87)
    "tpu.region"() ({
      %run_scoped3A = tpu.sem_alloc : memref<!tpu.dma_semaphore, #tpu.memory_space<semaphore_mem>>
      %dma_start3A_96 = arith.constant 0 : i32
      %dma_start3A_97 = tpu.memref_slice %arg3[%arg0, %dma_start3A_96] : memref<2x10240xf32, #tpu.memory_space<hbm>> -> memref<1x10240xf32, #tpu.memory_space<hbm>>
      %dma_start3A_98 = tpu.memref_squeeze %dma_start3A_97 : memref<1x10240xf32, #tpu.memory_space<hbm>> -> memref<10240xf32, #tpu.memory_space<hbm>>
      %dma_start3A_99 = tpu.memref_slice %dma_start3A_98[%mul3A_41] : memref<10240xf32, #tpu.memory_space<hbm>> -> memref<640xf32, #tpu.memory_space<hbm>>
      %dma_start3A_100 = tpu.memref_slice %arg11[%mul3A_41] : memref<10240xf32, #tpu.memory_space<vmem_shared>> -> memref<640xf32, #tpu.memory_space<vmem_shared>>
      tpu.enqueue_dma source(%dma_start3A_100 : memref<640xf32, #tpu.memory_space<vmem_shared>>) target(%dma_start3A_99 : memref<640xf32, #tpu.memory_space<hbm>>) target_semaphore(%run_scoped3A : memref<!tpu.dma_semaphore, #tpu.memory_space<semaphore_mem>>)
      %dma_wait3A_101 = arith.constant 0 : i32
      %dma_wait3A_102 = tpu.memref_slice %arg3[%arg0, %dma_wait3A_101] : memref<2x10240xf32, #tpu.memory_space<hbm>> -> memref<1x10240xf32, #tpu.memory_space<hbm>>
      %dma_wait3A_103 = tpu.memref_squeeze %dma_wait3A_102 : memref<1x10240xf32, #tpu.memory_space<hbm>> -> memref<10240xf32, #tpu.memory_space<hbm>>
      %dma_wait3A_104 = tpu.memref_slice %dma_wait3A_103[%mul3A_41] : memref<10240xf32, #tpu.memory_space<hbm>> -> memref<640xf32, #tpu.memory_space<hbm>>
      %dma_wait3A_105 = tpu.memref_slice %arg11[%mul3A_41] : memref<10240xf32, #tpu.memory_space<vmem_shared>> -> memref<640xf32, #tpu.memory_space<vmem_shared>>
      tpu.wait_dma2 semaphore(%run_scoped3A : memref<!tpu.dma_semaphore, #tpu.memory_space<semaphore_mem>>) src(%dma_wait3A_105 : memref<640xf32, #tpu.memory_space<vmem_shared>>) dst(%dma_wait3A_104 : memref<640xf32, #tpu.memory_space<hbm>>)
      tpu.yield
    }) : () -> ()
    %dma_wait3A_88 = arith.constant 0 : i32
    %dma_wait3A_89 = arith.constant 0 : i32
    %dma_wait3A_90 = tpu.memref_slice %arg4[%add3A, %dma_wait3A_88, %dma_wait3A_89] : memref<32x80x128xi32, #tpu.memory_space<hbm>> -> memref<1x80x128xi32, #tpu.memory_space<hbm>>
    %dma_wait3A_91 = tpu.memref_squeeze %dma_wait3A_90 : memref<1x80x128xi32, #tpu.memory_space<hbm>> -> memref<80x128xi32, #tpu.memory_space<hbm>>
    %dma_wait3A_92 = arith.constant 0 : i32
    %dma_wait3A_93 = arith.constant 0 : i32
    %dma_wait3A_94 = tpu.memref_slice %arg4[%add3A, %dma_wait3A_92, %dma_wait3A_93] : memref<32x80x128xi32, #tpu.memory_space<hbm>> -> memref<1x80x128xi32, #tpu.memory_space<hbm>>
    %dma_wait3A_95 = tpu.memref_squeeze %dma_wait3A_94 : memref<1x80x128xi32, #tpu.memory_space<hbm>> -> memref<80x128xi32, #tpu.memory_space<hbm>>
    tpu.wait_dma2 semaphore(%arg12 : memref<!tpu.dma_semaphore, #tpu.memory_space<semaphore_mem>>) src(%arg7 : memref<80x128xi32, #tpu.memory_space<vmem>>) dst(%dma_wait3A_95 : memref<80x128xi32, #tpu.memory_space<hbm>>)
    return
  }
}

#map = affine_map<(d0, d1) -> (0, 0)>
#map1 = affine_map<(d0, d1) -> (0, 0, 0)>
module attributes {stable_mosaic.version = 14 : i64} {
  func.func @k(%arg0: i32, %arg1: i32, %arg2: memref<10000x128xf32, #tpu.memory_space<hbm>>, %arg3: memref<32x80x128xi32, #tpu.memory_space<hbm>>, %arg4: memref<2x10240x128xf32, #tpu.memory_space<hbm>>, %arg5: memref<80x128xi32, #tpu.memory_space<vmem>>, %arg6: memref<2x128xi32, #tpu.memory_space<vmem>>, %arg7: memref<2x128xi32, #tpu.memory_space<vmem>>, %arg8: memref<128x128xf32, #tpu.memory_space<vmem>>, %arg9: memref<128x128xf32, #tpu.memory_space<vmem>>, %arg10: memref<10240x128xf32, #tpu.memory_space<vmem_shared>>, %arg11: memref<!tpu.dma_semaphore, #tpu.memory_space<semaphore_mem>>, %arg12: memref<!tpu.dma_semaphore, #tpu.memory_space<semaphore_mem>>) attributes {dimension_semantics = [#tpu.dimension_semantics<core_parallel>, #tpu.dimension_semantics<subcore_parallel>], iteration_bounds = array<i64: 2, 16>, scalar_prefetch = 0 : i64, scratch_operands = 8 : i64, tpu.core_type = #tpu.core_type<sc_vector_subcore>, window_params = [{transform_indices = #map}, {transform_indices = #map1}, {transform_indices = #map1}]} {
    %mul3A = arith.constant 16 : i32
    %mul3A_0 = arith.muli %arg0, %mul3A : i32
    %add3A = arith.addi %mul3A_0, %arg1 : i32
    "tpu.region"() ({
      %run_scoped3A = tpu.sem_alloc : memref<!tpu.dma_semaphore, #tpu.memory_space<semaphore_mem>>
      %dma_start3A_46 = arith.constant 0 : i32
      %dma_start3A_47 = arith.constant 0 : i32
      %dma_start3A_48 = tpu.memref_slice %arg3[%add3A, %dma_start3A_46, %dma_start3A_47] : memref<32x80x128xi32, #tpu.memory_space<hbm>> -> memref<1x80x128xi32, #tpu.memory_space<hbm>>
      %dma_start3A_49 = tpu.memref_squeeze %dma_start3A_48 : memref<1x80x128xi32, #tpu.memory_space<hbm>> -> memref<80x128xi32, #tpu.memory_space<hbm>>
      %dma_start3A_50 = arith.constant 0 : i32
      %dma_start3A_51 = arith.constant 0 : i32
      %dma_start3A_52 = tpu.memref_slice %arg3[%add3A, %dma_start3A_50, %dma_start3A_51] : memref<32x80x128xi32, #tpu.memory_space<hbm>> -> memref<1x80x128xi32, #tpu.memory_space<hbm>>
      %dma_start3A_53 = tpu.memref_squeeze %dma_start3A_52 : memref<1x80x128xi32, #tpu.memory_space<hbm>> -> memref<80x128xi32, #tpu.memory_space<hbm>>
      tpu.enqueue_dma source(%dma_start3A_53 : memref<80x128xi32, #tpu.memory_space<hbm>>) target(%arg5 : memref<80x128xi32, #tpu.memory_space<vmem>>) target_semaphore(%run_scoped3A : memref<!tpu.dma_semaphore, #tpu.memory_space<semaphore_mem>>)
      %dma_wait3A = arith.constant 0 : i32
      %dma_wait3A_54 = arith.constant 0 : i32
      %dma_wait3A_55 = tpu.memref_slice %arg3[%add3A, %dma_wait3A, %dma_wait3A_54] : memref<32x80x128xi32, #tpu.memory_space<hbm>> -> memref<1x80x128xi32, #tpu.memory_space<hbm>>
      %dma_wait3A_56 = tpu.memref_squeeze %dma_wait3A_55 : memref<1x80x128xi32, #tpu.memory_space<hbm>> -> memref<80x128xi32, #tpu.memory_space<hbm>>
      %dma_wait3A_57 = arith.constant 0 : i32
      %dma_wait3A_58 = arith.constant 0 : i32
      %dma_wait3A_59 = tpu.memref_slice %arg3[%add3A, %dma_wait3A_57, %dma_wait3A_58] : memref<32x80x128xi32, #tpu.memory_space<hbm>> -> memref<1x80x128xi32, #tpu.memory_space<hbm>>
      %dma_wait3A_60 = tpu.memref_squeeze %dma_wait3A_59 : memref<1x80x128xi32, #tpu.memory_space<hbm>> -> memref<80x128xi32, #tpu.memory_space<hbm>>
      tpu.wait_dma2 semaphore(%run_scoped3A : memref<!tpu.dma_semaphore, #tpu.memory_space<semaphore_mem>>) src(%dma_wait3A_60 : memref<80x128xi32, #tpu.memory_space<hbm>>) dst(%arg5 : memref<80x128xi32, #tpu.memory_space<vmem>>)
      tpu.yield
    }) : () -> ()
    %scan3A = arith.constant 0 : i32
    %scan3A_1 = arith.constant 128 : i32
    %scan3A_2 = arith.addi %scan3A, %scan3A_1 : i32
    %scan3A_3 = arith.constant 1 : i32
    scf.for %scan3A_46 = %scan3A to %scan3A_2 step %scan3A_3  : i32 {
      %mul3A_47 = arith.constant 1 : i32
      %mul3A_48 = arith.muli %scan3A_46, %mul3A_47 : i32
      %add3A_49 = arith.constant 0 : i32
      %add3A_50 = arith.addi %add3A_49, %mul3A_48 : i32
      %scan3A_51 = arith.constant 0 : i32
      %scan3A_52 = arith.constant 8 : i32
      %scan3A_53 = arith.addi %scan3A_51, %scan3A_52 : i32
      %scan3A_54 = arith.constant 1 : i32
      scf.for %scan3A_56 = %scan3A_51 to %scan3A_53 step %scan3A_54  : i32 {
        %mul3A_57 = arith.constant 16 : i32
        %mul3A_58 = arith.muli %scan3A_56, %mul3A_57 : i32
        %add3A_59 = arith.constant 0 : i32
        %add3A_60 = arith.addi %add3A_59, %mul3A_58 : i32
        %broadcast_in_dim3A = arith.constant 0.000000e+00 : f32
        %broadcast_in_dim3A_61 = vector.broadcast %broadcast_in_dim3A : f32 to vector<16xf32>
        %swap3A = arith.index_cast %add3A_50 : i32 to index
        %swap3A_62 = arith.index_cast %add3A_60 : i32 to index
        %swap3A_63 = tpu.vector_load %arg8[%swap3A, %swap3A_62] {strides = array<i32>} : memref<128x128xf32, #tpu.memory_space<vmem>>, vector<1x16xf32>,
        %swap3A_64 = vector.shape_cast %swap3A_63 : vector<1x16xf32> to vector<16xf32>
        %swap3A_65 = vector.shape_cast %broadcast_in_dim3A_61 : vector<16xf32> to vector<1x16xf32>
        tpu.vector_store %arg8[%swap3A, %swap3A_62], %swap3A_65 {strides = array<i32>} : memref<128x128xf32, #tpu.memory_space<vmem>>, vector<1x16xf32>,
      }
      %scan3A_55 = arith.constant 8 : i32
    }
    %scan3A_4 = arith.constant 128 : i32
    %mul3A_5 = arith.constant 640 : i32
    %mul3A_6 = arith.muli %arg1, %mul3A_5 : i32
    %scan3A_7 = arith.constant 0 : i32
    %scan3A_8 = arith.constant 5 : i32
    %scan3A_9 = arith.addi %scan3A_7, %scan3A_8 : i32
    %scan3A_10 = arith.constant 1 : i32
    scf.for %scan3A_46 = %scan3A_7 to %scan3A_9 step %scan3A_10  : i32 {
      %mul3A_47 = arith.constant 128 : i32
      %mul3A_48 = arith.muli %scan3A_46, %mul3A_47 : i32
      %add3A_49 = arith.constant 0 : i32
      %add3A_50 = arith.addi %add3A_49, %mul3A_48 : i32
      %add3A_51 = arith.addi %mul3A_6, %add3A_50 : i32
      "tpu.region"() ({
        %run_scoped3A = tpu.sem_alloc : memref<!tpu.dma_semaphore, #tpu.memory_space<semaphore_mem>>
        %dma_start3A_52 = arith.constant 0 : i32
        %dma_start3A_53 = tpu.memref_slice %arg10[%add3A_51, %dma_start3A_52] : memref<10240x128xf32, #tpu.memory_space<vmem_shared>> -> memref<128x128xf32, #tpu.memory_space<vmem_shared>>
        %dma_start3A_54 = arith.constant 0 : i32
        %dma_start3A_55 = tpu.memref_slice %arg10[%add3A_51, %dma_start3A_54] : memref<10240x128xf32, #tpu.memory_space<vmem_shared>> -> memref<128x128xf32, #tpu.memory_space<vmem_shared>>
        tpu.enqueue_dma source(%arg8 : memref<128x128xf32, #tpu.memory_space<vmem>>) target(%dma_start3A_55 : memref<128x128xf32, #tpu.memory_space<vmem_shared>>) target_semaphore(%run_scoped3A : memref<!tpu.dma_semaphore, #tpu.memory_space<semaphore_mem>>)
        %dma_wait3A = arith.constant 0 : i32
        %dma_wait3A_56 = tpu.memref_slice %arg10[%add3A_51, %dma_wait3A] : memref<10240x128xf32, #tpu.memory_space<vmem_shared>> -> memref<128x128xf32, #tpu.memory_space<vmem_shared>>
        %dma_wait3A_57 = arith.constant 0 : i32
        %dma_wait3A_58 = tpu.memref_slice %arg10[%add3A_51, %dma_wait3A_57] : memref<10240x128xf32, #tpu.memory_space<vmem_shared>> -> memref<128x128xf32, #tpu.memory_space<vmem_shared>>
        tpu.wait_dma2 semaphore(%run_scoped3A : memref<!tpu.dma_semaphore, #tpu.memory_space<semaphore_mem>>) src(%arg8 : memref<128x128xf32, #tpu.memory_space<vmem>>) dst(%dma_wait3A_58 : memref<128x128xf32, #tpu.memory_space<vmem_shared>>)
        tpu.yield
      }) : () -> ()
    }
    %scan3A_11 = arith.constant 5 : i32
    %barrier3A = arith.constant 0 : index
    tpu.barrier barrier_id(%barrier3A)
    %scan3A_12 = arith.constant 0 : i32
    %scan3A_13 = arith.constant 8 : i32
    %scan3A_14 = arith.addi %scan3A_12, %scan3A_13 : i32
    %scan3A_15 = arith.constant 1 : i32
    scf.for %scan3A_46 = %scan3A_12 to %scan3A_14 step %scan3A_15  : i32 {
      %mul3A_47 = arith.constant 16 : i32
      %mul3A_48 = arith.muli %scan3A_46, %mul3A_47 : i32
      %add3A_49 = arith.constant 0 : i32
      %add3A_50 = arith.addi %add3A_49, %mul3A_48 : i32
      %get3A = arith.constant 0 : i32
      %get3A_51 = arith.index_cast %get3A : i32 to index
      %get3A_52 = arith.index_cast %add3A_50 : i32 to index
      %get3A_53 = tpu.vector_load %arg5[%get3A_51, %get3A_52] {strides = array<i32>} : memref<80x128xi32, #tpu.memory_space<vmem>>, vector<1x16xi32>,
      %get3A_54 = vector.shape_cast %get3A_53 : vector<1x16xi32> to vector<16xi32>
      %and3A = arith.constant 65535 : i32
      %and3A_55 = vector.broadcast %and3A : i32 to vector<16xi32>
      %and3A_56 = arith.andi %get3A_54, %and3A_55 : vector<16xi32>
      %swap3A = arith.constant 0 : i32
      %swap3A_57 = arith.index_cast %swap3A : i32 to index
      %swap3A_58 = arith.index_cast %add3A_50 : i32 to index
      %swap3A_59 = tpu.vector_load %arg6[%swap3A_57, %swap3A_58] {strides = array<i32>} : memref<2x128xi32, #tpu.memory_space<vmem>>, vector<1x16xi32>,
      %swap3A_60 = vector.shape_cast %swap3A_59 : vector<1x16xi32> to vector<16xi32>
      %swap3A_61 = vector.shape_cast %and3A_56 : vector<16xi32> to vector<1x16xi32>
      tpu.vector_store %arg6[%swap3A_57, %swap3A_58], %swap3A_61 {strides = array<i32>} : memref<2x128xi32, #tpu.memory_space<vmem>>, vector<1x16xi32>,
    }
    %scan3A_16 = arith.constant 8 : i32
    %dma_start3A = arith.constant 0 : i32
    %dma_start3A_17 = arith.constant 0 : i32
    %dma_start3A_18 = tpu.memref_slice %arg6[%dma_start3A, %dma_start3A_17] : memref<2x128xi32, #tpu.memory_space<vmem>> -> memref<1x128xi32, #tpu.memory_space<vmem>>
    %dma_start3A_19 = tpu.memref_squeeze %dma_start3A_18 : memref<1x128xi32, #tpu.memory_space<vmem>> -> memref<128xi32, #tpu.memory_space<vmem>>
    %dma_start3A_20 = arith.constant 0 : i32
    %dma_start3A_21 = arith.constant 0 : i32
    %dma_start3A_22 = tpu.memref_slice %arg2[%dma_start3A_20, %dma_start3A_21] : memref<10000x128xf32, #tpu.memory_space<hbm>> -> memref<10000x128xf32, #tpu.memory_space<hbm>>
    tpu.enqueue_indirect_dma source(%dma_start3A_22 : memref<10000x128xf32, #tpu.memory_space<hbm>>) target(%arg8 : memref<128x128xf32, #tpu.memory_space<vmem>>) offsets(%dma_start3A_19 : memref<128xi32, #tpu.memory_space<vmem>>) semaphore(%arg11 : memref<!tpu.dma_semaphore, #tpu.memory_space<semaphore_mem>>)
    %scan3A_23 = arith.constant 0 : i32
    %scan3A_24 = arith.constant 8 : i32
    %scan3A_25 = arith.addi %scan3A_23, %scan3A_24 : i32
    %scan3A_26 = arith.constant 1 : i32
    scf.for %scan3A_46 = %scan3A_23 to %scan3A_25 step %scan3A_26  : i32 {
      %mul3A_47 = arith.constant 16 : i32
      %mul3A_48 = arith.muli %scan3A_46, %mul3A_47 : i32
      %add3A_49 = arith.constant 0 : i32
      %add3A_50 = arith.addi %add3A_49, %mul3A_48 : i32
      %get3A = arith.constant 1 : i32
      %get3A_51 = arith.index_cast %get3A : i32 to index
      %get3A_52 = arith.index_cast %add3A_50 : i32 to index
      %get3A_53 = tpu.vector_load %arg5[%get3A_51, %get3A_52] {strides = array<i32>} : memref<80x128xi32, #tpu.memory_space<vmem>>, vector<1x16xi32>,
      %get3A_54 = vector.shape_cast %get3A_53 : vector<1x16xi32> to vector<16xi32>
      %and3A = arith.constant 65535 : i32
      %and3A_55 = vector.broadcast %and3A : i32 to vector<16xi32>
      %and3A_56 = arith.andi %get3A_54, %and3A_55 : vector<16xi32>
      %swap3A = arith.constant 1 : i32
      %swap3A_57 = arith.index_cast %swap3A : i32 to index
      %swap3A_58 = arith.index_cast %add3A_50 : i32 to index
      %swap3A_59 = tpu.vector_load %arg6[%swap3A_57, %swap3A_58] {strides = array<i32>} : memref<2x128xi32, #tpu.memory_space<vmem>>, vector<1x16xi32>,
      %swap3A_60 = vector.shape_cast %swap3A_59 : vector<1x16xi32> to vector<16xi32>
      %swap3A_61 = vector.shape_cast %and3A_56 : vector<16xi32> to vector<1x16xi32>
      tpu.vector_store %arg6[%swap3A_57, %swap3A_58], %swap3A_61 {strides = array<i32>} : memref<2x128xi32, #tpu.memory_space<vmem>>, vector<1x16xi32>,
    }
    %scan3A_27 = arith.constant 8 : i32
    %dma_start3A_28 = arith.constant 1 : i32
    %dma_start3A_29 = arith.constant 0 : i32
    %dma_start3A_30 = tpu.memref_slice %arg6[%dma_start3A_28, %dma_start3A_29] : memref<2x128xi32, #tpu.memory_space<vmem>> -> memref<1x128xi32, #tpu.memory_space<vmem>>
    %dma_start3A_31 = tpu.memref_squeeze %dma_start3A_30 : memref<1x128xi32, #tpu.memory_space<vmem>> -> memref<128xi32, #tpu.memory_space<vmem>>
    %dma_start3A_32 = arith.constant 0 : i32
    %dma_start3A_33 = arith.constant 0 : i32
    %dma_start3A_34 = tpu.memref_slice %arg2[%dma_start3A_32, %dma_start3A_33] : memref<10000x128xf32, #tpu.memory_space<hbm>> -> memref<10000x128xf32, #tpu.memory_space<hbm>>
    tpu.enqueue_indirect_dma source(%dma_start3A_34 : memref<10000x128xf32, #tpu.memory_space<hbm>>) target(%arg9 : memref<128x128xf32, #tpu.memory_space<vmem>>) offsets(%dma_start3A_31 : memref<128xi32, #tpu.memory_space<vmem>>) semaphore(%arg12 : memref<!tpu.dma_semaphore, #tpu.memory_space<semaphore_mem>>)
    %scan3A_35 = arith.constant 0 : i32
    %scan3A_36 = arith.constant 40 : i32
    %scan3A_37 = arith.addi %scan3A_35, %scan3A_36 : i32
    %scan3A_38 = arith.constant 1 : i32
    scf.for %scan3A_46 = %scan3A_35 to %scan3A_37 step %scan3A_38  : i32 {
      %mul3A_47 = arith.constant 2 : i32
      %mul3A_48 = arith.muli %scan3A_46, %mul3A_47 : i32
      %add3A_49 = arith.constant 0 : i32
      %add3A_50 = arith.addi %add3A_49, %mul3A_48 : i32
      %dma_wait3A = arith.constant 0 : i32
      %dma_wait3A_51 = arith.constant 0 : i32
      %dma_wait3A_52 = tpu.memref_slice %arg6[%dma_wait3A, %dma_wait3A_51] : memref<2x128xi32, #tpu.memory_space<vmem>> -> memref<1x128xi32, #tpu.memory_space<vmem>>
      %dma_wait3A_53 = tpu.memref_squeeze %dma_wait3A_52 : memref<1x128xi32, #tpu.memory_space<vmem>> -> memref<128xi32, #tpu.memory_space<vmem>>
      %dma_wait3A_54 = arith.constant 0 : i32
      %dma_wait3A_55 = arith.constant 0 : i32
      %dma_wait3A_56 = tpu.memref_slice %arg2[%dma_wait3A_54, %dma_wait3A_55] : memref<10000x128xf32, #tpu.memory_space<hbm>> -> memref<10000x128xf32, #tpu.memory_space<hbm>>
      tpu.wait_indirect_dma semaphore(%arg11 : memref<!tpu.dma_semaphore, #tpu.memory_space<semaphore_mem>>) src(%dma_wait3A_56 : memref<10000x128xf32, #tpu.memory_space<hbm>>) dst(%arg8 : memref<128x128xf32, #tpu.memory_space<vmem>>)
      %scan3A_57 = arith.constant 0 : i32
      %scan3A_58 = arith.constant 8 : i32
      %scan3A_59 = arith.addi %scan3A_57, %scan3A_58 : i32
      %scan3A_60 = arith.constant 1 : i32
      scf.for %scan3A_88 = %scan3A_57 to %scan3A_59 step %scan3A_60  : i32 {
        %mul3A_89 = arith.constant 16 : i32
        %mul3A_90 = arith.muli %scan3A_88, %mul3A_89 : i32
        %add3A_91 = arith.constant 0 : i32
        %add3A_92 = arith.addi %add3A_91, %mul3A_90 : i32
        %get3A = arith.index_cast %add3A_50 : i32 to index
        %get3A_93 = arith.index_cast %add3A_92 : i32 to index
        %get3A_94 = tpu.vector_load %arg5[%get3A, %get3A_93] {strides = array<i32>} : memref<80x128xi32, #tpu.memory_space<vmem>>, vector<1x16xi32>,
        %get3A_95 = vector.shape_cast %get3A_94 : vector<1x16xi32> to vector<16xi32>
        %shift_right_logical3A = arith.constant 16 : i32
        %shift_right_logical3A_96 = vector.broadcast %shift_right_logical3A : i32 to vector<16xi32>
        %shift_right_logical3A_97 = arith.shrui %get3A_95, %shift_right_logical3A_96 : vector<16xi32>
        %swap3A = arith.constant 0 : i32
        %swap3A_98 = arith.index_cast %swap3A : i32 to index
        %swap3A_99 = arith.index_cast %add3A_92 : i32 to index
        %swap3A_100 = tpu.vector_load %arg7[%swap3A_98, %swap3A_99] {strides = array<i32>} : memref<2x128xi32, #tpu.memory_space<vmem>>, vector<1x16xi32>,
        %swap3A_101 = vector.shape_cast %swap3A_100 : vector<1x16xi32> to vector<16xi32>
        %swap3A_102 = vector.shape_cast %shift_right_logical3A_97 : vector<16xi32> to vector<1x16xi32>
        tpu.vector_store %arg7[%swap3A_98, %swap3A_99], %swap3A_102 {strides = array<i32>} : memref<2x128xi32, #tpu.memory_space<vmem>>, vector<1x16xi32>,
      }
      %scan3A_61 = arith.constant 8 : i32
      %run_scoped3A = arith.constant 0 : i32
      "tpu.region"() ({
        %run_scoped3A_88 = tpu.sem_alloc : memref<!tpu.dma_semaphore, #tpu.memory_space<semaphore_mem>>
        %dma_start3A_89 = arith.constant 0 : i32
        %dma_start3A_90 = tpu.memref_slice %arg7[%run_scoped3A, %dma_start3A_89] : memref<2x128xi32, #tpu.memory_space<vmem>> -> memref<1x128xi32, #tpu.memory_space<vmem>>
        %dma_start3A_91 = tpu.memref_squeeze %dma_start3A_90 : memref<1x128xi32, #tpu.memory_space<vmem>> -> memref<128xi32, #tpu.memory_space<vmem>>
        %dma_start3A_92 = arith.constant 0 : i32
        %dma_start3A_93 = arith.constant 0 : i32
        %dma_start3A_94 = tpu.memref_slice %arg10[%dma_start3A_92, %dma_start3A_93] : memref<10240x128xf32, #tpu.memory_space<vmem_shared>> -> memref<10240x128xf32, #tpu.memory_space<vmem_shared>>
        tpu.enqueue_indirect_dma source(%arg8 : memref<128x128xf32, #tpu.memory_space<vmem>>) target(%dma_start3A_94 : memref<10240x128xf32, #tpu.memory_space<vmem_shared>>) offsets(%dma_start3A_91 : memref<128xi32, #tpu.memory_space<vmem>>) semaphore(%run_scoped3A_88 : memref<!tpu.dma_semaphore, #tpu.memory_space<semaphore_mem>>) {add = true}
        %dma_wait3A_95 = arith.constant 0 : i32
        %dma_wait3A_96 = tpu.memref_slice %arg7[%run_scoped3A, %dma_wait3A_95] : memref<2x128xi32, #tpu.memory_space<vmem>> -> memref<1x128xi32, #tpu.memory_space<vmem>>
        %dma_wait3A_97 = tpu.memref_squeeze %dma_wait3A_96 : memref<1x128xi32, #tpu.memory_space<vmem>> -> memref<128xi32, #tpu.memory_space<vmem>>
        %dma_wait3A_98 = arith.constant 0 : i32
        %dma_wait3A_99 = arith.constant 0 : i32
        %dma_wait3A_100 = tpu.memref_slice %arg10[%dma_wait3A_98, %dma_wait3A_99] : memref<10240x128xf32, #tpu.memory_space<vmem_shared>> -> memref<10240x128xf32, #tpu.memory_space<vmem_shared>>
        tpu.wait_indirect_dma semaphore(%run_scoped3A_88 : memref<!tpu.dma_semaphore, #tpu.memory_space<semaphore_mem>>) src(%arg8 : memref<128x128xf32, #tpu.memory_space<vmem>>) dst(%dma_wait3A_100 : memref<10240x128xf32, #tpu.memory_space<vmem_shared>>)
        tpu.yield
      }) : () -> ()
      %add3A_62 = arith.constant 2 : i32
      %add3A_63 = arith.addi %add3A_50, %add3A_62 : i32
      %lt3A = arith.constant 80 : i32
      %lt3A_64 = arith.cmpi slt, %add3A_63, %lt3A : i32
      %convert_element_type3A = arith.extui %lt3A_64 : i1 to i32
      %cond3A = arith.constant 0 : i32
      %cond3A_65 = arith.cmpi ne, %convert_element_type3A, %cond3A : i32
      scf.if %cond3A_65 {
        %add3A_88 = arith.constant 2 : i32
        %add3A_89 = arith.addi %add3A_50, %add3A_88 : i32
        %scan3A_90 = arith.constant 0 : i32
        %scan3A_91 = arith.constant 8 : i32
        %scan3A_92 = arith.addi %scan3A_90, %scan3A_91 : i32
        %scan3A_93 = arith.constant 1 : i32
        scf.for %scan3A_102 = %scan3A_90 to %scan3A_92 step %scan3A_93  : i32 {
          %mul3A_103 = arith.constant 16 : i32
          %mul3A_104 = arith.muli %scan3A_102, %mul3A_103 : i32
          %add3A_105 = arith.constant 0 : i32
          %add3A_106 = arith.addi %add3A_105, %mul3A_104 : i32
          %get3A = arith.index_cast %add3A_89 : i32 to index
          %get3A_107 = arith.index_cast %add3A_106 : i32 to index
          %get3A_108 = tpu.vector_load %arg5[%get3A, %get3A_107] {strides = array<i32>} : memref<80x128xi32, #tpu.memory_space<vmem>>, vector<1x16xi32>,
          %get3A_109 = vector.shape_cast %get3A_108 : vector<1x16xi32> to vector<16xi32>
          %and3A = arith.constant 65535 : i32
          %and3A_110 = vector.broadcast %and3A : i32 to vector<16xi32>
          %and3A_111 = arith.andi %get3A_109, %and3A_110 : vector<16xi32>
          %swap3A = arith.constant 0 : i32
          %swap3A_112 = arith.index_cast %swap3A : i32 to index
          %swap3A_113 = arith.index_cast %add3A_106 : i32 to index
          %swap3A_114 = tpu.vector_load %arg6[%swap3A_112, %swap3A_113] {strides = array<i32>} : memref<2x128xi32, #tpu.memory_space<vmem>>, vector<1x16xi32>,
          %swap3A_115 = vector.shape_cast %swap3A_114 : vector<1x16xi32> to vector<16xi32>
          %swap3A_116 = vector.shape_cast %and3A_111 : vector<16xi32> to vector<1x16xi32>
          tpu.vector_store %arg6[%swap3A_112, %swap3A_113], %swap3A_116 {strides = array<i32>} : memref<2x128xi32, #tpu.memory_space<vmem>>, vector<1x16xi32>,
        }
        %scan3A_94 = arith.constant 8 : i32
        %dma_start3A_95 = arith.constant 0 : i32
        %dma_start3A_96 = arith.constant 0 : i32
        %dma_start3A_97 = tpu.memref_slice %arg6[%dma_start3A_95, %dma_start3A_96] : memref<2x128xi32, #tpu.memory_space<vmem>> -> memref<1x128xi32, #tpu.memory_space<vmem>>
        %dma_start3A_98 = tpu.memref_squeeze %dma_start3A_97 : memref<1x128xi32, #tpu.memory_space<vmem>> -> memref<128xi32, #tpu.memory_space<vmem>>
        %dma_start3A_99 = arith.constant 0 : i32
        %dma_start3A_100 = arith.constant 0 : i32
        %dma_start3A_101 = tpu.memref_slice %arg2[%dma_start3A_99, %dma_start3A_100] : memref<10000x128xf32, #tpu.memory_space<hbm>> -> memref<10000x128xf32, #tpu.memory_space<hbm>>
        tpu.enqueue_indirect_dma source(%dma_start3A_101 : memref<10000x128xf32, #tpu.memory_space<hbm>>) target(%arg8 : memref<128x128xf32, #tpu.memory_space<vmem>>) offsets(%dma_start3A_98 : memref<128xi32, #tpu.memory_space<vmem>>) semaphore(%arg11 : memref<!tpu.dma_semaphore, #tpu.memory_space<semaphore_mem>>)
      } else {
      }
      %dma_wait3A_66 = arith.constant 1 : i32
      %dma_wait3A_67 = arith.constant 0 : i32
      %dma_wait3A_68 = tpu.memref_slice %arg6[%dma_wait3A_66, %dma_wait3A_67] : memref<2x128xi32, #tpu.memory_space<vmem>> -> memref<1x128xi32, #tpu.memory_space<vmem>>
      %dma_wait3A_69 = tpu.memref_squeeze %dma_wait3A_68 : memref<1x128xi32, #tpu.memory_space<vmem>> -> memref<128xi32, #tpu.memory_space<vmem>>
      %dma_wait3A_70 = arith.constant 0 : i32
      %dma_wait3A_71 = arith.constant 0 : i32
      %dma_wait3A_72 = tpu.memref_slice %arg2[%dma_wait3A_70, %dma_wait3A_71] : memref<10000x128xf32, #tpu.memory_space<hbm>> -> memref<10000x128xf32, #tpu.memory_space<hbm>>
      tpu.wait_indirect_dma semaphore(%arg12 : memref<!tpu.dma_semaphore, #tpu.memory_space<semaphore_mem>>) src(%dma_wait3A_72 : memref<10000x128xf32, #tpu.memory_space<hbm>>) dst(%arg9 : memref<128x128xf32, #tpu.memory_space<vmem>>)
      %add3A_73 = arith.constant 1 : i32
      %add3A_74 = arith.addi %add3A_50, %add3A_73 : i32
      %scan3A_75 = arith.constant 0 : i32
      %scan3A_76 = arith.constant 8 : i32
      %scan3A_77 = arith.addi %scan3A_75, %scan3A_76 : i32
      %scan3A_78 = arith.constant 1 : i32
      scf.for %scan3A_88 = %scan3A_75 to %scan3A_77 step %scan3A_78  : i32 {
        %mul3A_89 = arith.constant 16 : i32
        %mul3A_90 = arith.muli %scan3A_88, %mul3A_89 : i32
        %add3A_91 = arith.constant 0 : i32
        %add3A_92 = arith.addi %add3A_91, %mul3A_90 : i32
        %get3A = arith.index_cast %add3A_74 : i32 to index
        %get3A_93 = arith.index_cast %add3A_92 : i32 to index
        %get3A_94 = tpu.vector_load %arg5[%get3A, %get3A_93] {strides = array<i32>} : memref<80x128xi32, #tpu.memory_space<vmem>>, vector<1x16xi32>,
        %get3A_95 = vector.shape_cast %get3A_94 : vector<1x16xi32> to vector<16xi32>
        %shift_right_logical3A = arith.constant 16 : i32
        %shift_right_logical3A_96 = vector.broadcast %shift_right_logical3A : i32 to vector<16xi32>
        %shift_right_logical3A_97 = arith.shrui %get3A_95, %shift_right_logical3A_96 : vector<16xi32>
        %swap3A = arith.constant 1 : i32
        %swap3A_98 = arith.index_cast %swap3A : i32 to index
        %swap3A_99 = arith.index_cast %add3A_92 : i32 to index
        %swap3A_100 = tpu.vector_load %arg7[%swap3A_98, %swap3A_99] {strides = array<i32>} : memref<2x128xi32, #tpu.memory_space<vmem>>, vector<1x16xi32>,
        %swap3A_101 = vector.shape_cast %swap3A_100 : vector<1x16xi32> to vector<16xi32>
        %swap3A_102 = vector.shape_cast %shift_right_logical3A_97 : vector<16xi32> to vector<1x16xi32>
        tpu.vector_store %arg7[%swap3A_98, %swap3A_99], %swap3A_102 {strides = array<i32>} : memref<2x128xi32, #tpu.memory_space<vmem>>, vector<1x16xi32>,
      }
      %scan3A_79 = arith.constant 8 : i32
      %run_scoped3A_80 = arith.constant 1 : i32
      "tpu.region"() ({
        %run_scoped3A_88 = tpu.sem_alloc : memref<!tpu.dma_semaphore, #tpu.memory_space<semaphore_mem>>
        %dma_start3A_89 = arith.constant 0 : i32
        %dma_start3A_90 = tpu.memref_slice %arg7[%run_scoped3A_80, %dma_start3A_89] : memref<2x128xi32, #tpu.memory_space<vmem>> -> memref<1x128xi32, #tpu.memory_space<vmem>>
        %dma_start3A_91 = tpu.memref_squeeze %dma_start3A_90 : memref<1x128xi32, #tpu.memory_space<vmem>> -> memref<128xi32, #tpu.memory_space<vmem>>
        %dma_start3A_92 = arith.constant 0 : i32
        %dma_start3A_93 = arith.constant 0 : i32
        %dma_start3A_94 = tpu.memref_slice %arg10[%dma_start3A_92, %dma_start3A_93] : memref<10240x128xf32, #tpu.memory_space<vmem_shared>> -> memref<10240x128xf32, #tpu.memory_space<vmem_shared>>
        tpu.enqueue_indirect_dma source(%arg9 : memref<128x128xf32, #tpu.memory_space<vmem>>) target(%dma_start3A_94 : memref<10240x128xf32, #tpu.memory_space<vmem_shared>>) offsets(%dma_start3A_91 : memref<128xi32, #tpu.memory_space<vmem>>) semaphore(%run_scoped3A_88 : memref<!tpu.dma_semaphore, #tpu.memory_space<semaphore_mem>>) {add = true}
        %dma_wait3A_95 = arith.constant 0 : i32
        %dma_wait3A_96 = tpu.memref_slice %arg7[%run_scoped3A_80, %dma_wait3A_95] : memref<2x128xi32, #tpu.memory_space<vmem>> -> memref<1x128xi32, #tpu.memory_space<vmem>>
        %dma_wait3A_97 = tpu.memref_squeeze %dma_wait3A_96 : memref<1x128xi32, #tpu.memory_space<vmem>> -> memref<128xi32, #tpu.memory_space<vmem>>
        %dma_wait3A_98 = arith.constant 0 : i32
        %dma_wait3A_99 = arith.constant 0 : i32
        %dma_wait3A_100 = tpu.memref_slice %arg10[%dma_wait3A_98, %dma_wait3A_99] : memref<10240x128xf32, #tpu.memory_space<vmem_shared>> -> memref<10240x128xf32, #tpu.memory_space<vmem_shared>>
        tpu.wait_indirect_dma semaphore(%run_scoped3A_88 : memref<!tpu.dma_semaphore, #tpu.memory_space<semaphore_mem>>) src(%arg9 : memref<128x128xf32, #tpu.memory_space<vmem>>) dst(%dma_wait3A_100 : memref<10240x128xf32, #tpu.memory_space<vmem_shared>>)
        tpu.yield
      }) : () -> ()
      %add3A_81 = arith.constant 3 : i32
      %add3A_82 = arith.addi %add3A_50, %add3A_81 : i32
      %lt3A_83 = arith.constant 80 : i32
      %lt3A_84 = arith.cmpi slt, %add3A_82, %lt3A_83 : i32
      %convert_element_type3A_85 = arith.extui %lt3A_84 : i1 to i32
      %cond3A_86 = arith.constant 0 : i32
      %cond3A_87 = arith.cmpi ne, %convert_element_type3A_85, %cond3A_86 : i32
      scf.if %cond3A_87 {
        %add3A_88 = arith.constant 3 : i32
        %add3A_89 = arith.addi %add3A_50, %add3A_88 : i32
        %scan3A_90 = arith.constant 0 : i32
        %scan3A_91 = arith.constant 8 : i32
        %scan3A_92 = arith.addi %scan3A_90, %scan3A_91 : i32
        %scan3A_93 = arith.constant 1 : i32
        scf.for %scan3A_102 = %scan3A_90 to %scan3A_92 step %scan3A_93  : i32 {
          %mul3A_103 = arith.constant 16 : i32
          %mul3A_104 = arith.muli %scan3A_102, %mul3A_103 : i32
          %add3A_105 = arith.constant 0 : i32
          %add3A_106 = arith.addi %add3A_105, %mul3A_104 : i32
          %get3A = arith.index_cast %add3A_89 : i32 to index
          %get3A_107 = arith.index_cast %add3A_106 : i32 to index
          %get3A_108 = tpu.vector_load %arg5[%get3A, %get3A_107] {strides = array<i32>} : memref<80x128xi32, #tpu.memory_space<vmem>>, vector<1x16xi32>,
          %get3A_109 = vector.shape_cast %get3A_108 : vector<1x16xi32> to vector<16xi32>
          %and3A = arith.constant 65535 : i32
          %and3A_110 = vector.broadcast %and3A : i32 to vector<16xi32>
          %and3A_111 = arith.andi %get3A_109, %and3A_110 : vector<16xi32>
          %swap3A = arith.constant 1 : i32
          %swap3A_112 = arith.index_cast %swap3A : i32 to index
          %swap3A_113 = arith.index_cast %add3A_106 : i32 to index
          %swap3A_114 = tpu.vector_load %arg6[%swap3A_112, %swap3A_113] {strides = array<i32>} : memref<2x128xi32, #tpu.memory_space<vmem>>, vector<1x16xi32>,
          %swap3A_115 = vector.shape_cast %swap3A_114 : vector<1x16xi32> to vector<16xi32>
          %swap3A_116 = vector.shape_cast %and3A_111 : vector<16xi32> to vector<1x16xi32>
          tpu.vector_store %arg6[%swap3A_112, %swap3A_113], %swap3A_116 {strides = array<i32>} : memref<2x128xi32, #tpu.memory_space<vmem>>, vector<1x16xi32>,
        }
        %scan3A_94 = arith.constant 8 : i32
        %dma_start3A_95 = arith.constant 1 : i32
        %dma_start3A_96 = arith.constant 0 : i32
        %dma_start3A_97 = tpu.memref_slice %arg6[%dma_start3A_95, %dma_start3A_96] : memref<2x128xi32, #tpu.memory_space<vmem>> -> memref<1x128xi32, #tpu.memory_space<vmem>>
        %dma_start3A_98 = tpu.memref_squeeze %dma_start3A_97 : memref<1x128xi32, #tpu.memory_space<vmem>> -> memref<128xi32, #tpu.memory_space<vmem>>
        %dma_start3A_99 = arith.constant 0 : i32
        %dma_start3A_100 = arith.constant 0 : i32
        %dma_start3A_101 = tpu.memref_slice %arg2[%dma_start3A_99, %dma_start3A_100] : memref<10000x128xf32, #tpu.memory_space<hbm>> -> memref<10000x128xf32, #tpu.memory_space<hbm>>
        tpu.enqueue_indirect_dma source(%dma_start3A_101 : memref<10000x128xf32, #tpu.memory_space<hbm>>) target(%arg9 : memref<128x128xf32, #tpu.memory_space<vmem>>) offsets(%dma_start3A_98 : memref<128xi32, #tpu.memory_space<vmem>>) semaphore(%arg12 : memref<!tpu.dma_semaphore, #tpu.memory_space<semaphore_mem>>)
      } else {
      }
    }
    %scan3A_39 = arith.constant 40 : i32
    %barrier3A_40 = arith.constant 0 : index
    tpu.barrier barrier_id(%barrier3A_40)
    %scan3A_41 = arith.constant 0 : i32
    %scan3A_42 = arith.constant 5 : i32
    %scan3A_43 = arith.addi %scan3A_41, %scan3A_42 : i32
    %scan3A_44 = arith.constant 1 : i32
    scf.for %scan3A_46 = %scan3A_41 to %scan3A_43 step %scan3A_44  : i32 {
      %mul3A_47 = arith.constant 128 : i32
      %mul3A_48 = arith.muli %scan3A_46, %mul3A_47 : i32
      %add3A_49 = arith.constant 0 : i32
      %add3A_50 = arith.addi %add3A_49, %mul3A_48 : i32
      %add3A_51 = arith.addi %mul3A_6, %add3A_50 : i32
      %add3A_52 = arith.addi %mul3A_6, %add3A_50 : i32
      "tpu.region"() ({
        %run_scoped3A = tpu.sem_alloc : memref<!tpu.dma_semaphore, #tpu.memory_space<semaphore_mem>>
        %dma_start3A_53 = arith.constant 0 : i32
        %dma_start3A_54 = arith.constant 0 : i32
        %dma_start3A_55 = tpu.memref_slice %arg4[%arg0, %dma_start3A_53, %dma_start3A_54] : memref<2x10240x128xf32, #tpu.memory_space<hbm>> -> memref<1x10240x128xf32, #tpu.memory_space<hbm>>
        %dma_start3A_56 = tpu.memref_squeeze %dma_start3A_55 : memref<1x10240x128xf32, #tpu.memory_space<hbm>> -> memref<10240x128xf32, #tpu.memory_space<hbm>>
        %dma_start3A_57 = arith.constant 0 : i32
        %dma_start3A_58 = tpu.memref_slice %dma_start3A_56[%add3A_52, %dma_start3A_57] : memref<10240x128xf32, #tpu.memory_space<hbm>> -> memref<128x128xf32, #tpu.memory_space<hbm>>
        %dma_start3A_59 = arith.constant 0 : i32
        %dma_start3A_60 = tpu.memref_slice %arg10[%add3A_51, %dma_start3A_59] : memref<10240x128xf32, #tpu.memory_space<vmem_shared>> -> memref<128x128xf32, #tpu.memory_space<vmem_shared>>
        tpu.enqueue_dma source(%dma_start3A_60 : memref<128x128xf32, #tpu.memory_space<vmem_shared>>) target(%dma_start3A_58 : memref<128x128xf32, #tpu.memory_space<hbm>>) target_semaphore(%run_scoped3A : memref<!tpu.dma_semaphore, #tpu.memory_space<semaphore_mem>>)
        %dma_wait3A = arith.constant 0 : i32
        %dma_wait3A_61 = arith.constant 0 : i32
        %dma_wait3A_62 = tpu.memref_slice %arg4[%arg0, %dma_wait3A, %dma_wait3A_61] : memref<2x10240x128xf32, #tpu.memory_space<hbm>> -> memref<1x10240x128xf32, #tpu.memory_space<hbm>>
        %dma_wait3A_63 = tpu.memref_squeeze %dma_wait3A_62 : memref<1x10240x128xf32, #tpu.memory_space<hbm>> -> memref<10240x128xf32, #tpu.memory_space<hbm>>
        %dma_wait3A_64 = arith.constant 0 : i32
        %dma_wait3A_65 = tpu.memref_slice %dma_wait3A_63[%add3A_52, %dma_wait3A_64] : memref<10240x128xf32, #tpu.memory_space<hbm>> -> memref<128x128xf32, #tpu.memory_space<hbm>>
        %dma_wait3A_66 = arith.constant 0 : i32
        %dma_wait3A_67 = tpu.memref_slice %arg10[%add3A_51, %dma_wait3A_66] : memref<10240x128xf32, #tpu.memory_space<vmem_shared>> -> memref<128x128xf32, #tpu.memory_space<vmem_shared>>
        tpu.wait_dma2 semaphore(%run_scoped3A : memref<!tpu.dma_semaphore, #tpu.memory_space<semaphore_mem>>) src(%dma_wait3A_67 : memref<128x128xf32, #tpu.memory_space<vmem_shared>>) dst(%dma_wait3A_65 : memref<128x128xf32, #tpu.memory_space<hbm>>)
        tpu.yield
      }) : () -> ()
    }
    %scan3A_45 = arith.constant 5 : i32
    return
  }
}

#map = affine_map<(d0, d1) -> (0, 0)>
#map1 = affine_map<(d0, d1) -> (0, 0, 0)>
module attributes {stable_mosaic.version = 14 : i64} {
  func.func @k(%arg0: i32, %arg1: i32, %arg2: memref<10000x128xf32, #tpu.memory_space<hbm>>, %arg3: memref<32x80x128xi32, #tpu.memory_space<hbm>>, %arg4: memref<2x10240x128xf32, #tpu.memory_space<hbm>>, %arg5: memref<80x128xi32, #tpu.memory_space<vmem>>, %arg6: memref<2x128xi32, #tpu.memory_space<vmem>>, %arg7: memref<2x128xi32, #tpu.memory_space<vmem>>, %arg8: memref<128x128xf32, #tpu.memory_space<vmem>>, %arg9: memref<128x128xf32, #tpu.memory_space<vmem>>, %arg10: memref<10240x128xf32, #tpu.memory_space<vmem_shared>>, %arg11: memref<!tpu.dma_semaphore, #tpu.memory_space<semaphore_mem>>, %arg12: memref<!tpu.dma_semaphore, #tpu.memory_space<semaphore_mem>>) attributes {dimension_semantics = [#tpu.dimension_semantics<core_parallel>, #tpu.dimension_semantics<subcore_parallel>], iteration_bounds = array<i64: 2, 16>, scalar_prefetch = 0 : i64, scratch_operands = 8 : i64, tpu.core_type = #tpu.core_type<sc_vector_subcore>, window_params = [{transform_indices = #map}, {transform_indices = #map1}, {transform_indices = #map1}]} {
    %mul3A = arith.constant 16 : i32
    %mul3A_0 = arith.muli %arg0, %mul3A : i32
    %add3A = arith.addi %mul3A_0, %arg1 : i32
    "tpu.region"() ({
      %run_scoped3A = tpu.sem_alloc : memref<!tpu.dma_semaphore, #tpu.memory_space<semaphore_mem>>
      %dma_start3A_46 = arith.constant 0 : i32
      %dma_start3A_47 = arith.constant 0 : i32
      %dma_start3A_48 = tpu.memref_slice %arg3[%add3A, %dma_start3A_46, %dma_start3A_47] : memref<32x80x128xi32, #tpu.memory_space<hbm>> -> memref<1x80x128xi32, #tpu.memory_space<hbm>>
      %dma_start3A_49 = tpu.memref_squeeze %dma_start3A_48 : memref<1x80x128xi32, #tpu.memory_space<hbm>> -> memref<80x128xi32, #tpu.memory_space<hbm>>
      %dma_start3A_50 = arith.constant 0 : i32
      %dma_start3A_51 = arith.constant 0 : i32
      %dma_start3A_52 = tpu.memref_slice %arg3[%add3A, %dma_start3A_50, %dma_start3A_51] : memref<32x80x128xi32, #tpu.memory_space<hbm>> -> memref<1x80x128xi32, #tpu.memory_space<hbm>>
      %dma_start3A_53 = tpu.memref_squeeze %dma_start3A_52 : memref<1x80x128xi32, #tpu.memory_space<hbm>> -> memref<80x128xi32, #tpu.memory_space<hbm>>
      tpu.enqueue_dma source(%dma_start3A_53 : memref<80x128xi32, #tpu.memory_space<hbm>>) target(%arg5 : memref<80x128xi32, #tpu.memory_space<vmem>>) target_semaphore(%run_scoped3A : memref<!tpu.dma_semaphore, #tpu.memory_space<semaphore_mem>>)
      %dma_wait3A = arith.constant 0 : i32
      %dma_wait3A_54 = arith.constant 0 : i32
      %dma_wait3A_55 = tpu.memref_slice %arg3[%add3A, %dma_wait3A, %dma_wait3A_54] : memref<32x80x128xi32, #tpu.memory_space<hbm>> -> memref<1x80x128xi32, #tpu.memory_space<hbm>>
      %dma_wait3A_56 = tpu.memref_squeeze %dma_wait3A_55 : memref<1x80x128xi32, #tpu.memory_space<hbm>> -> memref<80x128xi32, #tpu.memory_space<hbm>>
      %dma_wait3A_57 = arith.constant 0 : i32
      %dma_wait3A_58 = arith.constant 0 : i32
      %dma_wait3A_59 = tpu.memref_slice %arg3[%add3A, %dma_wait3A_57, %dma_wait3A_58] : memref<32x80x128xi32, #tpu.memory_space<hbm>> -> memref<1x80x128xi32, #tpu.memory_space<hbm>>
      %dma_wait3A_60 = tpu.memref_squeeze %dma_wait3A_59 : memref<1x80x128xi32, #tpu.memory_space<hbm>> -> memref<80x128xi32, #tpu.memory_space<hbm>>
      tpu.wait_dma2 semaphore(%run_scoped3A : memref<!tpu.dma_semaphore, #tpu.memory_space<semaphore_mem>>) src(%dma_wait3A_60 : memref<80x128xi32, #tpu.memory_space<hbm>>) dst(%arg5 : memref<80x128xi32, #tpu.memory_space<vmem>>)
      tpu.yield
    }) : () -> ()
    %scan3A = arith.constant 0 : i32
    %scan3A_1 = arith.constant 128 : i32
    %scan3A_2 = arith.addi %scan3A, %scan3A_1 : i32
    %scan3A_3 = arith.constant 1 : i32
    scf.for %scan3A_46 = %scan3A to %scan3A_2 step %scan3A_3  : i32 {
      %mul3A_47 = arith.constant 1 : i32
      %mul3A_48 = arith.muli %scan3A_46, %mul3A_47 : i32
      %add3A_49 = arith.constant 0 : i32
      %add3A_50 = arith.addi %add3A_49, %mul3A_48 : i32
      %scan3A_51 = arith.constant 0 : i32
      %scan3A_52 = arith.constant 8 : i32
      %scan3A_53 = arith.addi %scan3A_51, %scan3A_52 : i32
      %scan3A_54 = arith.constant 1 : i32
      scf.for %scan3A_56 = %scan3A_51 to %scan3A_53 step %scan3A_54  : i32 {
        %mul3A_57 = arith.constant 16 : i32
        %mul3A_58 = arith.muli %scan3A_56, %mul3A_57 : i32
        %add3A_59 = arith.constant 0 : i32
        %add3A_60 = arith.addi %add3A_59, %mul3A_58 : i32
        %broadcast_in_dim3A = arith.constant 0.000000e+00 : f32
        %broadcast_in_dim3A_61 = vector.broadcast %broadcast_in_dim3A : f32 to vector<16xf32>
        %swap3A = arith.index_cast %add3A_50 : i32 to index
        %swap3A_62 = arith.index_cast %add3A_60 : i32 to index
        %swap3A_63 = tpu.vector_load %arg8[%swap3A, %swap3A_62] {strides = array<i32>} : memref<128x128xf32, #tpu.memory_space<vmem>>, vector<1x16xf32>,
        %swap3A_64 = vector.shape_cast %swap3A_63 : vector<1x16xf32> to vector<16xf32>
        %swap3A_65 = vector.shape_cast %broadcast_in_dim3A_61 : vector<16xf32> to vector<1x16xf32>
        tpu.vector_store %arg8[%swap3A, %swap3A_62], %swap3A_65 {strides = array<i32>} : memref<128x128xf32, #tpu.memory_space<vmem>>, vector<1x16xf32>,
      }
      %scan3A_55 = arith.constant 8 : i32
    }
    %scan3A_4 = arith.constant 128 : i32
    %mul3A_5 = arith.constant 640 : i32
    %mul3A_6 = arith.muli %arg1, %mul3A_5 : i32
    %scan3A_7 = arith.constant 0 : i32
    %scan3A_8 = arith.constant 5 : i32
    %scan3A_9 = arith.addi %scan3A_7, %scan3A_8 : i32
    %scan3A_10 = arith.constant 1 : i32
    scf.for %scan3A_46 = %scan3A_7 to %scan3A_9 step %scan3A_10  : i32 {
      %mul3A_47 = arith.constant 128 : i32
      %mul3A_48 = arith.muli %scan3A_46, %mul3A_47 : i32
      %add3A_49 = arith.constant 0 : i32
      %add3A_50 = arith.addi %add3A_49, %mul3A_48 : i32
      %add3A_51 = arith.addi %mul3A_6, %add3A_50 : i32
      "tpu.region"() ({
        %run_scoped3A = tpu.sem_alloc : memref<!tpu.dma_semaphore, #tpu.memory_space<semaphore_mem>>
        %dma_start3A_52 = arith.constant 0 : i32
        %dma_start3A_53 = tpu.memref_slice %arg10[%add3A_51, %dma_start3A_52] : memref<10240x128xf32, #tpu.memory_space<vmem_shared>> -> memref<128x128xf32, #tpu.memory_space<vmem_shared>>
        %dma_start3A_54 = arith.constant 0 : i32
        %dma_start3A_55 = tpu.memref_slice %arg10[%add3A_51, %dma_start3A_54] : memref<10240x128xf32, #tpu.memory_space<vmem_shared>> -> memref<128x128xf32, #tpu.memory_space<vmem_shared>>
        tpu.enqueue_dma source(%arg8 : memref<128x128xf32, #tpu.memory_space<vmem>>) target(%dma_start3A_55 : memref<128x128xf32, #tpu.memory_space<vmem_shared>>) target_semaphore(%run_scoped3A : memref<!tpu.dma_semaphore, #tpu.memory_space<semaphore_mem>>)
        %dma_wait3A = arith.constant 0 : i32
        %dma_wait3A_56 = tpu.memref_slice %arg10[%add3A_51, %dma_wait3A] : memref<10240x128xf32, #tpu.memory_space<vmem_shared>> -> memref<128x128xf32, #tpu.memory_space<vmem_shared>>
        %dma_wait3A_57 = arith.constant 0 : i32
        %dma_wait3A_58 = tpu.memref_slice %arg10[%add3A_51, %dma_wait3A_57] : memref<10240x128xf32, #tpu.memory_space<vmem_shared>> -> memref<128x128xf32, #tpu.memory_space<vmem_shared>>
        tpu.wait_dma2 semaphore(%run_scoped3A : memref<!tpu.dma_semaphore, #tpu.memory_space<semaphore_mem>>) src(%arg8 : memref<128x128xf32, #tpu.memory_space<vmem>>) dst(%dma_wait3A_58 : memref<128x128xf32, #tpu.memory_space<vmem_shared>>)
        tpu.yield
      }) : () -> ()
    }
    %scan3A_11 = arith.constant 5 : i32
    %barrier3A = arith.constant 0 : index
    tpu.barrier barrier_id(%barrier3A)
    %scan3A_12 = arith.constant 0 : i32
    %scan3A_13 = arith.constant 8 : i32
    %scan3A_14 = arith.addi %scan3A_12, %scan3A_13 : i32
    %scan3A_15 = arith.constant 1 : i32
    scf.for %scan3A_46 = %scan3A_12 to %scan3A_14 step %scan3A_15  : i32 {
      %mul3A_47 = arith.constant 16 : i32
      %mul3A_48 = arith.muli %scan3A_46, %mul3A_47 : i32
      %add3A_49 = arith.constant 0 : i32
      %add3A_50 = arith.addi %add3A_49, %mul3A_48 : i32
      %get3A = arith.constant 0 : i32
      %get3A_51 = arith.index_cast %get3A : i32 to index
      %get3A_52 = arith.index_cast %add3A_50 : i32 to index
      %get3A_53 = tpu.vector_load %arg5[%get3A_51, %get3A_52] {strides = array<i32>} : memref<80x128xi32, #tpu.memory_space<vmem>>, vector<1x16xi32>,
      %get3A_54 = vector.shape_cast %get3A_53 : vector<1x16xi32> to vector<16xi32>
      %and3A = arith.constant 65535 : i32
      %and3A_55 = vector.broadcast %and3A : i32 to vector<16xi32>
      %and3A_56 = arith.andi %get3A_54, %and3A_55 : vector<16xi32>
      %swap3A = arith.constant 0 : i32
      %swap3A_57 = arith.index_cast %swap3A : i32 to index
      %swap3A_58 = arith.index_cast %add3A_50 : i32 to index
      %swap3A_59 = tpu.vector_load %arg6[%swap3A_57, %swap3A_58] {strides = array<i32>} : memref<2x128xi32, #tpu.memory_space<vmem>>, vector<1x16xi32>,
      %swap3A_60 = vector.shape_cast %swap3A_59 : vector<1x16xi32> to vector<16xi32>
      %swap3A_61 = vector.shape_cast %and3A_56 : vector<16xi32> to vector<1x16xi32>
      tpu.vector_store %arg6[%swap3A_57, %swap3A_58], %swap3A_61 {strides = array<i32>} : memref<2x128xi32, #tpu.memory_space<vmem>>, vector<1x16xi32>,
    }
    %scan3A_16 = arith.constant 8 : i32
    %dma_start3A = arith.constant 0 : i32
    %dma_start3A_17 = arith.constant 0 : i32
    %dma_start3A_18 = tpu.memref_slice %arg6[%dma_start3A, %dma_start3A_17] : memref<2x128xi32, #tpu.memory_space<vmem>> -> memref<1x128xi32, #tpu.memory_space<vmem>>
    %dma_start3A_19 = tpu.memref_squeeze %dma_start3A_18 : memref<1x128xi32, #tpu.memory_space<vmem>> -> memref<128xi32, #tpu.memory_space<vmem>>
    %dma_start3A_20 = arith.constant 0 : i32
    %dma_start3A_21 = arith.constant 0 : i32
    %dma_start3A_22 = tpu.memref_slice %arg2[%dma_start3A_20, %dma_start3A_21] : memref<10000x128xf32, #tpu.memory_space<hbm>> -> memref<10000x128xf32, #tpu.memory_space<hbm>>
    tpu.enqueue_indirect_dma source(%dma_start3A_22 : memref<10000x128xf32, #tpu.memory_space<hbm>>) target(%arg8 : memref<128x128xf32, #tpu.memory_space<vmem>>) offsets(%dma_start3A_19 : memref<128xi32, #tpu.memory_space<vmem>>) semaphore(%arg11 : memref<!tpu.dma_semaphore, #tpu.memory_space<semaphore_mem>>)
    %scan3A_23 = arith.constant 0 : i32
    %scan3A_24 = arith.constant 8 : i32
    %scan3A_25 = arith.addi %scan3A_23, %scan3A_24 : i32
    %scan3A_26 = arith.constant 1 : i32
    scf.for %scan3A_46 = %scan3A_23 to %scan3A_25 step %scan3A_26  : i32 {
      %mul3A_47 = arith.constant 16 : i32
      %mul3A_48 = arith.muli %scan3A_46, %mul3A_47 : i32
      %add3A_49 = arith.constant 0 : i32
      %add3A_50 = arith.addi %add3A_49, %mul3A_48 : i32
      %get3A = arith.constant 1 : i32
      %get3A_51 = arith.index_cast %get3A : i32 to index
      %get3A_52 = arith.index_cast %add3A_50 : i32 to index
      %get3A_53 = tpu.vector_load %arg5[%get3A_51, %get3A_52] {strides = array<i32>} : memref<80x128xi32, #tpu.memory_space<vmem>>, vector<1x16xi32>,
      %get3A_54 = vector.shape_cast %get3A_53 : vector<1x16xi32> to vector<16xi32>
      %and3A = arith.constant 65535 : i32
      %and3A_55 = vector.broadcast %and3A : i32 to vector<16xi32>
      %and3A_56 = arith.andi %get3A_54, %and3A_55 : vector<16xi32>
      %swap3A = arith.constant 1 : i32
      %swap3A_57 = arith.index_cast %swap3A : i32 to index
      %swap3A_58 = arith.index_cast %add3A_50 : i32 to index
      %swap3A_59 = tpu.vector_load %arg6[%swap3A_57, %swap3A_58] {strides = array<i32>} : memref<2x128xi32, #tpu.memory_space<vmem>>, vector<1x16xi32>,
      %swap3A_60 = vector.shape_cast %swap3A_59 : vector<1x16xi32> to vector<16xi32>
      %swap3A_61 = vector.shape_cast %and3A_56 : vector<16xi32> to vector<1x16xi32>
      tpu.vector_store %arg6[%swap3A_57, %swap3A_58], %swap3A_61 {strides = array<i32>} : memref<2x128xi32, #tpu.memory_space<vmem>>, vector<1x16xi32>,
    }
    %scan3A_27 = arith.constant 8 : i32
    %dma_start3A_28 = arith.constant 1 : i32
    %dma_start3A_29 = arith.constant 0 : i32
    %dma_start3A_30 = tpu.memref_slice %arg6[%dma_start3A_28, %dma_start3A_29] : memref<2x128xi32, #tpu.memory_space<vmem>> -> memref<1x128xi32, #tpu.memory_space<vmem>>
    %dma_start3A_31 = tpu.memref_squeeze %dma_start3A_30 : memref<1x128xi32, #tpu.memory_space<vmem>> -> memref<128xi32, #tpu.memory_space<vmem>>
    %dma_start3A_32 = arith.constant 0 : i32
    %dma_start3A_33 = arith.constant 0 : i32
    %dma_start3A_34 = tpu.memref_slice %arg2[%dma_start3A_32, %dma_start3A_33] : memref<10000x128xf32, #tpu.memory_space<hbm>> -> memref<10000x128xf32, #tpu.memory_space<hbm>>
    tpu.enqueue_indirect_dma source(%dma_start3A_34 : memref<10000x128xf32, #tpu.memory_space<hbm>>) target(%arg9 : memref<128x128xf32, #tpu.memory_space<vmem>>) offsets(%dma_start3A_31 : memref<128xi32, #tpu.memory_space<vmem>>) semaphore(%arg12 : memref<!tpu.dma_semaphore, #tpu.memory_space<semaphore_mem>>)
    %scan3A_35 = arith.constant 0 : i32
    %scan3A_36 = arith.constant 40 : i32
    %scan3A_37 = arith.addi %scan3A_35, %scan3A_36 : i32
    %scan3A_38 = arith.constant 1 : i32
    scf.for %scan3A_46 = %scan3A_35 to %scan3A_37 step %scan3A_38  : i32 {
      %mul3A_47 = arith.constant 2 : i32
      %mul3A_48 = arith.muli %scan3A_46, %mul3A_47 : i32
      %add3A_49 = arith.constant 0 : i32
      %add3A_50 = arith.addi %add3A_49, %mul3A_48 : i32
      %dma_wait3A = arith.constant 0 : i32
      %dma_wait3A_51 = arith.constant 0 : i32
      %dma_wait3A_52 = tpu.memref_slice %arg6[%dma_wait3A, %dma_wait3A_51] : memref<2x128xi32, #tpu.memory_space<vmem>> -> memref<1x128xi32, #tpu.memory_space<vmem>>
      %dma_wait3A_53 = tpu.memref_squeeze %dma_wait3A_52 : memref<1x128xi32, #tpu.memory_space<vmem>> -> memref<128xi32, #tpu.memory_space<vmem>>
      %dma_wait3A_54 = arith.constant 0 : i32
      %dma_wait3A_55 = arith.constant 0 : i32
      %dma_wait3A_56 = tpu.memref_slice %arg2[%dma_wait3A_54, %dma_wait3A_55] : memref<10000x128xf32, #tpu.memory_space<hbm>> -> memref<10000x128xf32, #tpu.memory_space<hbm>>
      tpu.wait_indirect_dma semaphore(%arg11 : memref<!tpu.dma_semaphore, #tpu.memory_space<semaphore_mem>>) src(%dma_wait3A_56 : memref<10000x128xf32, #tpu.memory_space<hbm>>) dst(%arg8 : memref<128x128xf32, #tpu.memory_space<vmem>>)
      %scan3A_57 = arith.constant 0 : i32
      %scan3A_58 = arith.constant 8 : i32
      %scan3A_59 = arith.addi %scan3A_57, %scan3A_58 : i32
      %scan3A_60 = arith.constant 1 : i32
      scf.for %scan3A_88 = %scan3A_57 to %scan3A_59 step %scan3A_60  : i32 {
        %mul3A_89 = arith.constant 16 : i32
        %mul3A_90 = arith.muli %scan3A_88, %mul3A_89 : i32
        %add3A_91 = arith.constant 0 : i32
        %add3A_92 = arith.addi %add3A_91, %mul3A_90 : i32
        %get3A = arith.index_cast %add3A_50 : i32 to index
        %get3A_93 = arith.index_cast %add3A_92 : i32 to index
        %get3A_94 = tpu.vector_load %arg5[%get3A, %get3A_93] {strides = array<i32>} : memref<80x128xi32, #tpu.memory_space<vmem>>, vector<1x16xi32>,
        %get3A_95 = vector.shape_cast %get3A_94 : vector<1x16xi32> to vector<16xi32>
        %shift_right_logical3A = arith.constant 16 : i32
        %shift_right_logical3A_96 = vector.broadcast %shift_right_logical3A : i32 to vector<16xi32>
        %shift_right_logical3A_97 = arith.shrui %get3A_95, %shift_right_logical3A_96 : vector<16xi32>
        %swap3A = arith.constant 0 : i32
        %swap3A_98 = arith.index_cast %swap3A : i32 to index
        %swap3A_99 = arith.index_cast %add3A_92 : i32 to index
        %swap3A_100 = tpu.vector_load %arg7[%swap3A_98, %swap3A_99] {strides = array<i32>} : memref<2x128xi32, #tpu.memory_space<vmem>>, vector<1x16xi32>,
        %swap3A_101 = vector.shape_cast %swap3A_100 : vector<1x16xi32> to vector<16xi32>
        %swap3A_102 = vector.shape_cast %shift_right_logical3A_97 : vector<16xi32> to vector<1x16xi32>
        tpu.vector_store %arg7[%swap3A_98, %swap3A_99], %swap3A_102 {strides = array<i32>} : memref<2x128xi32, #tpu.memory_space<vmem>>, vector<1x16xi32>,
      }
      %scan3A_61 = arith.constant 8 : i32
      %run_scoped3A = arith.constant 0 : i32
      "tpu.region"() ({
        %run_scoped3A_88 = tpu.sem_alloc : memref<!tpu.dma_semaphore, #tpu.memory_space<semaphore_mem>>
        %dma_start3A_89 = arith.constant 0 : i32
        %dma_start3A_90 = tpu.memref_slice %arg7[%run_scoped3A, %dma_start3A_89] : memref<2x128xi32, #tpu.memory_space<vmem>> -> memref<1x128xi32, #tpu.memory_space<vmem>>
        %dma_start3A_91 = tpu.memref_squeeze %dma_start3A_90 : memref<1x128xi32, #tpu.memory_space<vmem>> -> memref<128xi32, #tpu.memory_space<vmem>>
        %dma_start3A_92 = arith.constant 0 : i32
        %dma_start3A_93 = arith.constant 0 : i32
        %dma_start3A_94 = tpu.memref_slice %arg10[%dma_start3A_92, %dma_start3A_93] : memref<10240x128xf32, #tpu.memory_space<vmem_shared>> -> memref<10240x128xf32, #tpu.memory_space<vmem_shared>>
        tpu.enqueue_indirect_dma source(%arg8 : memref<128x128xf32, #tpu.memory_space<vmem>>) target(%dma_start3A_94 : memref<10240x128xf32, #tpu.memory_space<vmem_shared>>) offsets(%dma_start3A_91 : memref<128xi32, #tpu.memory_space<vmem>>) semaphore(%run_scoped3A_88 : memref<!tpu.dma_semaphore, #tpu.memory_space<semaphore_mem>>) {add = true}
        %dma_wait3A_95 = arith.constant 0 : i32
        %dma_wait3A_96 = tpu.memref_slice %arg7[%run_scoped3A, %dma_wait3A_95] : memref<2x128xi32, #tpu.memory_space<vmem>> -> memref<1x128xi32, #tpu.memory_space<vmem>>
        %dma_wait3A_97 = tpu.memref_squeeze %dma_wait3A_96 : memref<1x128xi32, #tpu.memory_space<vmem>> -> memref<128xi32, #tpu.memory_space<vmem>>
        %dma_wait3A_98 = arith.constant 0 : i32
        %dma_wait3A_99 = arith.constant 0 : i32
        %dma_wait3A_100 = tpu.memref_slice %arg10[%dma_wait3A_98, %dma_wait3A_99] : memref<10240x128xf32, #tpu.memory_space<vmem_shared>> -> memref<10240x128xf32, #tpu.memory_space<vmem_shared>>
        tpu.wait_indirect_dma semaphore(%run_scoped3A_88 : memref<!tpu.dma_semaphore, #tpu.memory_space<semaphore_mem>>) src(%arg8 : memref<128x128xf32, #tpu.memory_space<vmem>>) dst(%dma_wait3A_100 : memref<10240x128xf32, #tpu.memory_space<vmem_shared>>)
        tpu.yield
      }) : () -> ()
      %add3A_62 = arith.constant 2 : i32
      %add3A_63 = arith.addi %add3A_50, %add3A_62 : i32
      %lt3A = arith.constant 80 : i32
      %lt3A_64 = arith.cmpi slt, %add3A_63, %lt3A : i32
      %convert_element_type3A = arith.extui %lt3A_64 : i1 to i32
      %cond3A = arith.constant 0 : i32
      %cond3A_65 = arith.cmpi ne, %convert_element_type3A, %cond3A : i32
      scf.if %cond3A_65 {
        %add3A_88 = arith.constant 2 : i32
        %add3A_89 = arith.addi %add3A_50, %add3A_88 : i32
        %scan3A_90 = arith.constant 0 : i32
        %scan3A_91 = arith.constant 8 : i32
        %scan3A_92 = arith.addi %scan3A_90, %scan3A_91 : i32
        %scan3A_93 = arith.constant 1 : i32
        scf.for %scan3A_102 = %scan3A_90 to %scan3A_92 step %scan3A_93  : i32 {
          %mul3A_103 = arith.constant 16 : i32
          %mul3A_104 = arith.muli %scan3A_102, %mul3A_103 : i32
          %add3A_105 = arith.constant 0 : i32
          %add3A_106 = arith.addi %add3A_105, %mul3A_104 : i32
          %get3A = arith.index_cast %add3A_89 : i32 to index
          %get3A_107 = arith.index_cast %add3A_106 : i32 to index
          %get3A_108 = tpu.vector_load %arg5[%get3A, %get3A_107] {strides = array<i32>} : memref<80x128xi32, #tpu.memory_space<vmem>>, vector<1x16xi32>,
          %get3A_109 = vector.shape_cast %get3A_108 : vector<1x16xi32> to vector<16xi32>
          %and3A = arith.constant 65535 : i32
          %and3A_110 = vector.broadcast %and3A : i32 to vector<16xi32>
          %and3A_111 = arith.andi %get3A_109, %and3A_110 : vector<16xi32>
          %swap3A = arith.constant 0 : i32
          %swap3A_112 = arith.index_cast %swap3A : i32 to index
          %swap3A_113 = arith.index_cast %add3A_106 : i32 to index
          %swap3A_114 = tpu.vector_load %arg6[%swap3A_112, %swap3A_113] {strides = array<i32>} : memref<2x128xi32, #tpu.memory_space<vmem>>, vector<1x16xi32>,
          %swap3A_115 = vector.shape_cast %swap3A_114 : vector<1x16xi32> to vector<16xi32>
          %swap3A_116 = vector.shape_cast %and3A_111 : vector<16xi32> to vector<1x16xi32>
          tpu.vector_store %arg6[%swap3A_112, %swap3A_113], %swap3A_116 {strides = array<i32>} : memref<2x128xi32, #tpu.memory_space<vmem>>, vector<1x16xi32>,
        }
        %scan3A_94 = arith.constant 8 : i32
        %dma_start3A_95 = arith.constant 0 : i32
        %dma_start3A_96 = arith.constant 0 : i32
        %dma_start3A_97 = tpu.memref_slice %arg6[%dma_start3A_95, %dma_start3A_96] : memref<2x128xi32, #tpu.memory_space<vmem>> -> memref<1x128xi32, #tpu.memory_space<vmem>>
        %dma_start3A_98 = tpu.memref_squeeze %dma_start3A_97 : memref<1x128xi32, #tpu.memory_space<vmem>> -> memref<128xi32, #tpu.memory_space<vmem>>
        %dma_start3A_99 = arith.constant 0 : i32
        %dma_start3A_100 = arith.constant 0 : i32
        %dma_start3A_101 = tpu.memref_slice %arg2[%dma_start3A_99, %dma_start3A_100] : memref<10000x128xf32, #tpu.memory_space<hbm>> -> memref<10000x128xf32, #tpu.memory_space<hbm>>
        tpu.enqueue_indirect_dma source(%dma_start3A_101 : memref<10000x128xf32, #tpu.memory_space<hbm>>) target(%arg8 : memref<128x128xf32, #tpu.memory_space<vmem>>) offsets(%dma_start3A_98 : memref<128xi32, #tpu.memory_space<vmem>>) semaphore(%arg11 : memref<!tpu.dma_semaphore, #tpu.memory_space<semaphore_mem>>)
      } else {
      }
      %dma_wait3A_66 = arith.constant 1 : i32
      %dma_wait3A_67 = arith.constant 0 : i32
      %dma_wait3A_68 = tpu.memref_slice %arg6[%dma_wait3A_66, %dma_wait3A_67] : memref<2x128xi32, #tpu.memory_space<vmem>> -> memref<1x128xi32, #tpu.memory_space<vmem>>
      %dma_wait3A_69 = tpu.memref_squeeze %dma_wait3A_68 : memref<1x128xi32, #tpu.memory_space<vmem>> -> memref<128xi32, #tpu.memory_space<vmem>>
      %dma_wait3A_70 = arith.constant 0 : i32
      %dma_wait3A_71 = arith.constant 0 : i32
      %dma_wait3A_72 = tpu.memref_slice %arg2[%dma_wait3A_70, %dma_wait3A_71] : memref<10000x128xf32, #tpu.memory_space<hbm>> -> memref<10000x128xf32, #tpu.memory_space<hbm>>
      tpu.wait_indirect_dma semaphore(%arg12 : memref<!tpu.dma_semaphore, #tpu.memory_space<semaphore_mem>>) src(%dma_wait3A_72 : memref<10000x128xf32, #tpu.memory_space<hbm>>) dst(%arg9 : memref<128x128xf32, #tpu.memory_space<vmem>>)
      %add3A_73 = arith.constant 1 : i32
      %add3A_74 = arith.addi %add3A_50, %add3A_73 : i32
      %scan3A_75 = arith.constant 0 : i32
      %scan3A_76 = arith.constant 8 : i32
      %scan3A_77 = arith.addi %scan3A_75, %scan3A_76 : i32
      %scan3A_78 = arith.constant 1 : i32
      scf.for %scan3A_88 = %scan3A_75 to %scan3A_77 step %scan3A_78  : i32 {
        %mul3A_89 = arith.constant 16 : i32
        %mul3A_90 = arith.muli %scan3A_88, %mul3A_89 : i32
        %add3A_91 = arith.constant 0 : i32
        %add3A_92 = arith.addi %add3A_91, %mul3A_90 : i32
        %get3A = arith.index_cast %add3A_74 : i32 to index
        %get3A_93 = arith.index_cast %add3A_92 : i32 to index
        %get3A_94 = tpu.vector_load %arg5[%get3A, %get3A_93] {strides = array<i32>} : memref<80x128xi32, #tpu.memory_space<vmem>>, vector<1x16xi32>,
        %get3A_95 = vector.shape_cast %get3A_94 : vector<1x16xi32> to vector<16xi32>
        %shift_right_logical3A = arith.constant 16 : i32
        %shift_right_logical3A_96 = vector.broadcast %shift_right_logical3A : i32 to vector<16xi32>
        %shift_right_logical3A_97 = arith.shrui %get3A_95, %shift_right_logical3A_96 : vector<16xi32>
        %swap3A = arith.constant 1 : i32
        %swap3A_98 = arith.index_cast %swap3A : i32 to index
        %swap3A_99 = arith.index_cast %add3A_92 : i32 to index
        %swap3A_100 = tpu.vector_load %arg7[%swap3A_98, %swap3A_99] {strides = array<i32>} : memref<2x128xi32, #tpu.memory_space<vmem>>, vector<1x16xi32>,
        %swap3A_101 = vector.shape_cast %swap3A_100 : vector<1x16xi32> to vector<16xi32>
        %swap3A_102 = vector.shape_cast %shift_right_logical3A_97 : vector<16xi32> to vector<1x16xi32>
        tpu.vector_store %arg7[%swap3A_98, %swap3A_99], %swap3A_102 {strides = array<i32>} : memref<2x128xi32, #tpu.memory_space<vmem>>, vector<1x16xi32>,
      }
      %scan3A_79 = arith.constant 8 : i32
      %run_scoped3A_80 = arith.constant 1 : i32
      "tpu.region"() ({
        %run_scoped3A_88 = tpu.sem_alloc : memref<!tpu.dma_semaphore, #tpu.memory_space<semaphore_mem>>
        %dma_start3A_89 = arith.constant 0 : i32
        %dma_start3A_90 = tpu.memref_slice %arg7[%run_scoped3A_80, %dma_start3A_89] : memref<2x128xi32, #tpu.memory_space<vmem>> -> memref<1x128xi32, #tpu.memory_space<vmem>>
        %dma_start3A_91 = tpu.memref_squeeze %dma_start3A_90 : memref<1x128xi32, #tpu.memory_space<vmem>> -> memref<128xi32, #tpu.memory_space<vmem>>
        %dma_start3A_92 = arith.constant 0 : i32
        %dma_start3A_93 = arith.constant 0 : i32
        %dma_start3A_94 = tpu.memref_slice %arg10[%dma_start3A_92, %dma_start3A_93] : memref<10240x128xf32, #tpu.memory_space<vmem_shared>> -> memref<10240x128xf32, #tpu.memory_space<vmem_shared>>
        tpu.enqueue_indirect_dma source(%arg9 : memref<128x128xf32, #tpu.memory_space<vmem>>) target(%dma_start3A_94 : memref<10240x128xf32, #tpu.memory_space<vmem_shared>>) offsets(%dma_start3A_91 : memref<128xi32, #tpu.memory_space<vmem>>) semaphore(%run_scoped3A_88 : memref<!tpu.dma_semaphore, #tpu.memory_space<semaphore_mem>>) {add = true}
        %dma_wait3A_95 = arith.constant 0 : i32
        %dma_wait3A_96 = tpu.memref_slice %arg7[%run_scoped3A_80, %dma_wait3A_95] : memref<2x128xi32, #tpu.memory_space<vmem>> -> memref<1x128xi32, #tpu.memory_space<vmem>>
        %dma_wait3A_97 = tpu.memref_squeeze %dma_wait3A_96 : memref<1x128xi32, #tpu.memory_space<vmem>> -> memref<128xi32, #tpu.memory_space<vmem>>
        %dma_wait3A_98 = arith.constant 0 : i32
        %dma_wait3A_99 = arith.constant 0 : i32
        %dma_wait3A_100 = tpu.memref_slice %arg10[%dma_wait3A_98, %dma_wait3A_99] : memref<10240x128xf32, #tpu.memory_space<vmem_shared>> -> memref<10240x128xf32, #tpu.memory_space<vmem_shared>>
        tpu.wait_indirect_dma semaphore(%run_scoped3A_88 : memref<!tpu.dma_semaphore, #tpu.memory_space<semaphore_mem>>) src(%arg9 : memref<128x128xf32, #tpu.memory_space<vmem>>) dst(%dma_wait3A_100 : memref<10240x128xf32, #tpu.memory_space<vmem_shared>>)
        tpu.yield
      }) : () -> ()
      %add3A_81 = arith.constant 3 : i32
      %add3A_82 = arith.addi %add3A_50, %add3A_81 : i32
      %lt3A_83 = arith.constant 80 : i32
      %lt3A_84 = arith.cmpi slt, %add3A_82, %lt3A_83 : i32
      %convert_element_type3A_85 = arith.extui %lt3A_84 : i1 to i32
      %cond3A_86 = arith.constant 0 : i32
      %cond3A_87 = arith.cmpi ne, %convert_element_type3A_85, %cond3A_86 : i32
      scf.if %cond3A_87 {
        %add3A_88 = arith.constant 3 : i32
        %add3A_89 = arith.addi %add3A_50, %add3A_88 : i32
        %scan3A_90 = arith.constant 0 : i32
        %scan3A_91 = arith.constant 8 : i32
        %scan3A_92 = arith.addi %scan3A_90, %scan3A_91 : i32
        %scan3A_93 = arith.constant 1 : i32
        scf.for %scan3A_102 = %scan3A_90 to %scan3A_92 step %scan3A_93  : i32 {
          %mul3A_103 = arith.constant 16 : i32
          %mul3A_104 = arith.muli %scan3A_102, %mul3A_103 : i32
          %add3A_105 = arith.constant 0 : i32
          %add3A_106 = arith.addi %add3A_105, %mul3A_104 : i32
          %get3A = arith.index_cast %add3A_89 : i32 to index
          %get3A_107 = arith.index_cast %add3A_106 : i32 to index
          %get3A_108 = tpu.vector_load %arg5[%get3A, %get3A_107] {strides = array<i32>} : memref<80x128xi32, #tpu.memory_space<vmem>>, vector<1x16xi32>,
          %get3A_109 = vector.shape_cast %get3A_108 : vector<1x16xi32> to vector<16xi32>
          %and3A = arith.constant 65535 : i32
          %and3A_110 = vector.broadcast %and3A : i32 to vector<16xi32>
          %and3A_111 = arith.andi %get3A_109, %and3A_110 : vector<16xi32>
          %swap3A = arith.constant 1 : i32
          %swap3A_112 = arith.index_cast %swap3A : i32 to index
          %swap3A_113 = arith.index_cast %add3A_106 : i32 to index
          %swap3A_114 = tpu.vector_load %arg6[%swap3A_112, %swap3A_113] {strides = array<i32>} : memref<2x128xi32, #tpu.memory_space<vmem>>, vector<1x16xi32>,
          %swap3A_115 = vector.shape_cast %swap3A_114 : vector<1x16xi32> to vector<16xi32>
          %swap3A_116 = vector.shape_cast %and3A_111 : vector<16xi32> to vector<1x16xi32>
          tpu.vector_store %arg6[%swap3A_112, %swap3A_113], %swap3A_116 {strides = array<i32>} : memref<2x128xi32, #tpu.memory_space<vmem>>, vector<1x16xi32>,
        }
        %scan3A_94 = arith.constant 8 : i32
        %dma_start3A_95 = arith.constant 1 : i32
        %dma_start3A_96 = arith.constant 0 : i32
        %dma_start3A_97 = tpu.memref_slice %arg6[%dma_start3A_95, %dma_start3A_96] : memref<2x128xi32, #tpu.memory_space<vmem>> -> memref<1x128xi32, #tpu.memory_space<vmem>>
        %dma_start3A_98 = tpu.memref_squeeze %dma_start3A_97 : memref<1x128xi32, #tpu.memory_space<vmem>> -> memref<128xi32, #tpu.memory_space<vmem>>
        %dma_start3A_99 = arith.constant 0 : i32
        %dma_start3A_100 = arith.constant 0 : i32
        %dma_start3A_101 = tpu.memref_slice %arg2[%dma_start3A_99, %dma_start3A_100] : memref<10000x128xf32, #tpu.memory_space<hbm>> -> memref<10000x128xf32, #tpu.memory_space<hbm>>
        tpu.enqueue_indirect_dma source(%dma_start3A_101 : memref<10000x128xf32, #tpu.memory_space<hbm>>) target(%arg9 : memref<128x128xf32, #tpu.memory_space<vmem>>) offsets(%dma_start3A_98 : memref<128xi32, #tpu.memory_space<vmem>>) semaphore(%arg12 : memref<!tpu.dma_semaphore, #tpu.memory_space<semaphore_mem>>)
      } else {
      }
    }
    %scan3A_39 = arith.constant 40 : i32
    %barrier3A_40 = arith.constant 0 : index
    tpu.barrier barrier_id(%barrier3A_40)
    %scan3A_41 = arith.constant 0 : i32
    %scan3A_42 = arith.constant 5 : i32
    %scan3A_43 = arith.addi %scan3A_41, %scan3A_42 : i32
    %scan3A_44 = arith.constant 1 : i32
    scf.for %scan3A_46 = %scan3A_41 to %scan3A_43 step %scan3A_44  : i32 {
      %mul3A_47 = arith.constant 128 : i32
      %mul3A_48 = arith.muli %scan3A_46, %mul3A_47 : i32
      %add3A_49 = arith.constant 0 : i32
      %add3A_50 = arith.addi %add3A_49, %mul3A_48 : i32
      %add3A_51 = arith.addi %mul3A_6, %add3A_50 : i32
      %add3A_52 = arith.addi %mul3A_6, %add3A_50 : i32
      "tpu.region"() ({
        %run_scoped3A = tpu.sem_alloc : memref<!tpu.dma_semaphore, #tpu.memory_space<semaphore_mem>>
        %dma_start3A_53 = arith.constant 0 : i32
        %dma_start3A_54 = arith.constant 0 : i32
        %dma_start3A_55 = tpu.memref_slice %arg4[%arg0, %dma_start3A_53, %dma_start3A_54] : memref<2x10240x128xf32, #tpu.memory_space<hbm>> -> memref<1x10240x128xf32, #tpu.memory_space<hbm>>
        %dma_start3A_56 = tpu.memref_squeeze %dma_start3A_55 : memref<1x10240x128xf32, #tpu.memory_space<hbm>> -> memref<10240x128xf32, #tpu.memory_space<hbm>>
        %dma_start3A_57 = arith.constant 0 : i32
        %dma_start3A_58 = tpu.memref_slice %dma_start3A_56[%add3A_52, %dma_start3A_57] : memref<10240x128xf32, #tpu.memory_space<hbm>> -> memref<128x128xf32, #tpu.memory_space<hbm>>
        %dma_start3A_59 = arith.constant 0 : i32
        %dma_start3A_60 = tpu.memref_slice %arg10[%add3A_51, %dma_start3A_59] : memref<10240x128xf32, #tpu.memory_space<vmem_shared>> -> memref<128x128xf32, #tpu.memory_space<vmem_shared>>
        tpu.enqueue_dma source(%dma_start3A_60 : memref<128x128xf32, #tpu.memory_space<vmem_shared>>) target(%dma_start3A_58 : memref<128x128xf32, #tpu.memory_space<hbm>>) target_semaphore(%run_scoped3A : memref<!tpu.dma_semaphore, #tpu.memory_space<semaphore_mem>>)
        %dma_wait3A = arith.constant 0 : i32
        %dma_wait3A_61 = arith.constant 0 : i32
        %dma_wait3A_62 = tpu.memref_slice %arg4[%arg0, %dma_wait3A, %dma_wait3A_61] : memref<2x10240x128xf32, #tpu.memory_space<hbm>> -> memref<1x10240x128xf32, #tpu.memory_space<hbm>>
        %dma_wait3A_63 = tpu.memref_squeeze %dma_wait3A_62 : memref<1x10240x128xf32, #tpu.memory_space<hbm>> -> memref<10240x128xf32, #tpu.memory_space<hbm>>
        %dma_wait3A_64 = arith.constant 0 : i32
        %dma_wait3A_65 = tpu.memref_slice %dma_wait3A_63[%add3A_52, %dma_wait3A_64] : memref<10240x128xf32, #tpu.memory_space<hbm>> -> memref<128x128xf32, #tpu.memory_space<hbm>>
        %dma_wait3A_66 = arith.constant 0 : i32
        %dma_wait3A_67 = tpu.memref_slice %arg10[%add3A_51, %dma_wait3A_66] : memref<10240x128xf32, #tpu.memory_space<vmem_shared>> -> memref<128x128xf32, #tpu.memory_space<vmem_shared>>
        tpu.wait_dma2 semaphore(%run_scoped3A : memref<!tpu.dma_semaphore, #tpu.memory_space<semaphore_mem>>) src(%dma_wait3A_67 : memref<128x128xf32, #tpu.memory_space<vmem_shared>>) dst(%dma_wait3A_65 : memref<128x128xf32, #tpu.memory_space<hbm>>)
        tpu.yield
      }) : () -> ()
    }
    %scan3A_45 = arith.constant 5 : i32
    return
  }
}

module attributes {stable_mosaic.version = 14 : i64} {
  func.func @_mm_body(%arg0: memref<10000x128xf32, #tpu.memory_space<vmem>>, %arg1: memref<128x128xf32, #tpu.memory_space<vmem>>, %arg2: memref<1x128xf32, #tpu.memory_space<vmem>>, %arg3: memref<10000x128xf32, #tpu.memory_space<vmem>>) attributes {dimension_semantics = [], scalar_prefetch = 0 : i64, scratch_operands = 0 : i64, tpu.core_type = #tpu.core_type<tc>} {
    %get3A = arith.constant 0 : index
    %get3A_0 = arith.constant 0 : index
    %get3A_1 = vector.load %arg1[%get3A, %get3A_0] : memref<128x128xf32, #tpu.memory_space<vmem>>, vector<128x128xf32>
    %get3A_2 = arith.constant 0 : index
    %get3A_3 = arith.constant 0 : index
    %get3A_4 = vector.load %arg2[%get3A_2, %get3A_3] : memref<1x128xf32, #tpu.memory_space<vmem>>, vector<1x128xf32>
    %mul3A = arith.mulf %get3A_4, %get3A_4 : vector<1x128xf32>
    %reduce_sum3A = vector.shape_cast %mul3A : vector<1x128xf32> to vector<1x1x128xf32>
    %reduce_sum3A_5 = arith.constant dense<0.000000e+00> : vector<1xf32>
    %reduce_sum3A_6 = vector.multi_reduction <add>, %reduce_sum3A, %reduce_sum3A_5 [1, 2] : vector<1x1x128xf32> to vector<1xf32>
    %reduce_sum3A_7 = vector.shape_cast %reduce_sum3A_6 : vector<1xf32> to vector<1x1x1xf32>
    %reduce_sum3A_8 = vector.extract %reduce_sum3A_7[0, 0, 0] : f32 from vector<1x1x1xf32>
    %sqrt3A = math.sqrt %reduce_sum3A_8 : f32
    %add3A = arith.constant 9.99999996E-13 : f32
    %add3A_9 = arith.addf %sqrt3A, %add3A : f32
    %div3A = vector.broadcast %add3A_9 : f32 to vector<1x128xf32>
    %div3A_10 = arith.divf %get3A_4, %div3A : vector<1x128xf32>
    %dot_general3A = arith.constant dense<0.000000e+00> : vector<1x128xf32>
    %dot_general3A_11 = tpu.matmul %div3A_10, %get3A_1, %dot_general3A {dimension_numbers = #tpu.dot_dimension_numbers<[1], [0], [0], [1], [0, 0, 1, 1], [], []>, transpose_lhs_hint = false} : vector<1x128xf32>, vector<128x128xf32>, vector<1x128xf32> -> vector<1x128xf32>
    %mul3A_12 = arith.mulf %dot_general3A_11, %dot_general3A_11 : vector<1x128xf32>
    %reduce_sum3A_13 = vector.shape_cast %mul3A_12 : vector<1x128xf32> to vector<1x1x128xf32>
    %reduce_sum3A_14 = arith.constant dense<0.000000e+00> : vector<1xf32>
    %reduce_sum3A_15 = vector.multi_reduction <add>, %reduce_sum3A_13, %reduce_sum3A_14 [1, 2] : vector<1x1x128xf32> to vector<1xf32>
    %reduce_sum3A_16 = vector.shape_cast %reduce_sum3A_15 : vector<1xf32> to vector<1x1x1xf32>
    %reduce_sum3A_17 = vector.extract %reduce_sum3A_16[0, 0, 0] : f32 from vector<1x1x1xf32>
    %sqrt3A_18 = math.sqrt %reduce_sum3A_17 : f32
    %add3A_19 = arith.constant 9.99999996E-13 : f32
    %add3A_20 = arith.addf %sqrt3A_18, %add3A_19 : f32
    %div3A_21 = vector.broadcast %add3A_20 : f32 to vector<1x128xf32>
    %div3A_22 = arith.divf %dot_general3A_11, %div3A_21 : vector<1x128xf32>
    %dot_general3A_23 = arith.constant dense<0.000000e+00> : vector<1x128xf32>
    %dot_general3A_24 = tpu.matmul %div3A_22, %get3A_1, %dot_general3A_23 {dimension_numbers = #tpu.dot_dimension_numbers<[1], [1], [0], [0], [0, 0, 1, 0], [], []>, transpose_lhs_hint = false} : vector<1x128xf32>, vector<128x128xf32>, vector<1x128xf32> -> vector<1x128xf32>
    %mul3A_25 = arith.mulf %dot_general3A_24, %dot_general3A_24 : vector<1x128xf32>
    %reduce_sum3A_26 = vector.shape_cast %mul3A_25 : vector<1x128xf32> to vector<1x1x128xf32>
    %reduce_sum3A_27 = arith.constant dense<0.000000e+00> : vector<1xf32>
    %reduce_sum3A_28 = vector.multi_reduction <add>, %reduce_sum3A_26, %reduce_sum3A_27 [1, 2] : vector<1x1x128xf32> to vector<1xf32>
    %reduce_sum3A_29 = vector.shape_cast %reduce_sum3A_28 : vector<1xf32> to vector<1x1x1xf32>
    %reduce_sum3A_30 = vector.extract %reduce_sum3A_29[0, 0, 0] : f32 from vector<1x1x1xf32>
    %sqrt3A_31 = math.sqrt %reduce_sum3A_30 : f32
    %mul3A_32 = arith.mulf %sqrt3A_31, %sqrt3A_31 : f32
    %add3A_33 = arith.constant 9.99999996E-13 : f32
    %add3A_34 = arith.addf %sqrt3A_31, %add3A_33 : f32
    %div3A_35 = arith.divf %mul3A_32, %add3A_34 : f32
    %get3A_36 = arith.constant 0 : index
    %get3A_37 = arith.constant 0 : index
    %get3A_38 = vector.load %arg0[%get3A_36, %get3A_37] : memref<10000x128xf32, #tpu.memory_space<vmem>>, vector<10000x128xf32>
    %get3A_39 = arith.constant 0 : index
    %get3A_40 = arith.constant 0 : index
    %get3A_41 = vector.load %arg1[%get3A_39, %get3A_40] : memref<128x128xf32, #tpu.memory_space<vmem>>, vector<128x128xf32>
    %div3A_42 = vector.broadcast %div3A_35 : f32 to vector<128x128xf32>
    %div3A_43 = arith.divf %get3A_41, %div3A_42 : vector<128x128xf32>
    %dot_general3A_44 = arith.constant dense<0.000000e+00> : vector<10000x128xf32>
    %dot_general3A_45 = tpu.matmul %get3A_38, %div3A_43, %dot_general3A_44 {dimension_numbers = #tpu.dot_dimension_numbers<[1], [0], [0], [1], [0, 0, 1, 1], [], []>, transpose_lhs_hint = false} : vector<10000x128xf32>, vector<128x128xf32>, vector<10000x128xf32> -> vector<10000x128xf32>
    %swap3A = arith.constant 0 : index
    %swap3A_46 = arith.constant 0 : index
    %swap3A_47 = vector.load %arg3[%swap3A, %swap3A_46] : memref<10000x128xf32, #tpu.memory_space<vmem>>, vector<10000x128xf32>
    tpu.vector_store %arg3[%swap3A, %swap3A_46], %dot_general3A_45 {strides = array<i32>} : memref<10000x128xf32, #tpu.memory_space<vmem>>, vector<10000x128xf32>,
    return
  }
}

module attributes {stable_mosaic.version = 14 : i64} {
  func.func @_prep_body(%arg0: memref<2x80x128xf32, #tpu.memory_space<vmem>>, %arg1: memref<80x128xf32, #tpu.memory_space<vmem>>) attributes {dimension_semantics = [], scalar_prefetch = 0 : i64, scratch_operands = 0 : i64, tpu.core_type = #tpu.core_type<tc>} {
    %get3A = arith.constant 0 : index
    %get3A_0 = arith.constant 0 : index
    %get3A_1 = arith.constant 0 : index
    %get3A_2 = vector.load %arg0[%get3A, %get3A_0, %get3A_1] : memref<2x80x128xf32, #tpu.memory_space<vmem>>, vector<1x80x128xf32>
    %get3A_3 = vector.shape_cast %get3A_2 : vector<1x80x128xf32> to vector<80x128xf32>
    %get3A_4 = arith.constant 1 : index
    %get3A_5 = arith.constant 0 : index
    %get3A_6 = arith.constant 0 : index
    %get3A_7 = vector.load %arg0[%get3A_4, %get3A_5, %get3A_6] : memref<2x80x128xf32, #tpu.memory_space<vmem>>, vector<1x80x128xf32>
    %get3A_8 = vector.shape_cast %get3A_7 : vector<1x80x128xf32> to vector<80x128xf32>
    %add3A = arith.addf %get3A_3, %get3A_8 : vector<80x128xf32>
    %add3A_9 = arith.constant 1.000000e+00 : f32
    %add3A_10 = vector.broadcast %add3A_9 : f32 to vector<80x128xf32>
    %add3A_11 = arith.addf %add3A, %add3A_10 : vector<80x128xf32>
    %rsqrt3A = math.rsqrt %add3A_11 : vector<80x128xf32>
    %swap3A = arith.constant 0 : index
    %swap3A_12 = arith.constant 0 : index
    %swap3A_13 = vector.load %arg1[%swap3A, %swap3A_12] : memref<80x128xf32, #tpu.memory_space<vmem>>, vector<80x128xf32>
    tpu.vector_store %arg1[%swap3A, %swap3A_12], %rsqrt3A {strides = array<i32>} : memref<80x128xf32, #tpu.memory_space<vmem>>, vector<80x128xf32>,
    return
  }
}

module attributes {stable_mosaic.version = 14 : i64} {
  func.func @_scale_body(%arg0: memref<10000x128xf32, #tpu.memory_space<vmem>>, %arg1: memref<10000x1xf32, #tpu.memory_space<vmem>>, %arg2: memref<10000x128xf32, #tpu.memory_space<vmem>>) attributes {dimension_semantics = [], scalar_prefetch = 0 : i64, scratch_operands = 0 : i64, tpu.core_type = #tpu.core_type<tc>} {
    %get3A = arith.constant 0 : index
    %get3A_0 = arith.constant 0 : index
    %get3A_1 = vector.load %arg0[%get3A, %get3A_0] : memref<10000x128xf32, #tpu.memory_space<vmem>>, vector<10000x128xf32>
    %get3A_2 = arith.constant 0 : index
    %get3A_3 = arith.constant 0 : index
    %get3A_4 = vector.load %arg1[%get3A_2, %get3A_3] : memref<10000x1xf32, #tpu.memory_space<vmem>>, vector<10000x1xf32>
    %mul3A = vector.broadcast %get3A_4 : vector<10000x1xf32> to vector<10000x128xf32>
    %mul3A_5 = arith.mulf %get3A_1, %mul3A : vector<10000x128xf32>
    %swap3A = arith.constant 0 : index
    %swap3A_6 = arith.constant 0 : index
    %swap3A_7 = vector.load %arg2[%swap3A, %swap3A_6] : memref<10000x128xf32, #tpu.memory_space<vmem>>, vector<10000x128xf32>
    tpu.vector_store %arg2[%swap3A, %swap3A_6], %mul3A_5 {strides = array<i32>} : memref<10000x128xf32, #tpu.memory_space<vmem>>, vector<10000x128xf32>,
    return
  }
}

module attributes {stable_mosaic.version = 14 : i64} {
  func.func @_combine1_body(%arg0: memref<2x10240x128xf32, #tpu.memory_space<vmem>>, %arg1: memref<10000x128xf32, #tpu.memory_space<vmem>>, %arg2: memref<10000x1xf32, #tpu.memory_space<vmem>>, %arg3: memref<1x128xf32, #tpu.memory_space<vmem>>, %arg4: memref<128x128xf32, #tpu.memory_space<vmem>>, %arg5: memref<1x128xf32, #tpu.memory_space<vmem>>, %arg6: memref<10000x128xf32, #tpu.memory_space<vmem>>, %arg7: memref<10000x128xf32, #tpu.memory_space<vmem>>) attributes {dimension_semantics = [], scalar_prefetch = 0 : i64, scratch_operands = 0 : i64, tpu.core_type = #tpu.core_type<tc>} {
    %get3A = arith.constant 0 : index
    %get3A_0 = arith.constant 0 : index
    %get3A_1 = vector.load %arg2[%get3A, %get3A_0] : memref<10000x1xf32, #tpu.memory_space<vmem>>, vector<10000x1xf32>
    %get3A_2 = arith.constant 0 : index
    %get3A_3 = arith.constant 0 : index
    %get3A_4 = arith.constant 0 : index
    %get3A_5 = vector.load %arg0[%get3A_2, %get3A_3, %get3A_4] : memref<2x10240x128xf32, #tpu.memory_space<vmem>>, vector<1x10000x128xf32>
    %get3A_6 = vector.shape_cast %get3A_5 : vector<1x10000x128xf32> to vector<10000x128xf32>
    %get3A_7 = arith.constant 1 : index
    %get3A_8 = arith.constant 0 : index
    %get3A_9 = arith.constant 0 : index
    %get3A_10 = vector.load %arg0[%get3A_7, %get3A_8, %get3A_9] : memref<2x10240x128xf32, #tpu.memory_space<vmem>>, vector<1x10000x128xf32>
    %get3A_11 = vector.shape_cast %get3A_10 : vector<1x10000x128xf32> to vector<10000x128xf32>
    %add3A = arith.addf %get3A_6, %get3A_11 : vector<10000x128xf32>
    %mul3A = vector.broadcast %get3A_1 : vector<10000x1xf32> to vector<10000x128xf32>
    %mul3A_12 = arith.mulf %mul3A, %add3A : vector<10000x128xf32>
    %get3A_13 = arith.constant 0 : index
    %get3A_14 = arith.constant 0 : index
    %get3A_15 = vector.load %arg1[%get3A_13, %get3A_14] : memref<10000x128xf32, #tpu.memory_space<vmem>>, vector<10000x128xf32>
    %mul3A_16 = vector.broadcast %get3A_1 : vector<10000x1xf32> to vector<10000x128xf32>
    %mul3A_17 = arith.mulf %mul3A_16, %get3A_15 : vector<10000x128xf32>
    %add3A_18 = arith.addf %mul3A_12, %mul3A_17 : vector<10000x128xf32>
    %get3A_19 = arith.constant 0 : index
    %get3A_20 = arith.constant 0 : index
    %get3A_21 = vector.load %arg3[%get3A_19, %get3A_20] : memref<1x128xf32, #tpu.memory_space<vmem>>, vector<1x128xf32>
    %add3A_22 = vector.broadcast %get3A_21 : vector<1x128xf32> to vector<10000x128xf32>
    %add3A_23 = arith.addf %add3A_18, %add3A_22 : vector<10000x128xf32>
    %max3A = arith.constant 0.000000e+00 : f32
    %max3A_24 = vector.broadcast %max3A : f32 to vector<10000x128xf32>
    %max3A_25 = arith.maximumf %add3A_23, %max3A_24 : vector<10000x128xf32>
    %swap3A = arith.constant 0 : index
    %swap3A_26 = arith.constant 0 : index
    %swap3A_27 = vector.load %arg6[%swap3A, %swap3A_26] : memref<10000x128xf32, #tpu.memory_space<vmem>>, vector<10000x128xf32>
    tpu.vector_store %arg6[%swap3A, %swap3A_26], %max3A_25 {strides = array<i32>} : memref<10000x128xf32, #tpu.memory_space<vmem>>, vector<10000x128xf32>,
    %get3A_28 = arith.constant 0 : index
    %get3A_29 = arith.constant 0 : index
    %get3A_30 = vector.load %arg4[%get3A_28, %get3A_29] : memref<128x128xf32, #tpu.memory_space<vmem>>, vector<128x128xf32>
    %get3A_31 = arith.constant 0 : index
    %get3A_32 = arith.constant 0 : index
    %get3A_33 = vector.load %arg5[%get3A_31, %get3A_32] : memref<1x128xf32, #tpu.memory_space<vmem>>, vector<1x128xf32>
    %mul3A_34 = arith.mulf %get3A_33, %get3A_33 : vector<1x128xf32>
    %reduce_sum3A = vector.shape_cast %mul3A_34 : vector<1x128xf32> to vector<1x1x128xf32>
    %reduce_sum3A_35 = arith.constant dense<0.000000e+00> : vector<1xf32>
    %reduce_sum3A_36 = vector.multi_reduction <add>, %reduce_sum3A, %reduce_sum3A_35 [1, 2] : vector<1x1x128xf32> to vector<1xf32>
    %reduce_sum3A_37 = vector.shape_cast %reduce_sum3A_36 : vector<1xf32> to vector<1x1x1xf32>
    %reduce_sum3A_38 = vector.extract %reduce_sum3A_37[0, 0, 0] : f32 from vector<1x1x1xf32>
    %sqrt3A = math.sqrt %reduce_sum3A_38 : f32
    %add3A_39 = arith.constant 9.99999996E-13 : f32
    %add3A_40 = arith.addf %sqrt3A, %add3A_39 : f32
    %div3A = vector.broadcast %add3A_40 : f32 to vector<1x128xf32>
    %div3A_41 = arith.divf %get3A_33, %div3A : vector<1x128xf32>
    %dot_general3A = arith.constant dense<0.000000e+00> : vector<1x128xf32>
    %dot_general3A_42 = tpu.matmul %div3A_41, %get3A_30, %dot_general3A {dimension_numbers = #tpu.dot_dimension_numbers<[1], [0], [0], [1], [0, 0, 1, 1], [], []>, transpose_lhs_hint = false} : vector<1x128xf32>, vector<128x128xf32>, vector<1x128xf32> -> vector<1x128xf32>
    %mul3A_43 = arith.mulf %dot_general3A_42, %dot_general3A_42 : vector<1x128xf32>
    %reduce_sum3A_44 = vector.shape_cast %mul3A_43 : vector<1x128xf32> to vector<1x1x128xf32>
    %reduce_sum3A_45 = arith.constant dense<0.000000e+00> : vector<1xf32>
    %reduce_sum3A_46 = vector.multi_reduction <add>, %reduce_sum3A_44, %reduce_sum3A_45 [1, 2] : vector<1x1x128xf32> to vector<1xf32>
    %reduce_sum3A_47 = vector.shape_cast %reduce_sum3A_46 : vector<1xf32> to vector<1x1x1xf32>
    %reduce_sum3A_48 = vector.extract %reduce_sum3A_47[0, 0, 0] : f32 from vector<1x1x1xf32>
    %sqrt3A_49 = math.sqrt %reduce_sum3A_48 : f32
    %add3A_50 = arith.constant 9.99999996E-13 : f32
    %add3A_51 = arith.addf %sqrt3A_49, %add3A_50 : f32
    %div3A_52 = vector.broadcast %add3A_51 : f32 to vector<1x128xf32>
    %div3A_53 = arith.divf %dot_general3A_42, %div3A_52 : vector<1x128xf32>
    %dot_general3A_54 = arith.constant dense<0.000000e+00> : vector<1x128xf32>
    %dot_general3A_55 = tpu.matmul %div3A_53, %get3A_30, %dot_general3A_54 {dimension_numbers = #tpu.dot_dimension_numbers<[1], [1], [0], [0], [0, 0, 1, 0], [], []>, transpose_lhs_hint = false} : vector<1x128xf32>, vector<128x128xf32>, vector<1x128xf32> -> vector<1x128xf32>
    %mul3A_56 = arith.mulf %dot_general3A_55, %dot_general3A_55 : vector<1x128xf32>
    %reduce_sum3A_57 = vector.shape_cast %mul3A_56 : vector<1x128xf32> to vector<1x1x128xf32>
    %reduce_sum3A_58 = arith.constant dense<0.000000e+00> : vector<1xf32>
    %reduce_sum3A_59 = vector.multi_reduction <add>, %reduce_sum3A_57, %reduce_sum3A_58 [1, 2] : vector<1x1x128xf32> to vector<1xf32>
    %reduce_sum3A_60 = vector.shape_cast %reduce_sum3A_59 : vector<1xf32> to vector<1x1x1xf32>
    %reduce_sum3A_61 = vector.extract %reduce_sum3A_60[0, 0, 0] : f32 from vector<1x1x1xf32>
    %sqrt3A_62 = math.sqrt %reduce_sum3A_61 : f32
    %mul3A_63 = arith.mulf %sqrt3A_62, %sqrt3A_62 : f32
    %add3A_64 = arith.constant 9.99999996E-13 : f32
    %add3A_65 = arith.addf %sqrt3A_62, %add3A_64 : f32
    %div3A_66 = arith.divf %mul3A_63, %add3A_65 : f32
    %get3A_67 = arith.constant 0 : index
    %get3A_68 = arith.constant 0 : index
    %get3A_69 = vector.load %arg4[%get3A_67, %get3A_68] : memref<128x128xf32, #tpu.memory_space<vmem>>, vector<128x128xf32>
    %div3A_70 = vector.broadcast %div3A_66 : f32 to vector<128x128xf32>
    %div3A_71 = arith.divf %get3A_69, %div3A_70 : vector<128x128xf32>
    %dot_general3A_72 = arith.constant dense<0.000000e+00> : vector<10000x128xf32>
    %dot_general3A_73 = tpu.matmul %max3A_25, %div3A_71, %dot_general3A_72 {dimension_numbers = #tpu.dot_dimension_numbers<[1], [0], [0], [1], [0, 0, 1, 1], [], []>, transpose_lhs_hint = false} : vector<10000x128xf32>, vector<128x128xf32>, vector<10000x128xf32> -> vector<10000x128xf32>
    %mul3A_74 = vector.broadcast %get3A_1 : vector<10000x1xf32> to vector<10000x128xf32>
    %mul3A_75 = arith.mulf %dot_general3A_73, %mul3A_74 : vector<10000x128xf32>
    %swap3A_76 = arith.constant 0 : index
    %swap3A_77 = arith.constant 0 : index
    %swap3A_78 = vector.load %arg7[%swap3A_76, %swap3A_77] : memref<10000x128xf32, #tpu.memory_space<vmem>>, vector<10000x128xf32>
    tpu.vector_store %arg7[%swap3A_76, %swap3A_77], %mul3A_75 {strides = array<i32>} : memref<10000x128xf32, #tpu.memory_space<vmem>>, vector<10000x128xf32>,
    return
  }
}

module attributes {stable_mosaic.version = 14 : i64} {
  func.func @_combine2_body(%arg0: memref<2x10240x128xf32, #tpu.memory_space<vmem>>, %arg1: memref<10000x128xf32, #tpu.memory_space<vmem>>, %arg2: memref<10000x128xf32, #tpu.memory_space<vmem>>, %arg3: memref<10000x1xf32, #tpu.memory_space<vmem>>, %arg4: memref<1x128xf32, #tpu.memory_space<vmem>>, %arg5: memref<10000x128xf32, #tpu.memory_space<vmem>>) attributes {dimension_semantics = [], scalar_prefetch = 0 : i64, scratch_operands = 0 : i64, tpu.core_type = #tpu.core_type<tc>} {
    %get3A = arith.constant 0 : index
    %get3A_0 = arith.constant 0 : index
    %get3A_1 = vector.load %arg3[%get3A, %get3A_0] : memref<10000x1xf32, #tpu.memory_space<vmem>>, vector<10000x1xf32>
    %get3A_2 = arith.constant 0 : index
    %get3A_3 = arith.constant 0 : index
    %get3A_4 = arith.constant 0 : index
    %get3A_5 = vector.load %arg0[%get3A_2, %get3A_3, %get3A_4] : memref<2x10240x128xf32, #tpu.memory_space<vmem>>, vector<1x10000x128xf32>
    %get3A_6 = vector.shape_cast %get3A_5 : vector<1x10000x128xf32> to vector<10000x128xf32>
    %get3A_7 = arith.constant 1 : index
    %get3A_8 = arith.constant 0 : index
    %get3A_9 = arith.constant 0 : index
    %get3A_10 = vector.load %arg0[%get3A_7, %get3A_8, %get3A_9] : memref<2x10240x128xf32, #tpu.memory_space<vmem>>, vector<1x10000x128xf32>
    %get3A_11 = vector.shape_cast %get3A_10 : vector<1x10000x128xf32> to vector<10000x128xf32>
    %add3A = arith.addf %get3A_6, %get3A_11 : vector<10000x128xf32>
    %mul3A = vector.broadcast %get3A_1 : vector<10000x1xf32> to vector<10000x128xf32>
    %mul3A_12 = arith.mulf %mul3A, %add3A : vector<10000x128xf32>
    %get3A_13 = arith.constant 0 : index
    %get3A_14 = arith.constant 0 : index
    %get3A_15 = vector.load %arg1[%get3A_13, %get3A_14] : memref<10000x128xf32, #tpu.memory_space<vmem>>, vector<10000x128xf32>
    %mul3A_16 = vector.broadcast %get3A_1 : vector<10000x1xf32> to vector<10000x128xf32>
    %mul3A_17 = arith.mulf %mul3A_16, %get3A_15 : vector<10000x128xf32>
    %add3A_18 = arith.addf %mul3A_12, %mul3A_17 : vector<10000x128xf32>
    %get3A_19 = arith.constant 0 : index
    %get3A_20 = arith.constant 0 : index
    %get3A_21 = vector.load %arg4[%get3A_19, %get3A_20] : memref<1x128xf32, #tpu.memory_space<vmem>>, vector<1x128xf32>
    %add3A_22 = vector.broadcast %get3A_21 : vector<1x128xf32> to vector<10000x128xf32>
    %add3A_23 = arith.addf %add3A_18, %add3A_22 : vector<10000x128xf32>
    %max3A = arith.constant 0.000000e+00 : f32
    %max3A_24 = vector.broadcast %max3A : f32 to vector<10000x128xf32>
    %max3A_25 = arith.maximumf %add3A_23, %max3A_24 : vector<10000x128xf32>
    %get3A_26 = arith.constant 0 : index
    %get3A_27 = arith.constant 0 : index
    %get3A_28 = vector.load %arg2[%get3A_26, %get3A_27] : memref<10000x128xf32, #tpu.memory_space<vmem>>, vector<10000x128xf32>
    %max3A_29 = arith.maximumf %get3A_28, %max3A_25 : vector<10000x128xf32>
    %swap3A = arith.constant 0 : index
    %swap3A_30 = arith.constant 0 : index
    %swap3A_31 = vector.load %arg5[%swap3A, %swap3A_30] : memref<10000x128xf32, #tpu.memory_space<vmem>>, vector<10000x128xf32>
    tpu.vector_store %arg5[%swap3A, %swap3A_30], %max3A_29 {strides = array<i32>} : memref<10000x128xf32, #tpu.memory_space<vmem>>, vector<10000x128xf32>,
    return
  }
}

</mosaic_0001>

<sc_bundles>
// kernel: kernel.10.cloned.1.call-start
scs
__scs_entry_jumppad:
0x0: {  	(pc) =	sbr.rel $0x88, $3  }
0x1: {  	(tag) =	ssettag $0x0;
	lr =	simm.s32 $0x1  }
0x2: {  	[smem:$0x3F99] =	sst lr;
	_ =	strace $0xD0000000  }
0x3: {  	_ = 	snop  }
0x4: {  	_ = 	snop  }
0x5: {  	_ = 	snop  }
0x6: {  	_ = 	snop  }
0x7: {  	_ = 	snop  }
__scs_overlays_trampoline_lowered:
0x8: {  	[smem:$0x3FA8] =	sst s0  }
0x9: {  	[smem:$0x3FA9] =	sst s1  }
0xa: {  	[smem:$0x3FAA] =	sst s2  }
0xb: {  	[smem:$0x3FAB] =	sst s3  }
0xc: {  	[smem:$0x3FAC] =	sst s4  }
0xd: {  	[smem:$0x3FAD] =	sst s5  }
0xe: {  	[smem:$0x3FAE] =	sst s6  }
0xf: {  	[smem:$0x3FAF] =	sst s7  }
0x10: {  	[smem:$0x3FB0] =	sst s8  }
0x11: {  	[smem:$0x3FB1] =	sst s9;
	s0 =	simm.s32 @!p0 $0x0  }
0x12: {  	s1 =	sld [smem:$0x3F97];
	s0 =	simm.s32 @p0 $0x1  }
0x13: {  	[smem:$0x3FB2] =	sst s0;
	s0 =	simm.s32 @!p1 $0x0  }
0x14: {  	s2 =	sld [smem:$0x3F96];
	s0 =	simm.s32 @p1 $0x1  }
0x15: {  	[smem:$0x3FB3] =	sst s0;
	s0 =	simm.s32 @!p2 $0x0  }
0x16: {  	s3 =	sld [smem:$0x3FDB];
	s0 =	simm.s32 @p2 $0x1  }
0x17: {  	s4 =	simm.s32 $0x1BF5;
	[smem:$0x3FB5] =	sst s0  }
0x18: {  	s0 =	sld [smem:$0x3F98];
	_ =	swait.ge [sflag:s4], $0x0  }
0x19: {  	s7 =	sld [smem:$0x3F99]  }
0x1a: {  	s8 =	sadd.s32 $0xFFFFE003, lr  }
0x1b: {  	s9 =	sadd.s32 $0xFFFFFEF7, lr;
	s5 =	simm.s32 $0xFFFFFFFF;
	p2 =	slt.u32 s8, $0xFFFFF086  }
0x1c: {  	p1 =	slt.u32 s9, $0xF7A;
	s5 =	simm.s32 @!p2 $0x0  }
0x1d: {  	s5 =	simm.s32 @p1 $0x1;
	p0 =	seq.s32 s7, s2  }
0x1e: {  	s7 =	smul.u32 @!p0 $0xF7A, s2;
	p2 =	seq.s32 @!p0 s5, $0x0  }
0x1f: {  	s9 =	smul.u32 $0xF7A, s1;
	s8 =	simm.s32 @!p0 $0x1BF5;
	p2 =	por !p2, p0  }
0x20: {  	[sflag:s8] =	ssyncset.s32 @!p0 $0xFFFFF086;
	s6 =	sadd.s32 @!p0 s3, s7;
	s7 =	simm.s32 @!p0 $0x108  }
0x21: {  	s3 =	sadd.s32 s3, s9;
	s6 =	sadd.s32 @!p0 $0x88, s6;
	s7 =	simm.s32 @p2 $0x1082  }
0x22: {  	[simem:s7], [sflag:s8] =	dma.local @!p0 [hbm:s6], $0xF7A  }
0x23: {  	s9 =	sor.u32 $0xD0000000, s2;
	s6 =	simm.s32 $0x108;
	_ =	swait.ge @!p0 [sflag:s8], $0x0  }
0x24: {  	s3 =	sadd.s32 $0x88, s3;
	s6 =	simm.s32 @!p1 $0x1082;
	[sflag:s4] =	ssyncset.s32 $0xFFFFF086  }
0x25: {  	[simem:s6], [sflag:s4] =	dma.local [hbm:s3], $0xF7A  }
0x26: {  	[smem:$0x3F99] =	sst s1;
	(tag) =	ssettag s2;
	_ =	strace s9  }
0x27: {  	s1 =	sld [smem:$0x3FA9]  }
0x28: {  	s2 =	sld [smem:$0x3FAA]  }
0x29: {  	s4 =	sld [smem:$0x3FAC]  }
0x2a: {  	p0 =	seq.s32 s5, $0x0;
	s5 =	sld [smem:$0x3FAD]  }
0x2b: {  	s6 =	sld [smem:$0x3FAE]  }
0x2c: {  	s7 =	sld [smem:$0x3FAF]  }
0x2d: {  	s3 =	simm.s32 $0x108;
	s8 =	sld [smem:$0x3FB0]  }
0x2e: {  	s3 =	simm.s32 @!p0 $0x1082;
	s9 =	sld [smem:$0x3FB1]  }
0x2f: {  	lr =	sadd.s32 s0, s3;
	s0 =	sld [smem:$0x3FA8]  }
0x30: {  	s3 =	sld [smem:$0x3FAB]  }
0x31: {  	[smem:$0x3FB4] =	sst s10  }
0x32: {  	s10 =	sld [smem:$0x3FB2];
	_ =	sdelay $0x3  }
0x33: {  	p0 =	seq.s32 s10, $0x1;
	s10 =	sld [smem:$0x3FB4];
	_ =	sdelay $0x3  }
0x34: {  	[smem:$0x3FB4] =	sst s10  }
0x35: {  	s10 =	sld [smem:$0x3FB3];
	_ =	sdelay $0x3  }
0x36: {  	p1 =	seq.s32 s10, $0x1;
	s10 =	sld [smem:$0x3FB4];
	_ =	sdelay $0x3  }
0x37: {  	[smem:$0x3FB4] =	sst s10  }
0x38: {  	s10 =	sld [smem:$0x3FB5]  }
0x39: {  	_ = 	snop;
	(pc) =	sbr.ind lr, $3  }
0x3a: {  	_ = 	snop  }
0x3b: {  	_ = 	snop  }
0x3c: {  	p2 =	seq.s32 s10, $0x1;
	s10 =	sld [smem:$0x3FB4]  }
0x3d: {  	_ =	shalt  }
0x3e: {  	_ =	shalt  }
0x3f: {  	_ =	shalt  }
0x40: {  	_ =	shalt  }
0x41: {  	_ =	shalt  }
0x42: {  	_ =	shalt  }
0x43: {  	_ =	shalt  }
0x44: {  	_ =	shalt  }
0x45: {  	_ =	shalt  }
0x46: {  	_ =	shalt  }
0x47: {  	_ =	shalt  }
0x48: {  	_ =	shalt  }
0x49: {  	_ =	shalt  }
0x4a: {  	_ =	shalt  }
0x4b: {  	_ =	shalt  }
0x4c: {  	_ =	shalt  }
0x4d: {  	_ =	shalt  }
0x4e: {  	_ =	shalt  }
0x4f: {  	_ =	shalt  }
0x50: {  	_ =	shalt  }
0x51: {  	_ =	shalt  }
0x52: {  	_ =	shalt  }
0x53: {  	_ =	shalt  }
0x54: {  	_ =	shalt  }
0x55: {  	_ =	shalt  }
0x56: {  	_ =	shalt  }
0x57: {  	_ =	shalt  }
0x58: {  	_ =	shalt  }
0x59: {  	_ =	shalt  }
0x5a: {  	_ =	shalt  }
0x5b: {  	_ =	shalt  }
0x5c: {  	_ =	shalt  }
0x5d: {  	_ =	shalt  }
0x5e: {  	_ =	shalt  }
0x5f: {  	_ =	shalt  }
0x60: {  	_ =	shalt  }
0x61: {  	_ =	shalt  }
0x62: {  	_ =	shalt  }
0x63: {  	_ =	shalt  }
0x64: {  	_ =	shalt  }
0x65: {  	_ =	shalt  }
0x66: {  	_ =	shalt  }
0x67: {  	_ =	shalt  }
0x68: {  	_ =	shalt  }
0x69: {  	_ =	shalt  }
0x6a: {  	_ =	shalt  }
0x6b: {  	_ =	shalt  }
0x6c: {  	_ =	shalt  }
0x6d: {  	_ =	shalt  }
0x6e: {  	_ =	shalt  }
0x6f: {  	_ =	shalt  }
0x70: {  	_ =	shalt  }
0x71: {  	_ =	shalt  }
0x72: {  	_ =	shalt  }
0x73: {  	_ =	shalt  }
0x74: {  	_ =	shalt  }
0x75: {  	_ =	shalt  }
0x76: {  	_ =	shalt  }
0x77: {  	_ =	shalt  }
0x78: {  	_ =	shalt  }
0x79: {  	_ =	shalt  }
0x7a: {  	_ =	shalt  }
0x7b: {  	_ =	shalt  }
0x7c: {  	_ =	shalt  }
0x7d: {  	_ =	shalt  }
0x7e: {  	_ =	shalt  }
0x7f: {  	_ =	shalt  }
0x80: {  	_ =	shalt  }
0x81: {  	_ =	shalt  }
0x82: {  	_ =	shalt  }
0x83: {  	_ =	shalt  }
0x84: {  	_ =	shalt  }
0x85: {  	_ =	shalt  }
0x86: {  	_ =	shalt  }
0x87: {  	_ =	shalt  }
.Lfunc_end0:
.L_simem_size_0:
called_computation_lowered:
.L_overlay_start_0:
0x88: {  	s2 =	sld [smem:$0x3FD9]  }
0x89: {  	s3 =	sld [smem:$0x3FFE];
	_ =	sdelay $0x1  }
0x8a: {  	s1 =	srdreg.scid  }
0x8b: {  	s0 =	sand.u32 $0x1, s1  }
0x8c: {  	s17 =	sshll.u32 s0, $0xA;
	s2 =	sadd.s32 s3, s2  }
0x8d: {  	s2 =	sadd.s32 s2, s17  }
0x8e: {  	[smem:$0x3FC0] =	sst s2  }
0x8f: {  	_ = 	snop  }
0x90: {  	s2 =	sld [smem:$0x3FC8]  }
0x91: {  	s18 =	sld [smem:$0x3FD0];
	(tm) =	ssettm $0x1  }
0x92: {  	s4 =	sld [smem:$0x3FFB];
	_ =	sdelay $0x3  }
0x93: {  	_ =	strace s4  }
0x94: {  	s4 =	sld [smem:$0x3FFC];
	_ =	sdelay $0x3  }
0x95: {  	_ =	strace s4  }
0x96: {  	s4 =	sld [smem:$0x3FFD];
	_ =	sdelay $0x3  }
0x97: {  	_ =	strace s4  }
0x98: {  	_ =	strace $0x8FFFFFFF  }
0x99: {  	s19 =	sld [smem:$0x3FDB];
	_ =	sdelay $0x1  }
0x9a: {  	s5 =	simm.s32 $_scs_section_size  }
0x9b: {  	s6 =	simm.s32 $_size__tile_overlayer_lowered;
	s7 =	simm.s32 $_tile_overlayer_lowered  }
0x9c: {  	s22 =	simm.s32 $0x1BFF;
	s21 =	sshll.u32 s7, $0x1;
	s4 =	sadd.s32 s5, s19  }
0x9d: {  	s8 =	simm.s32 $0x0;
	s20 =	sshll.u32 s6, $0x1;
	s6 =	sadd.s32 s21, s4  }
0x9e: {  	[timem:s8], [sflag:s22] =	dma.local [hbm:s6], s20  }
0x9f: {  	_ =	swait.ge [sflag:s22], s20  }
0xa0: {  	s5 =	ssub.s32 $0x0, s20;
	[sflag:s22] =	ssyncset.done $0x0  }
0xa1: {  	[sflag:s22] =	ssyncadd.s32 s5;
	_ =	sdelay $0x1  }
0xa2: {  	s23 =	simm.s32 $0x1B8B  }
0xa3: {  	_ =	swait.ge [sflag:s23], $0x1  }
0xa4: {  	[sflag:s23] =	ssyncset.done $0x0  }
0xa5: {  	s25 =	simm.s32 $0x1B8E;
	s24 =	sld [smem:$0x3FFE];
	[sflag:s23] =	ssyncadd.s32 $0xFFFFFFFF  }
0xa6: {  	s26 =	simm.s32 $execute0_lowered;
	[smem:$0x3FD2] =	sst s25  }
0xa7: {  	s6 =	sshll.u32 s26, $0x1;
	_ =	strace $0x80000046;
	[dreg:$0x1] =	wrdreg $0xFFFFFFFF  }
0xa8: {  	s28 =	simm.s32 $_size_execute0_lowered;
	s4 =	sadd.s32 s4, s6;
	[dreg:$0x0] =	wrdreg $0x0  }
0xa9: {  	s6 =	sshll.u32 s28, $0x1;
	[dreg:$0x2] =	wrdreg s4  }
0xaa: {  	[dreg:$0x3] =	wrdreg s6  }
0xab: {  	[dreg:$0x4] =	wrdreg $0xC0  }
0xac: {  	_ =	task [dreg:s8], $0x5FFFF  }
0xad: {  	[dreg:$0x1] =	wrdreg $0xFFFFFFFF  }
0xae: {  	[dreg:$0x0] =	wrdreg $0x60  }
0xaf: {  	[dreg:$0x2] =	wrdreg s2  }
0xb0: {  	[dreg:$0x3] =	wrdreg s18  }
0xb1: {  	[dreg:$0x4] =	wrdreg s24  }
0xb2: {  	[dreg:$0x5] =	wrdreg $0xA2000  }
0xb3: {  	[dreg:$0x6] =	wrdreg $0x9  }
0xb4: {  	_ =	task.clear_ibuf [dreg:s8], $0x7FFFF;
	_ =	strace $0x90000046  }
0xb5: {  	s29 =	simm.s32 $0x9;
	_ =	strace $0x80000048  }
0xb6: {  	_ =	swait.ge [sflag:s29], $0x1  }
0xb7: {  	[sflag:s29] =	ssyncadd.s32 $0xFFFFFFFF  }
0xb8: {  	_ =	strace $0x90000048  }
0xb9: {  	_ =	sfence  }
0xba: {  	s30 =	sld [smem:$0x0];
	_ =	sdelay $0x2  }
0xbb: {  	s31 =	sshll.u32 s1, $0xD;
	s1 =	sshrl.u32 s1, $0x2  }
0xbc: {  	s3 =	sand.u32 $0x4000, s31;
	s1 =	sadd.s32 s1, s30  }
0xbd: {  	s0 =	sor.u32 s3, s0;
	s1 =	sshll.u32 s1, $0x11  }
0xbe: {  	s0 =	sor.u32 s1, s0  }
0xbf: {  	s0 =	sadd.s32 $0x8F2B, s0  }
0xc0: {  	[sflag:s0] =	ssyncadd.remote.s32 $0x1  }
0xc1: {  	_ =	sfence.sel $0xFFFF  }
0xc2: {  	[dreg:$0x0] =	wrdreg $0xFFFFFFFF;
	(pc) =	sbr.abs _section_cstart, $3  }
0xc3: {  	[dreg:$0x1] =	wrdreg $0xFFFFFFFF  }
0xc4: {  	_ =	task.clear_ibuf [dreg:s8], $0x2FFFF;
	_ =	strace $0x9FFFFFFF  }
0xc5: {  	(tm) =	ssettm $0x7FFFFFFF  }
tec
execute0_lowered:
.L_overlay_start_1:
0x0: {  	(tag) =	ssettag $0x1  }
0x1: {  	s4 =	rddreg [dreg:$0x0]  }
0x2: {  	s9 =	rddreg [dreg:$0x1]  }
0x3: {  	s6 =	rddreg [dreg:$0x2]  }
0x4: {  	s0 =	srdreg.scid;
	s2 =	rddreg [dreg:$0x3]  }
0x5: {  	s1 =	rddreg [dreg:$0x4];
	s3 =	simm.s32 $0x0;
	s14 =	simm.s32 $0x3  }
0x6: {  	s15 =	simm.s32 $0x1;
	s16 =	simm.s32 $0x2;
	s17 =	simm.s32 $0x4F00  }
0x7: {  	s18 =	simm.s32 $0x9F00;
	s21 =	simm.s32 $0x10;
	s5 =	sand.u32 $0x1, s0  }
0x8: {  	s0 =	stileid.u32;
	[smem:$0x7FF] =	sst s3;
	s10 =	sshll.u32 s5, $0x4  }
0x9: {  	s8 =	sshll.u32 s0, $0x4;
	_ =	strace $0x80000047;
	s12 =	smul.u32 $0xA00, s0  }
0xa: {  	s5 =	ssub.s32 $0x2, s5;
	s31 =	sand.u32 $0x7, s0;
	s20 =	smul.u32 $0xA0, s0  }
0xb: {  	s7 =	sor.u32 s0, s10;
	s8 =	sand.u32 $0x70, s8;
	s28 =	sshrl.u32 s5, $0x1  }
0xc: {  	s19 =	sadd.s32 s9, s10;
	s22 =	sshll.u32 s31, $0x4;
	s11 =	smul.u32 $0x2710, s7  }
0xd: {  	s10 =	simm.s32 $0x80;
	s7 =	smul.u32 $0x500, s7;
	s29 =	sshrl.u32 s12, $0x2  }
0xe: {  	s30 =	ssub.s32 s5, s28;
	s23 =	sor.u32 $0x2780, s22;
	s12 =	simm.s32 $0x2780  }
0xf: {  	s19 =	sadd.s32 s20, s19;
	s20 =	simm.s32 $0x20;
	s11 =	ssub.s32 s11, s8  }
0x10: {  	v2 =	vmov s22;
	s22 =	simm.s32 $0x0;
	s9 =	smax.u32 s30, $0x1;
	s11 =	sshrl.u32 s11, $0x2  }
0x11: {  	v3 =	vmov s23;
	s13 =	sadd.s32 s7, s6;
	s6 =	sadd.s32 s29, s2;
	s26 =	sand.u32 $0xFFFFFE0, s11  }
0x12: {  	s7 =	sor.u32 $0x2700, s8;
	s8 =	sadd.s32 $0x2800, s13;
	s4 =	sadd.s32 s4, s26  }
0x13: {  	v0 =	vimm.f32 $1.000000000e+00;
	v1 =	vimm.f32 $0.0e+00;
	s13 =	simm.s32 $0x9F80;
	s11 =	simm.s32 $0x100;
	s5 =	sadd.s32 $0x10, s4  }
.LBB2_1:
0x14: {  	[tilespmem:s3], [sflag:$0x1] =	stream.strided.gather [hbm4b:s4+s10], $0x2780, s11, s10, $0x38;
	[tilespmem:$0xA480] =	vst v63  }
0x15: {  	_ = 	snop  }
0x16: {  	[tilespmem:s12], [sflag:$0x2] =	stream.strided.gather [hbm4b:s5+s10], $0x2780, s11, s10, $0x38;
	[tilespmem:$0xA480] =	vst v63  }
0x17: {  	[tilespmem:$0x9F00] =	vst v0  }
0x18: {  	[tilespmem:$0x9F10] =	vst v0  }
0x19: {  	[tilespmem:$0x9F20] =	vst v0  }
0x1a: {  	[tilespmem:$0x9F30] =	vst v0  }
0x1b: {  	[tilespmem:$0x9F40] =	vst v0  }
0x1c: {  	[tilespmem:$0x9F50] =	vst v0  }
0x1d: {  	[tilespmem:$0x9F60] =	vst v0  }
0x1e: {  	[tilespmem:$0x9F70] =	vst v0  }
0x1f: {  	[tilespmem:$0x9F80] =	vst v1  }
0x20: {  	[tilespmem:$0x9F90] =	vst v1  }
0x21: {  	[tilespmem:$0x9FA0] =	vst v1  }
0x22: {  	[tilespmem:$0x9FB0] =	vst v1  }
0x23: {  	[tilespmem:$0x9FC0] =	vst v1  }
0x24: {  	[tilespmem:$0x9FD0] =	vst v1  }
0x25: {  	[tilespmem:$0x9FE0] =	vst v1  }
0x26: {  	[tilespmem:$0x9FF0] =	vst v1  }
0x27: {  	[tilespmem:$0xA000] =	vst v1  }
0x28: {  	[tilespmem:$0xA010] =	vst v1  }
0x29: {  	[tilespmem:$0xA020] =	vst v1  }
0x2a: {  	[tilespmem:$0xA030] =	vst v1  }
0x2b: {  	[tilespmem:$0xA040] =	vst v1  }
0x2c: {  	[tilespmem:$0xA050] =	vst v1  }
0x2d: {  	[tilespmem:$0xA060] =	vst v1  }
0x2e: {  	[tilespmem:$0xA070] =	vst v1  }
0x2f: {  	[tilespmem:$0xA080] =	vst v1  }
0x30: {  	[tilespmem:$0xA090] =	vst v1  }
0x31: {  	[tilespmem:$0xA0A0] =	vst v1  }
0x32: {  	[tilespmem:$0xA0B0] =	vst v1  }
0x33: {  	[tilespmem:$0xA0C0] =	vst v1  }
0x34: {  	[tilespmem:$0xA0D0] =	vst v1  }
0x35: {  	[tilespmem:$0xA0E0] =	vst v1  }
0x36: {  	[tilespmem:$0xA0F0] =	vst v1  }
0x37: {  	[tilespmem:$0xA100] =	vst v1  }
0x38: {  	[tilespmem:$0xA110] =	vst v1  }
0x39: {  	[tilespmem:$0xA120] =	vst v1  }
0x3a: {  	[tilespmem:$0xA130] =	vst v1  }
0x3b: {  	[tilespmem:$0xA140] =	vst v1  }
0x3c: {  	[tilespmem:$0xA150] =	vst v1  }
0x3d: {  	[tilespmem:$0xA160] =	vst v1  }
0x3e: {  	[tilespmem:$0xA170] =	vst v1  }
0x3f: {  	[tilespmem:$0xA180] =	vst v1  }
0x40: {  	[tilespmem:$0xA190] =	vst v1  }
0x41: {  	[tilespmem:$0xA1A0] =	vst v1  }
0x42: {  	[tilespmem:$0xA1B0] =	vst v1  }
0x43: {  	[tilespmem:$0xA1C0] =	vst v1  }
0x44: {  	[tilespmem:$0xA1D0] =	vst v1  }
0x45: {  	[tilespmem:$0xA1E0] =	vst v1  }
0x46: {  	[tilespmem:$0xA1F0] =	vst v1  }
0x47: {  	[spmem:s6] =	stream.linear.scatter [tilespmem:s13], [sflag:$0x3], $0x280, $0x38;
	[tilespmem:$0xA480] =	vst v63  }
0x48: {  	_ =	swait.ge [sflag:s14], $0x280  }
0x49: {  	[sflag:s14] =	ssyncset.done $0x0  }
0x4a: {  	[sflag:s14] =	ssyncadd.s32 $0xFFFFFD80  }
0x4b: {  	_ =	swait.ge [sflag:s15], $0x2780  }
0x4c: {  	[sflag:s15] =	ssyncset.done $0x0  }
0x4d: {  	[sflag:s15] =	ssyncadd.s32 $0xFFFFD880  }
0x4e: {  	_ =	swait.ge [sflag:s16], $0x2780  }
0x4f: {  	[sflag:s16] =	ssyncset.done $0x0  }
0x50: {  	s23 =	simm.s32 $0x0;
	[sflag:s16] =	ssyncadd.s32 $0xFFFFD880  }
0x51: {  	v4 =	vld.idx.msk [tilespmem:v3+s23+$0x0 ss:$0x1], $0xffff  }
0x52: {  	v5 =	vld.idx.msk [tilespmem:v2+s23+$0x0 ss:$0x1], $0xffff;
	_ =	sdelay $0x3  }
0x53: {  	v6 =	vshll.u32 v4, $0x10  }
0x54: {  	[tilespmem:s23+$0x7700] =	vst v4;
	v5 =	vor.u32 v5, v6  }
0x55: {  	[tilespmem:s23+$0x4F00] =	vst v5  }
0x56: {  	v4 =	vld.idx.msk [tilespmem:v3+s23+$0x10 ss:$0x1], $0xffff  }
0x57: {  	v5 =	vld.idx.msk [tilespmem:v2+s23+$0x10 ss:$0x1], $0xffff;
	_ =	sdelay $0x3  }
0x58: {  	v6 =	vshll.u32 v4, $0x10  }
0x59: {  	[tilespmem:s23+$0x7710] =	vst v4;
	v5 =	vor.u32 v5, v6  }
0x5a: {  	[tilespmem:s23+$0x4F10] =	vst v5  }
0x5b: {  	v4 =	vld.idx.msk [tilespmem:v3+s23+$0x20 ss:$0x1], $0xffff  }
0x5c: {  	v5 =	vld.idx.msk [tilespmem:v2+s23+$0x20 ss:$0x1], $0xffff;
	_ =	sdelay $0x3  }
0x5d: {  	v6 =	vshll.u32 v4, $0x10  }
0x5e: {  	[tilespmem:s23+$0x7720] =	vst v4;
	v5 =	vor.u32 v5, v6  }
0x5f: {  	[tilespmem:s23+$0x4F20] =	vst v5  }
0x60: {  	v4 =	vld.idx.msk [tilespmem:v3+s23+$0x30 ss:$0x1], $0xffff  }
0x61: {  	v5 =	vld.idx.msk [tilespmem:v2+s23+$0x30 ss:$0x1], $0xffff;
	_ =	sdelay $0x3  }
0x62: {  	v6 =	vshll.u32 v4, $0x10  }
0x63: {  	[tilespmem:s23+$0x7730] =	vst v4;
	v4 =	vor.u32 v5, v6  }
0x64: {  	[tilespmem:s23+$0x4F30] =	vst v4  }
0x65: {  	v4 =	vld.idx.msk [tilespmem:v3+s23+$0x40 ss:$0x1], $0xffff  }
0x66: {  	v5 =	vld.idx.msk [tilespmem:v2+s23+$0x40 ss:$0x1], $0xffff;
	_ =	sdelay $0x3  }
0x67: {  	v6 =	vshll.u32 v4, $0x10  }
0x68: {  	[tilespmem:s23+$0x7740] =	vst v4;
	v4 =	vor.u32 v5, v6  }
0x69: {  	[tilespmem:s23+$0x4F40] =	vst v4  }
0x6a: {  	v4 =	vld.idx.msk [tilespmem:v3+s23+$0x50 ss:$0x1], $0xffff  }
0x6b: {  	v5 =	vld.idx.msk [tilespmem:v2+s23+$0x50 ss:$0x1], $0xffff;
	_ =	sdelay $0x3  }
0x6c: {  	v6 =	vshll.u32 v4, $0x10  }
0x6d: {  	[tilespmem:s23+$0x7750] =	vst v4;
	v4 =	vor.u32 v5, v6  }
0x6e: {  	[tilespmem:s23+$0x4F50] =	vst v4  }
0x6f: {  	v4 =	vld.idx.msk [tilespmem:v3+s23+$0x60 ss:$0x1], $0xffff  }
0x70: {  	v5 =	vld.idx.msk [tilespmem:v2+s23+$0x60 ss:$0x1], $0xffff;
	_ =	sdelay $0x3  }
0x71: {  	v6 =	vshll.u32 v4, $0x10  }
0x72: {  	[tilespmem:s23+$0x7760] =	vst v4;
	v4 =	vor.u32 v5, v6  }
0x73: {  	[tilespmem:s23+$0x4F60] =	vst v4  }
0x74: {  	v4 =	vld.idx.msk [tilespmem:v3+s23+$0x70 ss:$0x1], $0xffff  }
0x75: {  	v5 =	vld.idx.msk [tilespmem:v2+s23+$0x70 ss:$0x1], $0xffff;
	_ =	sdelay $0x3  }
0x76: {  	v6 =	vshll.u32 v4, $0x10  }
0x77: {  	s24 =	simm.s32 $0x200;
	s25 =	simm.s32 $0x400;
	[tilespmem:s23+$0x7770] =	vst v4;
	v4 =	vor.u32 v5, v6  }
.LBB2_2:
0x78: {  	p0 =	sne.s32 s25, $0x9A00  }
0x79: {  	[tilespmem:s23+$0x4F70] =	vst v4;
	s23 =	sshra.s32 s24, $0x2;
	s24 =	smov.u32 s25;
	s25 =	sadd.s32 $0x200, s25  }
0x7a: {  	v4 =	vld.idx.msk [tilespmem:v3+s23+$0x0 ss:$0x1], $0xffff  }
0x7b: {  	v5 =	vld.idx.msk [tilespmem:v2+s23+$0x0 ss:$0x1], $0xffff;
	_ =	sdelay $0x4  }
0x7c: {  	v6 =	vshll.u32 v4, $0x10  }
0x7d: {  	v5 =	vor.u32 v5, v6;
	[tilespmem:s23+$0x7700] =	vst v4  }
0x7e: {  	[tilespmem:s23+$0x4F00] =	vst v5  }
0x7f: {  	v4 =	vld.idx.msk [tilespmem:v3+s23+$0x10 ss:$0x1], $0xffff  }
0x80: {  	v5 =	vld.idx.msk [tilespmem:v2+s23+$0x10 ss:$0x1], $0xffff;
	_ =	sdelay $0x4  }
0x81: {  	v6 =	vshll.u32 v4, $0x10  }
0x82: {  	v5 =	vor.u32 v5, v6;
	[tilespmem:s23+$0x7710] =	vst v4  }
0x83: {  	[tilespmem:s23+$0x4F10] =	vst v5  }
0x84: {  	v4 =	vld.idx.msk [tilespmem:v3+s23+$0x20 ss:$0x1], $0xffff  }
0x85: {  	v5 =	vld.idx.msk [tilespmem:v2+s23+$0x20 ss:$0x1], $0xffff;
	_ =	sdelay $0x4  }
0x86: {  	v6 =	vshll.u32 v4, $0x10  }
0x87: {  	v5 =	vor.u32 v5, v6;
	[tilespmem:s23+$0x7720] =	vst v4  }
0x88: {  	[tilespmem:s23+$0x4F20] =	vst v5  }
0x89: {  	v4 =	vld.idx.msk [tilespmem:v3+s23+$0x30 ss:$0x1], $0xffff  }
0x8a: {  	v5 =	vld.idx.msk [tilespmem:v2+s23+$0x30 ss:$0x1], $0xffff;
	_ =	sdelay $0x4  }
0x8b: {  	v6 =	vshll.u32 v4, $0x10;
	[tilespmem:s23+$0x7730] =	vst v4  }
0x8c: {  	v4 =	vor.u32 v5, v6  }
0x8d: {  	[tilespmem:s23+$0x4F30] =	vst v4  }
0x8e: {  	v4 =	vld.idx.msk [tilespmem:v3+s23+$0x40 ss:$0x1], $0xffff  }
0x8f: {  	v5 =	vld.idx.msk [tilespmem:v2+s23+$0x40 ss:$0x1], $0xffff;
	_ =	sdelay $0x4  }
0x90: {  	v6 =	vshll.u32 v4, $0x10;
	[tilespmem:s23+$0x7740] =	vst v4  }
0x91: {  	v4 =	vor.u32 v5, v6  }
0x92: {  	[tilespmem:s23+$0x4F40] =	vst v4  }
0x93: {  	v4 =	vld.idx.msk [tilespmem:v3+s23+$0x50 ss:$0x1], $0xffff  }
0x94: {  	v5 =	vld.idx.msk [tilespmem:v2+s23+$0x50 ss:$0x1], $0xffff;
	_ =	sdelay $0x4  }
0x95: {  	v6 =	vshll.u32 v4, $0x10;
	[tilespmem:s23+$0x7750] =	vst v4  }
0x96: {  	v4 =	vor.u32 v5, v6  }
0x97: {  	[tilespmem:s23+$0x4F50] =	vst v4  }
0x98: {  	v4 =	vld.idx.msk [tilespmem:v3+s23+$0x60 ss:$0x1], $0xffff  }
0x99: {  	v5 =	vld.idx.msk [tilespmem:v2+s23+$0x60 ss:$0x1], $0xffff;
	_ =	sdelay $0x4  }
0x9a: {  	v6 =	vshll.u32 v4, $0x10;
	[tilespmem:s23+$0x7760] =	vst v4  }
0x9b: {  	v4 =	vor.u32 v5, v6  }
0x9c: {  	[tilespmem:s23+$0x4F60] =	vst v4  }
0x9d: {  	v4 =	vld.idx.msk [tilespmem:v3+s23+$0x70 ss:$0x1], $0xffff  }
0x9e: {  	v5 =	vld.idx.msk [tilespmem:v2+s23+$0x70 ss:$0x1], $0xffff;
	_ =	sdelay $0x1  }
.Ltmp0:
0x9f: {  	(pc) =	sbr.rel @p0 .LBB2_2-.Ltmp0, $3  }
0xa0: {  	_ =	sdelay $0x1  }
0xa1: {  	v6 =	vshll.u32 v4, $0x10;
	[tilespmem:s23+$0x7770] =	vst v4  }
0xa2: {  	v4 =	vor.u32 v5, v6  }
0xa3: {  	_ =	sdelay $0x2  }
0xa4: {  	s24 =	sshra.s32 s24, $0x2;
	[tilespmem:s23+$0x4F70] =	vst v4  }
0xa5: {  	v4 =	vld.idx.msk [tilespmem:v3+s24+$0x0 ss:$0x1], $0xffff  }
0xa6: {  	v5 =	vld.idx.msk [tilespmem:v2+s24+$0x0 ss:$0x1], $0xffff;
	_ =	sdelay $0x3  }
0xa7: {  	v6 =	vshll.u32 v4, $0x10  }
0xa8: {  	[tilespmem:s24+$0x7700] =	vst v4;
	v5 =	vor.u32 v5, v6  }
0xa9: {  	[tilespmem:s24+$0x4F00] =	vst v5  }
0xaa: {  	v4 =	vld.idx.msk [tilespmem:v3+s24+$0x10 ss:$0x1], $0xffff  }
0xab: {  	v5 =	vld.idx.msk [tilespmem:v2+s24+$0x10 ss:$0x1], $0xffff;
	_ =	sdelay $0x3  }
0xac: {  	v57 =	vshll.u32 v4, $0x10  }
0xad: {  	[tilespmem:s24+$0x7710] =	vst v4;
	v5 =	vor.u32 v5, v57  }
0xae: {  	[tilespmem:s24+$0x4F10] =	vst v5  }
0xaf: {  	v4 =	vld.idx.msk [tilespmem:v3+s24+$0x20 ss:$0x1], $0xffff  }
0xb0: {  	v5 =	vld.idx.msk [tilespmem:v2+s24+$0x20 ss:$0x1], $0xffff;
	_ =	sdelay $0x3  }
0xb1: {  	v58 =	vshll.u32 v4, $0x10  }
0xb2: {  	[tilespmem:s24+$0x7720] =	vst v4;
	v5 =	vor.u32 v5, v58  }
0xb3: {  	[tilespmem:s24+$0x4F20] =	vst v5  }
0xb4: {  	v4 =	vld.idx.msk [tilespmem:v3+s24+$0x30 ss:$0x1], $0xffff  }
0xb5: {  	v5 =	vld.idx.msk [tilespmem:v2+s24+$0x30 ss:$0x1], $0xffff;
	_ =	sdelay $0x3  }
0xb6: {  	v59 =	vshll.u32 v4, $0x10  }
0xb7: {  	[tilespmem:s24+$0x7730] =	vst v4;
	v4 =	vor.u32 v5, v59  }
0xb8: {  	[tilespmem:s24+$0x4F30] =	vst v4  }
0xb9: {  	v4 =	vld.idx.msk [tilespmem:v3+s24+$0x40 ss:$0x1], $0xffff  }
0xba: {  	v5 =	vld.idx.msk [tilespmem:v2+s24+$0x40 ss:$0x1], $0xffff;
	_ =	sdelay $0x3  }
0xbb: {  	v60 =	vshll.u32 v4, $0x10  }
0xbc: {  	[tilespmem:s24+$0x7740] =	vst v4;
	v4 =	vor.u32 v5, v60  }
0xbd: {  	[tilespmem:s24+$0x4F40] =	vst v4  }
0xbe: {  	v4 =	vld.idx.msk [tilespmem:v3+s24+$0x50 ss:$0x1], $0xffff  }
0xbf: {  	v5 =	vld.idx.msk [tilespmem:v2+s24+$0x50 ss:$0x1], $0xffff;
	_ =	sdelay $0x3  }
0xc0: {  	v61 =	vshll.u32 v4, $0x10  }
0xc1: {  	[tilespmem:s24+$0x7750] =	vst v4;
	v4 =	vor.u32 v5, v61  }
0xc2: {  	[tilespmem:s24+$0x4F50] =	vst v4  }
0xc3: {  	v4 =	vld.idx.msk [tilespmem:v3+s24+$0x60 ss:$0x1], $0xffff  }
0xc4: {  	v5 =	vld.idx.msk [tilespmem:v2+s24+$0x60 ss:$0x1], $0xffff;
	_ =	sdelay $0x3  }
0xc5: {  	v62 =	vshll.u32 v4, $0x10  }
0xc6: {  	[tilespmem:s24+$0x7760] =	vst v4;
	v4 =	vor.u32 v5, v62  }
0xc7: {  	[tilespmem:s24+$0x4F60] =	vst v4  }
0xc8: {  	v4 =	vld.idx.msk [tilespmem:v3+s24+$0x70 ss:$0x1], $0xffff  }
0xc9: {  	v5 =	vld.idx.msk [tilespmem:v2+s24+$0x70 ss:$0x1], $0xffff;
	_ =	sdelay $0x3  }
0xca: {  	v63 =	vshll.u32 v4, $0x10  }
0xcb: {  	[tilespmem:s24+$0x7770] =	vst v4;
	v4 =	vor.u32 v5, v63  }
0xcc: {  	s23 =	simm.s32 $0x0;
	p3 =	por $0x1, $0x1;
	[tilespmem:s24+$0x4F70] =	vst v4;
	s24 =	simm.s32 $0x0  }
.LBB2_4:
0xcd: {  	s25 =	sor.u32 s24, s23  }
0xce: {  	s26 =	sshll.u32 s24, $0x7;
	p0 =	sne.s32 s25, $0x0  }
0xcf: {  	s25 =	sadd.s32 $0x2700, s26;
	v4 =	vlaneseq.u32 @p0  }
0xd0: {  	p1 =	por p0, p0;
	v4 =	vor.u32 @p0 s25, v4  }
0xd1: {  	v5 =	vmulhi.u32 @p1 $0x88888889, v4;
	v6 =	vmul.u32 @p1 $0x3D, v4;
	_ =	sdelay $0x1  }
0xd2: {  	v5 =	vshrl.u32 @p1 v5, $0x7;
	v7 =	vmulhi.u32 @p1 $0xD1B71759, v6  }
0xd3: {  	v5 =	vmul.u32 @p1 $0xF0, v5  }
0xd4: {  	s28 =	simm.s32 $0x1;
	v7 =	vshrl.u32 @p1 v7, $0xD  }
0xd5: {  	s28 =	sor.u32 s24, s28;
	v4 =	vsub.s32 @p1 v4, v5;
	v5 =	vmul.u32 @p1 $0x2710, v7  }
0xd6: {  	p0 =	sne.s32 s28, $0x0;
	v7 =	vadd.s32 @p1 $0x2710, v4  }
0xd7: {  	s26 =	sand.u32 $0x3FFFFF80, s26;
	s28 =	sadd.s32 $0x10, s25;
	v4 =	vlaneseq.u32 @p0;
	v8 =	vshll.u32 @p1 v7, $0x10;
	v5 =	vsub.s32 @p1 v6, v5  }
0xd8: {  	s25 =	sadd.s32 $0x7600, s26;
	v9 =	vor.u32 @p0 s28, v4;
	p0 =	por p0, p0;
	v5 =	vor.u32 @p1 v5, v8  }
0xd9: {  	s26 =	sadd.s32 $0x9E00, s26;
	p2 =	por p1, p1;
	v6 =	vmulhi.u32 @p0 $0x88888889, v9;
	[tilespmem:s25+$0x0] =	vst @p1 v5  }
0xda: {  	v4 =	vmul.u32 @p0 $0x3D, v9;
	[tilespmem:s26+$0x0] =	vst @p2 v7  }
0xdb: {  	v5 =	vshrl.u32 @p0 v6, $0x7;
	v6 =	vld @!p2 [tilespmem:s7+$0x2780]  }
0xdc: {  	v8 =	vmulhi.u32 @p0 $0xD1B71759, v4;
	v7 =	vmul.u32 @p0 $0xF0, v5;
	v5 =	vld @!p2 [tilespmem:s7+$0x0];
	_ =	sdelay $0x1  }
0xdd: {  	v10 =	vshrl.u32 @p0 v8, $0xD  }
0xde: {  	s29 =	simm.s32 $0x2;
	p1 =	por p3, p3;
	v8 =	vsub.s32 @p0 v9, v7;
	v7 =	vmul.u32 @p0 $0x2710, v10  }
.LBB2_5:
0xdf: {  	s30 =	sor.u32 s24, s29;
	v8 =	vadd.s32 @p0 $0x2710, v8;
	v9 =	vshll.u32 @!p2 v6, $0x10;
	[tilespmem:$0x9E00] =	vst @!p2 v6  }
0xe0: {  	s29 =	sadd.s32 $0x1, s29;
	p4 =	sne.s32 s30, $0x0;
	v6 =	vshll.u32 @p0 v8, $0x10;
	v4 =	vsub.s32 @p0 v4, v7;
	v5 =	vor.u32 @!p2 v5, v9  }
0xe1: {  	s28 =	sadd.s32 $0x10, s28;
	s25 =	sadd.s32 $0x10, s25;
	p3 =	sne.s32 s29, $0x8;
	v7 =	vlaneseq.u32 @p4;
	v4 =	vor.u32 @p0 v4, v6;
	[tilespmem:$0x7600] =	vst @!p2 v5  }
0xe2: {  	s26 =	sadd.s32 $0x10, s26;
	p2 =	por p0, p0;
	v7 =	vor.u32 @p4 s28, v7;
	[tilespmem:s25+$0x0] =	vst @p0 v4;
	p0 =	por p4, p4  }
0xe3: {  	v5 =	vmulhi.u32 @p0 $0x88888889, v7;
	v4 =	vmul.u32 @p0 $0x3D, v7;
	[tilespmem:s26+$0x0] =	vst @p2 v8  }
.Ltmp1:
0xe4: {  	v6 =	vld @!p2 [tilespmem:s7+$0x2780];
	(pc) =	sbr.rel @p3 .LBB2_5-.Ltmp1, $4  }
0xe5: {  	v8 =	vshrl.u32 @p0 v5, $0x7;
	v9 =	vmulhi.u32 @p0 $0xD1B71759, v4;
	v5 =	vld @!p2 [tilespmem:s7+$0x0]  }
0xe6: {  	v8 =	vmul.u32 @p0 $0xF0, v8  }
0xe7: {  	v9 =	vshrl.u32 @p0 v9, $0xD  }
0xe8: {  	v8 =	vsub.s32 @p0 v7, v8;
	v7 =	vmul.u32 @p0 $0x2710, v9  }
0xe9: {  	v8 =	vadd.s32 @p0 $0x2710, v8;
	v9 =	vshll.u32 @!p2 v6, $0x10  }
0xea: {  	[tilespmem:$0x9E00] =	vst @!p2 v6;
	v6 =	vshll.u32 @p0 v8, $0x10;
	v4 =	vsub.s32 @p0 v4, v7;
	v5 =	vor.u32 @!p2 v5, v9  }
0xeb: {  	s24 =	sadd.s32 $0x10, s25;
	v4 =	vor.u32 @p0 v4, v6;
	[tilespmem:$0x7600] =	vst @!p2 v5  }
0xec: {  	[tilespmem:s24+$0x0] =	vst @p0 v4;
	s24 =	sadd.s32 $0x10, s26;
	p0 =	por p0, p0  }
0xed: {  	[tilespmem:s24+$0x0] =	vst @p0 v8  }
0xee: {  	v4 =	vld @!p0 [tilespmem:s7+$0x2780]  }
0xef: {  	v5 =	vld @!p0 [tilespmem:s7+$0x0];
	_ =	sdelay $0x1  }
.Ltmp2:
0xf0: {  	_ = 	snop;
	(pc) =	sbr.rel @p1 .LBB2_4-.Ltmp2, $4  }
0xf1: {  	_ = 	snop  }
0xf2: {  	v6 =	vshll.u32 @!p0 v4, $0x10  }
0xf3: {  	[tilespmem:$0x9E00] =	vst @!p0 v4;
	v4 =	vor.u32 @!p0 v5, v6  }
0xf4: {  	p3 =	por $0x0, $0x0;
	s24 =	simm.s32 $0x1;
	[tilespmem:$0x7600] =	vst @!p0 v4  }
0xf5: {  	s23 =	simm.s32 $0x0  }
0xf6: {  	[hbm4b:s8+s23] =	stream.linear.scatter [tilespmem:s17], [sflag:$0x1], $0x2800, $0x38;
	[tilespmem:$0xA480] =	vst v63  }
0xf7: {  	[bflag:$0x0] =	sbarrier.arrive $0xFFFF  }
.LBB2_8:
0xf8: {  	p0 =	sne.s32 s23, $0x9E00  }
.Ltmp3:
0xf9: {  	_ = 	snop;
	(pc) =	sbr.rel @p0 .LBB2_8-.Ltmp3, $4  }
0xfa: {  	_ = 	snop  }
0xfb: {  	s24 =	sshra.s32 s23, $0x2  }
0xfc: {  	s23 =	sadd.s32 $0x200, s23;
	s24 =	sadd.s32 $0x7700, s24  }
0xfd: {  	[spmem:s2] =	stream.indirect.scatter.add.f32 [tilespmem:s18], [sflag:$0x2], $0x1, s24, s10, $0xb8;
	[tilespmem:$0xA480] =	vst v63  }
0xfe: {  	_ =	swait.ge [sflag:s16], $0x80  }
0xff: {  	s23 =	simm.s32 $0x4F;
	[sflag:s16] =	ssyncset.done $0x0  }
.LBB2_10:
0x100: {  	p0 =	sne.s32 s23, $0x1;
	s23 =	sadd.s32 $0xFFFFFFFF, s23;
	[sflag:s16] =	ssyncadd.s32 $0xFFFFFF80  }
.Ltmp4:
0x101: {  	(pc) =	sbr.rel @p0 .LBB2_10-.Ltmp4, $3  }
0x102: {  	_ =	sdelay $0x1  }
0x103: {  	_ =	swait.ge [sflag:s16], $0x80  }
0x104: {  	[sflag:s16] =	ssyncset.done $0x0  }
0x105: {  	[sflag:s16] =	ssyncadd.s32 $0xFFFFFF80;
	s23 =	sshll.u32 s0, $0x6;
	s24 =	sshrl.u32 s6, $0x3  }
0x106: {  	s22 =	sadd.s32 $0x1, s22;
	[bflag:$0x0] =	sbarrier.arrive $0xFFFF;
	s23 =	sor.u32 $0x1C03, s23  }
0x107: {  	[hbm:s19@s20], [sflag:s23] =	dma.strided [spmem:s24@s21], $0x50, s15, $0x10   }
0x108: {  	p0 =	sne.s32 s22, s9;
	_ =	swait.ge [sflag:s14], $0x50  }
.Ltmp5:
0x109: {  	[sflag:s14] =	ssyncset.done $0x0;
	(pc) =	sbr.rel @p0 .LBB2_1-.Ltmp5, $4  }
0x10a: {  	[sflag:s14] =	ssyncadd.s32 $0xFFFFFFB0  }
0x10b: {  	_ =	swait.ge [sflag:s15], $0x2800  }
0x10c: {  	[sflag:s15] =	ssyncset.done $0x0  }
0x10d: {  	[sflag:s15] =	ssyncadd.s32 $0xFFFFD800  }
0x10e: {  	_ =	sfence.sel $0x180000  }
0x10f: {  	[bflag:$0x0] =	sbarrier.arrive $0xFFFF  }
0x110: {  	p0 =	sne.s32 s0, $0x0;
	_ =	strace $0x90000047  }
0x111: {  	s0 =	sadd.s32 @!p0 $0x100000, s1;
	[bflag:$0x2] =	sbarrier.arrive $0xFFFF  }
0x112: {  	[sflag:s0] =	ssyncadd.tile.s32 @!p0 $0x1;
	_ =	shalt  }
.Lfunc_end2:
_tile_overlayer_lowered:
.L_overlay_start_2:
0x113: {  	(tag) =	ssettag $0x2  }
0x114: {  	s0 =	rddreg [dreg:$0x0];
	s2 =	stileid.u32  }
0x115: {  	s1 =	rddreg [dreg:$0x1];
	p0 =	sne.s32 s2, $0x0  }
0x116: {  	s3 =	rddreg [dreg:$0x2];
	[bflag:$0x3] =	sbarrier.arrive $0xFFFF;
	s2 =	simm.s32 @!p0 $0x1C03  }
0x117: {  	[timem:s3], [sflag:s2] =	dma.local @!p0 [hbm:s0], s1  }
0x118: {  	s0 =	simm.s32 @!p0 $0x3  }
0x119: {  	_ =	swait.ge @!p0 [sflag:s0], s1  }
0x11a: {  	s1 =	ssub.s32 @!p0 $0x0, s1;
	[sflag:s0] =	ssyncset.done @!p0 $0x0  }
0x11b: {  	[sflag:s0] =	ssyncadd.s32 @!p0 s1  }
0x11c: {  	[bflag:$0x3] =	sbarrier.arrive $0xFFFF  }
0x11d: {  	_ =	shalt  }

// kernel: kernel.13.cloned.1.call-start
scs
__scs_entry_jumppad:
0x0: {  	(pc) =	sbr.rel $0x88, $3  }
0x1: {  	(tag) =	ssettag $0x0;
	lr =	simm.s32 $0x1  }
0x2: {  	[smem:$0x3F99] =	sst lr;
	_ =	strace $0xD0000000  }
0x3: {  	_ = 	snop  }
0x4: {  	_ = 	snop  }
0x5: {  	_ = 	snop  }
0x6: {  	_ = 	snop  }
0x7: {  	_ = 	snop  }
__scs_overlays_trampoline_lowered:
0x8: {  	[smem:$0x3FA8] =	sst s0  }
0x9: {  	[smem:$0x3FA9] =	sst s1  }
0xa: {  	[smem:$0x3FAA] =	sst s2  }
0xb: {  	[smem:$0x3FAB] =	sst s3  }
0xc: {  	[smem:$0x3FAC] =	sst s4  }
0xd: {  	[smem:$0x3FAD] =	sst s5  }
0xe: {  	[smem:$0x3FAE] =	sst s6  }
0xf: {  	[smem:$0x3FAF] =	sst s7  }
0x10: {  	[smem:$0x3FB0] =	sst s8  }
0x11: {  	[smem:$0x3FB1] =	sst s9;
	s0 =	simm.s32 @!p0 $0x0  }
0x12: {  	s1 =	sld [smem:$0x3F97];
	s0 =	simm.s32 @p0 $0x1  }
0x13: {  	[smem:$0x3FB2] =	sst s0;
	s0 =	simm.s32 @!p1 $0x0  }
0x14: {  	s2 =	sld [smem:$0x3F96];
	s0 =	simm.s32 @p1 $0x1  }
0x15: {  	[smem:$0x3FB3] =	sst s0;
	s0 =	simm.s32 @!p2 $0x0  }
0x16: {  	s3 =	sld [smem:$0x3FDB];
	s0 =	simm.s32 @p2 $0x1  }
0x17: {  	s4 =	simm.s32 $0x1BF5;
	[smem:$0x3FB5] =	sst s0  }
0x18: {  	s0 =	sld [smem:$0x3F98];
	_ =	swait.ge [sflag:s4], $0x0  }
0x19: {  	s7 =	sld [smem:$0x3F99]  }
0x1a: {  	s8 =	sadd.s32 $0xFFFFE003, lr  }
0x1b: {  	s9 =	sadd.s32 $0xFFFFFEF7, lr;
	s5 =	simm.s32 $0xFFFFFFFF;
	p2 =	slt.u32 s8, $0xFFFFF086  }
0x1c: {  	p1 =	slt.u32 s9, $0xF7A;
	s5 =	simm.s32 @!p2 $0x0  }
0x1d: {  	s5 =	simm.s32 @p1 $0x1;
	p0 =	seq.s32 s7, s2  }
0x1e: {  	s7 =	smul.u32 @!p0 $0xF7A, s2;
	p2 =	seq.s32 @!p0 s5, $0x0  }
0x1f: {  	s9 =	smul.u32 $0xF7A, s1;
	s8 =	simm.s32 @!p0 $0x1BF5;
	p2 =	por !p2, p0  }
0x20: {  	[sflag:s8] =	ssyncset.s32 @!p0 $0xFFFFF086;
	s6 =	sadd.s32 @!p0 s3, s7;
	s7 =	simm.s32 @!p0 $0x108  }
0x21: {  	s3 =	sadd.s32 s3, s9;
	s6 =	sadd.s32 @!p0 $0x88, s6;
	s7 =	simm.s32 @p2 $0x1082  }
0x22: {  	[simem:s7], [sflag:s8] =	dma.local @!p0 [hbm:s6], $0xF7A  }
0x23: {  	s9 =	sor.u32 $0xD0000000, s2;
	s6 =	simm.s32 $0x108;
	_ =	swait.ge @!p0 [sflag:s8], $0x0  }
0x24: {  	s3 =	sadd.s32 $0x88, s3;
	s6 =	simm.s32 @!p1 $0x1082;
	[sflag:s4] =	ssyncset.s32 $0xFFFFF086  }
0x25: {  	[simem:s6], [sflag:s4] =	dma.local [hbm:s3], $0xF7A  }
0x26: {  	[smem:$0x3F99] =	sst s1;
	(tag) =	ssettag s2;
	_ =	strace s9  }
0x27: {  	s1 =	sld [smem:$0x3FA9]  }
0x28: {  	s2 =	sld [smem:$0x3FAA]  }
0x29: {  	s4 =	sld [smem:$0x3FAC]  }
0x2a: {  	p0 =	seq.s32 s5, $0x0;
	s5 =	sld [smem:$0x3FAD]  }
0x2b: {  	s6 =	sld [smem:$0x3FAE]  }
0x2c: {  	s7 =	sld [smem:$0x3FAF]  }
0x2d: {  	s3 =	simm.s32 $0x108;
	s8 =	sld [smem:$0x3FB0]  }
0x2e: {  	s3 =	simm.s32 @!p0 $0x1082;
	s9 =	sld [smem:$0x3FB1]  }
0x2f: {  	lr =	sadd.s32 s0, s3;
	s0 =	sld [smem:$0x3FA8]  }
0x30: {  	s3 =	sld [smem:$0x3FAB]  }
0x31: {  	[smem:$0x3FB4] =	sst s10  }
0x32: {  	s10 =	sld [smem:$0x3FB2];
	_ =	sdelay $0x3  }
0x33: {  	p0 =	seq.s32 s10, $0x1;
	s10 =	sld [smem:$0x3FB4];
	_ =	sdelay $0x3  }
0x34: {  	[smem:$0x3FB4] =	sst s10  }
0x35: {  	s10 =	sld [smem:$0x3FB3];
	_ =	sdelay $0x3  }
0x36: {  	p1 =	seq.s32 s10, $0x1;
	s10 =	sld [smem:$0x3FB4];
	_ =	sdelay $0x3  }
0x37: {  	[smem:$0x3FB4] =	sst s10  }
0x38: {  	s10 =	sld [smem:$0x3FB5]  }
0x39: {  	_ = 	snop;
	(pc) =	sbr.ind lr, $3  }
0x3a: {  	_ = 	snop  }
0x3b: {  	_ = 	snop  }
0x3c: {  	p2 =	seq.s32 s10, $0x1;
	s10 =	sld [smem:$0x3FB4]  }
0x3d: {  	_ =	shalt  }
0x3e: {  	_ =	shalt  }
0x3f: {  	_ =	shalt  }
0x40: {  	_ =	shalt  }
0x41: {  	_ =	shalt  }
0x42: {  	_ =	shalt  }
0x43: {  	_ =	shalt  }
0x44: {  	_ =	shalt  }
0x45: {  	_ =	shalt  }
0x46: {  	_ =	shalt  }
0x47: {  	_ =	shalt  }
0x48: {  	_ =	shalt  }
0x49: {  	_ =	shalt  }
0x4a: {  	_ =	shalt  }
0x4b: {  	_ =	shalt  }
0x4c: {  	_ =	shalt  }
0x4d: {  	_ =	shalt  }
0x4e: {  	_ =	shalt  }
0x4f: {  	_ =	shalt  }
0x50: {  	_ =	shalt  }
0x51: {  	_ =	shalt  }
0x52: {  	_ =	shalt  }
0x53: {  	_ =	shalt  }
0x54: {  	_ =	shalt  }
0x55: {  	_ =	shalt  }
0x56: {  	_ =	shalt  }
0x57: {  	_ =	shalt  }
0x58: {  	_ =	shalt  }
0x59: {  	_ =	shalt  }
0x5a: {  	_ =	shalt  }
0x5b: {  	_ =	shalt  }
0x5c: {  	_ =	shalt  }
0x5d: {  	_ =	shalt  }
0x5e: {  	_ =	shalt  }
0x5f: {  	_ =	shalt  }
0x60: {  	_ =	shalt  }
0x61: {  	_ =	shalt  }
0x62: {  	_ =	shalt  }
0x63: {  	_ =	shalt  }
0x64: {  	_ =	shalt  }
0x65: {  	_ =	shalt  }
0x66: {  	_ =	shalt  }
0x67: {  	_ =	shalt  }
0x68: {  	_ =	shalt  }
0x69: {  	_ =	shalt  }
0x6a: {  	_ =	shalt  }
0x6b: {  	_ =	shalt  }
0x6c: {  	_ =	shalt  }
0x6d: {  	_ =	shalt  }
0x6e: {  	_ =	shalt  }
0x6f: {  	_ =	shalt  }
0x70: {  	_ =	shalt  }
0x71: {  	_ =	shalt  }
0x72: {  	_ =	shalt  }
0x73: {  	_ =	shalt  }
0x74: {  	_ =	shalt  }
0x75: {  	_ =	shalt  }
0x76: {  	_ =	shalt  }
0x77: {  	_ =	shalt  }
0x78: {  	_ =	shalt  }
0x79: {  	_ =	shalt  }
0x7a: {  	_ =	shalt  }
0x7b: {  	_ =	shalt  }
0x7c: {  	_ =	shalt  }
0x7d: {  	_ =	shalt  }
0x7e: {  	_ =	shalt  }
0x7f: {  	_ =	shalt  }
0x80: {  	_ =	shalt  }
0x81: {  	_ =	shalt  }
0x82: {  	_ =	shalt  }
0x83: {  	_ =	shalt  }
0x84: {  	_ =	shalt  }
0x85: {  	_ =	shalt  }
0x86: {  	_ =	shalt  }
0x87: {  	_ =	shalt  }
.Lfunc_end0:
.L_simem_size_0:
called_computation.1_lowered:
.L_overlay_start_0:
0x88: {  	s2 =	sld [smem:$0x3FD9]  }
0x89: {  	s3 =	sld [smem:$0x3FFE];
	_ =	sdelay $0x1  }
0x8a: {  	s1 =	srdreg.scid  }
0x8b: {  	s0 =	sand.u32 $0x1, s1  }
0x8c: {  	s17 =	sshll.u32 s0, $0xA;
	s2 =	sadd.s32 s3, s2  }
0x8d: {  	s2 =	sadd.s32 s2, s17  }
0x8e: {  	[smem:$0x3FC0] =	sst s2  }
0x8f: {  	_ = 	snop  }
0x90: {  	s2 =	sld [smem:$0x3FD0];
	(tm) =	ssettm $0x1  }
0x91: {  	s18 =	sld [smem:$0x3FFB];
	_ =	sdelay $0x3  }
0x92: {  	_ =	strace s18  }
0x93: {  	s3 =	sld [smem:$0x3FFC];
	_ =	sdelay $0x3  }
0x94: {  	_ =	strace s3  }
0x95: {  	s3 =	sld [smem:$0x3FFD];
	_ =	sdelay $0x3  }
0x96: {  	_ =	strace s3  }
0x97: {  	_ =	strace $0x8FFFFFFF  }
0x98: {  	s19 =	sld [smem:$0x3FDB];
	_ =	sdelay $0x1  }
0x99: {  	s4 =	simm.s32 $_scs_section_size  }
0x9a: {  	s5 =	simm.s32 $_size__tile_overlayer_lowered;
	s6 =	simm.s32 $_tile_overlayer_lowered  }
0x9b: {  	s22 =	simm.s32 $0x1BFF;
	s21 =	sshll.u32 s6, $0x1;
	s3 =	sadd.s32 s4, s19  }
0x9c: {  	s7 =	simm.s32 $0x0;
	s20 =	sshll.u32 s5, $0x1;
	s5 =	sadd.s32 s21, s3  }
0x9d: {  	[timem:s7], [sflag:s22] =	dma.local [hbm:s5], s20  }
0x9e: {  	_ =	swait.ge [sflag:s22], s20  }
0x9f: {  	s4 =	ssub.s32 $0x0, s20;
	[sflag:s22] =	ssyncset.done $0x0  }
0xa0: {  	[sflag:s22] =	ssyncadd.s32 s4;
	_ =	sdelay $0x1  }
0xa1: {  	s23 =	simm.s32 $0x1B8B  }
0xa2: {  	_ =	swait.ge [sflag:s23], $0x1  }
0xa3: {  	[sflag:s23] =	ssyncset.done $0x0  }
0xa4: {  	s25 =	simm.s32 $0x1B8E;
	s24 =	sld [smem:$0x3FFE];
	[sflag:s23] =	ssyncadd.s32 $0xFFFFFFFF  }
0xa5: {  	s26 =	simm.s32 $execute0_lowered;
	[smem:$0x3FD2] =	sst s25  }
0xa6: {  	s5 =	sshll.u32 s26, $0x1;
	_ =	strace $0x80000049;
	[dreg:$0x1] =	wrdreg $0xFFFFFFFF  }
0xa7: {  	s28 =	simm.s32 $_size_execute0_lowered;
	s3 =	sadd.s32 s3, s5;
	[dreg:$0x0] =	wrdreg $0x0  }
0xa8: {  	s5 =	sshll.u32 s28, $0x1;
	[dreg:$0x2] =	wrdreg s3  }
0xa9: {  	[dreg:$0x3] =	wrdreg s5  }
0xaa: {  	[dreg:$0x4] =	wrdreg $0xC0  }
0xab: {  	_ =	task [dreg:s7], $0x5FFFF  }
0xac: {  	[dreg:$0x1] =	wrdreg $0xFFFFFFFF  }
0xad: {  	[dreg:$0x0] =	wrdreg $0x60  }
0xae: {  	[dreg:$0x2] =	wrdreg s2  }
0xaf: {  	[dreg:$0x3] =	wrdreg s24  }
0xb0: {  	[dreg:$0x4] =	wrdreg $0xAA000  }
0xb1: {  	[dreg:$0x5] =	wrdreg $0x9  }
0xb2: {  	_ =	task.clear_ibuf [dreg:s7], $0x6FFFF;
	_ =	strace $0x90000049  }
0xb3: {  	s29 =	simm.s32 $0x9;
	_ =	strace $0x8000004B  }
0xb4: {  	_ =	swait.ge [sflag:s29], $0x1  }
0xb5: {  	[sflag:s29] =	ssyncadd.s32 $0xFFFFFFFF  }
0xb6: {  	_ =	strace $0x9000004B  }
0xb7: {  	_ =	sfence  }
0xb8: {  	s30 =	sld [smem:$0x0];
	_ =	sdelay $0x2  }
0xb9: {  	s31 =	sshll.u32 s1, $0xD;
	s1 =	sshrl.u32 s1, $0x2  }
0xba: {  	s3 =	sand.u32 $0x4000, s31;
	s1 =	sadd.s32 s1, s30  }
0xbb: {  	s0 =	sor.u32 s3, s0;
	s1 =	sshll.u32 s1, $0x11  }
0xbc: {  	s0 =	sor.u32 s1, s0  }
0xbd: {  	s0 =	sadd.s32 $0x8F2B, s0  }
0xbe: {  	[sflag:s0] =	ssyncadd.remote.s32 $0x1  }
0xbf: {  	_ =	sfence.sel $0xFFFF  }
0xc0: {  	[dreg:$0x0] =	wrdreg $0xFFFFFFFF;
	(pc) =	sbr.abs _section_cstart, $3  }
0xc1: {  	[dreg:$0x1] =	wrdreg $0xFFFFFFFF  }
0xc2: {  	_ =	task.clear_ibuf [dreg:s7], $0x2FFFF;
	_ =	strace $0x9FFFFFFF  }
0xc3: {  	(tm) =	ssettm $0x7FFFFFFF  }
tec
execute0_lowered:
.L_overlay_start_1:
0x0: {  	(tag) =	ssettag $0x1  }
0x1: {  	s1 =	rddreg [dreg:$0x0]  }
0x2: {  	s0 =	srdreg.scid;
	s2 =	rddreg [dreg:$0x1]  }
0x3: {  	s7 =	stileid.u32;
	s3 =	rddreg [dreg:$0x2]  }
0x4: {  	s5 =	simm.s32 $0x0;
	s28 =	simm.s32 $0x1;
	s6 =	smul.u32 $0x50000, s7  }
0x5: {  	s29 =	simm.s32 $0x2900;
	s30 =	simm.s32 $0x2;
	s12 =	smul.u32 $0x280, s7  }
0x6: {  	s31 =	simm.s32 $0x2980;
	s0 =	sand.u32 $0x1, s0;
	s21 =	smul.u32 $0x2800, s7  }
0x7: {  	[smem:$0x7FF] =	sst s5;
	s4 =	sshll.u32 s0, $0x4;
	s18 =	smul.u32 $0x28000, s0  }
0x8: {  	_ =	strace $0x8000004A;
	s0 =	ssub.s32 $0x2, s0;
	s4 =	sor.u32 s7, s4  }
0x9: {  	s19 =	sshrl.u32 s0, $0x1;
	s20 =	sshrl.u32 s6, $0x2;
	s23 =	sadd.s32 $0x80, s12  }
0xa: {  	s14 =	sadd.s32 $0x100, s12;
	s25 =	sadd.s32 $0x180, s12;
	s12 =	sadd.s32 $0x200, s12  }
0xb: {  	s4 =	smul.u32 $0x500, s4;
	s0 =	ssub.s32 s0, s19;
	s6 =	sadd.s32 s20, s3  }
0xc: {  	s13 =	sshll.u32 s23, $0x7;
	s24 =	sshll.u32 s14, $0x7;
	s26 =	sshll.u32 s25, $0x7  }
0xd: {  	s15 =	sshll.u32 s12, $0x7;
	s19 =	sshll.u32 s25, $0x4;
	s20 =	sshll.u32 s12, $0x4  }
0xe: {  	s12 =	simm.s32 $0x3;
	s0 =	smax.u32 s0, $0x1;
	s8 =	sadd.s32 $0x4000, s6  }
0xf: {  	s9 =	sadd.s32 $0x8000, s6;
	s10 =	sadd.s32 $0xC000, s6;
	s11 =	sadd.s32 $0x10000, s6  }
0x10: {  	s22 =	sadd.s32 s13, s3;
	s25 =	sadd.s32 s15, s3;
	s13 =	simm.s32 $0x2A00  }
0x11: {  	s4 =	sadd.s32 s4, s2;
	s2 =	sadd.s32 s18, s2;
	[dreg:$0x5] =	wrdreg s0  }
0x12: {  	s0 =	sshll.u32 s23, $0x4;
	s23 =	sadd.s32 s24, s3;
	s18 =	sshll.u32 s14, $0x4  }
0x13: {  	s24 =	sadd.s32 s26, s3;
	s14 =	simm.s32 $0x80;
	s22 =	sshrl.u32 s22, $0x3  }
.Ltmp0:
0x14: {  	s25 =	sshrl.u32 s25, $0x3;
	s26 =	simm.s32 $0x6A00;
	(pc) =	sbr.rel .LBB2_1-.Ltmp0, $4  }
0x15: {  	s4 =	sadd.s32 $0x2800, s4;
	s2 =	sadd.s32 $0xC800, s2;
	s23 =	sshrl.u32 s23, $0x3  }
0x16: {  	s24 =	sshrl.u32 s24, $0x3;
	[dreg:$0x4] =	wrdreg s4;
	s16 =	sadd.s32 s21, s2  }
0x17: {  	s17 =	sadd.s32 s0, s2;
	s18 =	sadd.s32 s18, s2;
	s19 =	sadd.s32 s19, s2  }
0x18: {  	v0 =	vimm.f32 $0.0e+00;
	s20 =	sadd.s32 s20, s2;
	s21 =	simm.s32 $0x2880;
	s2 =	simm.s32 $0x0  }
.LBB2_6:
0x19: {  	s0 =	stileid.u32  }
0x1a: {  	s0 =	sshll.u32 s0, $0x6  }
0x1b: {  	[bflag:$0x0] =	sbarrier.arrive $0xFFFF;
	s4 =	sshrl.u32 s6, $0x3;
	s0 =	sor.u32 $0x1C03, s0  }
0x1c: {  	[hbm:s16], [sflag:s0] =	dma.local [spmem:s4], $0x800  }
0x1d: {  	_ =	swait.ge [sflag:s12], $0x800  }
0x1e: {  	[sflag:s12] =	ssyncset.done $0x0  }
0x1f: {  	[sflag:s12] =	ssyncadd.s32 $0xFFFFF800  }
0x20: {  	[hbm:s17], [sflag:s0] =	dma.local [spmem:s22], $0x800  }
0x21: {  	_ =	swait.ge [sflag:s12], $0x800  }
0x22: {  	[sflag:s12] =	ssyncset.done $0x0  }
0x23: {  	[sflag:s12] =	ssyncadd.s32 $0xFFFFF800  }
0x24: {  	[hbm:s18], [sflag:s0] =	dma.local [spmem:s23], $0x800  }
0x25: {  	_ =	swait.ge [sflag:s12], $0x800  }
0x26: {  	[sflag:s12] =	ssyncset.done $0x0  }
0x27: {  	[sflag:s12] =	ssyncadd.s32 $0xFFFFF800  }
0x28: {  	[hbm:s19], [sflag:s0] =	dma.local [spmem:s24], $0x800  }
0x29: {  	_ =	swait.ge [sflag:s12], $0x800  }
0x2a: {  	[sflag:s12] =	ssyncset.done $0x0  }
0x2b: {  	[sflag:s12] =	ssyncadd.s32 $0xFFFFF800  }
0x2c: {  	[hbm:s20], [sflag:s0] =	dma.local [spmem:s25], $0x800  }
0x2d: {  	_ =	swait.ge [sflag:s12], $0x800  }
0x2e: {  	s2 =	sadd.s32 $0x1, s2;
	s15 =	rddreg [dreg:$0x5]  }
0x2f: {  	p0 =	sne.s32 s2, s15  }
.Ltmp1:
0x30: {  	_ = 	snop;
	(pc) =	sbr.rel @!p0 .LBB2_7-.Ltmp1, $3  }
0x31: {  	_ =	sdelay $0x1  }
0x32: {  	[sflag:s12] =	ssyncset.done $0x0  }
0x33: {  	[sflag:s12] =	ssyncadd.s32 $0xFFFFF800  }
.LBB2_1:
0x34: {  	s0 =	simm.s32 $0x0;
	s4 =	rddreg [dreg:$0x4]  }
0x35: {  	[tilespmem:s0], [sflag:$0x3] =	stream.linear.gather [hbm4b:s4+s0], $0x2800, $0x38;
	[tilespmem:$0x1EA00] =	vst v63  }
0x36: {  	_ =	swait.ge [sflag:s12], $0x2800  }
0x37: {  	[sflag:s12] =	ssyncset.done $0x0  }
0x38: {  	s0 =	simm.s32 $0x0;
	s4 =	simm.s32 $0x200;
	[sflag:s12] =	ssyncadd.s32 $0xFFFFD800  }
.LBB2_2:
0x39: {  	p0 =	sne.s32 s4, $0xFE00;
	[tilespmem:s0+$0x2A70] =	vst v0  }
0x3a: {  	[tilespmem:s0+$0x2A00] =	vst v0  }
0x3b: {  	[tilespmem:s0+$0x2A10] =	vst v0  }
.Ltmp2:
0x3c: {  	[tilespmem:s0+$0x2A20] =	vst v0;
	(pc) =	sbr.rel @p0 .LBB2_2-.Ltmp2, $4  }
0x3d: {  	[tilespmem:s0+$0x2A30] =	vst v0  }
0x3e: {  	[tilespmem:s0+$0x2A40] =	vst v0  }
0x3f: {  	[tilespmem:s0+$0x2A50] =	vst v0  }
0x40: {  	[tilespmem:s0+$0x2A60] =	vst v0;
	s0 =	sshra.s32 s4, $0x2;
	s4 =	sadd.s32 $0x200, s4  }
0x41: {  	[tilespmem:s0+$0x2A70] =	vst v0  }
0x42: {  	[tilespmem:s0+$0x2A00] =	vst v0  }
0x43: {  	[tilespmem:s0+$0x2A10] =	vst v0  }
0x44: {  	[tilespmem:s0+$0x2A20] =	vst v0  }
0x45: {  	[tilespmem:s0+$0x2A30] =	vst v0  }
0x46: {  	[tilespmem:s0+$0x2A40] =	vst v0  }
0x47: {  	[tilespmem:s0+$0x2A50] =	vst v0  }
0x48: {  	[tilespmem:s0+$0x2A60] =	vst v0  }
0x49: {  	[spmem:s6] =	stream.linear.scatter [tilespmem:s13], [sflag:$0x3], $0x4000, $0x38;
	[tilespmem:$0x1EA00] =	vst v63  }
0x4a: {  	_ =	swait.ge [sflag:s12], $0x4000  }
0x4b: {  	[sflag:s12] =	ssyncset.done $0x0  }
0x4c: {  	[sflag:s12] =	ssyncadd.s32 $0xFFFFC000  }
0x4d: {  	[spmem:s8] =	stream.linear.scatter [tilespmem:s13], [sflag:$0x3], $0x4000, $0x38;
	[tilespmem:$0x1EA00] =	vst v63  }
0x4e: {  	_ =	swait.ge [sflag:s12], $0x4000  }
0x4f: {  	[sflag:s12] =	ssyncset.done $0x0  }
0x50: {  	[sflag:s12] =	ssyncadd.s32 $0xFFFFC000  }
0x51: {  	[spmem:s9] =	stream.linear.scatter [tilespmem:s13], [sflag:$0x3], $0x4000, $0x38;
	[tilespmem:$0x1EA00] =	vst v63  }
0x52: {  	_ =	swait.ge [sflag:s12], $0x4000  }
0x53: {  	[sflag:s12] =	ssyncset.done $0x0  }
0x54: {  	[sflag:s12] =	ssyncadd.s32 $0xFFFFC000  }
0x55: {  	[spmem:s10] =	stream.linear.scatter [tilespmem:s13], [sflag:$0x3], $0x4000, $0x38;
	[tilespmem:$0x1EA00] =	vst v63  }
0x56: {  	_ =	swait.ge [sflag:s12], $0x4000  }
0x57: {  	[sflag:s12] =	ssyncset.done $0x0  }
0x58: {  	[sflag:s12] =	ssyncadd.s32 $0xFFFFC000  }
0x59: {  	[spmem:s11] =	stream.linear.scatter [tilespmem:s13], [sflag:$0x3], $0x4000, $0x38;
	[tilespmem:$0x1EA00] =	vst v63  }
0x5a: {  	_ =	swait.ge [sflag:s12], $0x4000  }
0x5b: {  	[sflag:s12] =	ssyncset.done $0x0  }
0x5c: {  	[sflag:s12] =	ssyncadd.s32 $0xFFFFC000  }
0x5d: {  	[bflag:$0x0] =	sbarrier.arrive $0xFFFF  }
0x5e: {  	v1 =	vld [tilespmem:$0x0]  }
0x5f: {  	v2 =	vld [tilespmem:$0x10]  }
0x60: {  	v3 =	vld [tilespmem:$0x20]  }
0x61: {  	v4 =	vld [tilespmem:$0x30]  }
0x62: {  	v5 =	vld [tilespmem:$0x40]  }
0x63: {  	v6 =	vld [tilespmem:$0x50];
	v1 =	vand.u32 $0xFFFF, v1  }
0x64: {  	[tilespmem:$0x2800] =	vst v1;
	v1 =	vand.u32 $0xFFFF, v2;
	v2 =	vld [tilespmem:$0x60]  }
0x65: {  	[tilespmem:$0x2810] =	vst v1;
	v1 =	vand.u32 $0xFFFF, v3;
	v3 =	vld [tilespmem:$0x70]  }
0x66: {  	[tilespmem:$0x2820] =	vst v1;
	v1 =	vand.u32 $0xFFFF, v4  }
0x67: {  	[tilespmem:$0x2830] =	vst v1;
	v1 =	vand.u32 $0xFFFF, v5  }
0x68: {  	[tilespmem:$0x2840] =	vst v1;
	v1 =	vand.u32 $0xFFFF, v6  }
0x69: {  	[tilespmem:$0x2850] =	vst v1;
	v1 =	vand.u32 $0xFFFF, v2  }
0x6a: {  	[tilespmem:$0x2860] =	vst v1;
	v1 =	vand.u32 $0xFFFF, v3  }
0x6b: {  	s15 =	simm.s32 $0x2800;
	[tilespmem:$0x2870] =	vst v1  }
0x6c: {  	[tilespmem:s13], [sflag:$0x1] =	stream.indirect.gather [hbm4b:s1+s14], $0x80, s15, s14, $0xb8;
	[tilespmem:$0x1EA00] =	vst v63  }
0x6d: {  	v1 =	vld [tilespmem:$0x80]  }
0x6e: {  	v2 =	vld [tilespmem:$0x90]  }
0x6f: {  	v3 =	vld [tilespmem:$0xA0]  }
0x70: {  	v61 =	vld [tilespmem:$0xB0]  }
0x71: {  	v62 =	vld [tilespmem:$0xC0]  }
0x72: {  	v63 =	vld [tilespmem:$0xD0];
	v1 =	vand.u32 $0xFFFF, v1  }
0x73: {  	[tilespmem:$0x2880] =	vst v1;
	v1 =	vand.u32 $0xFFFF, v2;
	v2 =	vld [tilespmem:$0xE0]  }
0x74: {  	[tilespmem:$0x2890] =	vst v1;
	v1 =	vand.u32 $0xFFFF, v3;
	v3 =	vld [tilespmem:$0xF0]  }
0x75: {  	[tilespmem:$0x28A0] =	vst v1;
	v1 =	vand.u32 $0xFFFF, v61  }
0x76: {  	[tilespmem:$0x28B0] =	vst v1;
	v1 =	vand.u32 $0xFFFF, v62  }
0x77: {  	[tilespmem:$0x28C0] =	vst v1;
	v1 =	vand.u32 $0xFFFF, v63  }
0x78: {  	[tilespmem:$0x28D0] =	vst v1;
	v1 =	vand.u32 $0xFFFF, v2  }
0x79: {  	[tilespmem:$0x28E0] =	vst v1;
	v1 =	vand.u32 $0xFFFF, v3  }
0x7a: {  	s4 =	simm.s32 $0x0;
	[tilespmem:$0x28F0] =	vst v1  }
0x7b: {  	[tilespmem:s26], [sflag:$0x2] =	stream.indirect.gather [hbm4b:s1+s14], $0x80, s21, s14, $0xb8;
	[tilespmem:$0x1EA00] =	vst v63  }
.LBB2_4:
0x7c: {  	_ =	swait.ge [sflag:s28], $0x4000  }
0x7d: {  	[sflag:s28] =	ssyncset.done $0x0  }
0x7e: {  	s0 =	sshra.s32 s4, $0x2;
	[sflag:s28] =	ssyncadd.s32 $0xFFFFC000  }
0x7f: {  	v1 =	vld [tilespmem:s0+$0x0];
	_ =	sdelay $0x4  }
0x80: {  	v1 =	vshrl.u32 v1, $0x10  }
0x81: {  	[tilespmem:$0x2900] =	vst v1  }
0x82: {  	v1 =	vld [tilespmem:s0+$0x10];
	_ =	sdelay $0x4  }
0x83: {  	v1 =	vshrl.u32 v1, $0x10  }
0x84: {  	[tilespmem:$0x2910] =	vst v1  }
0x85: {  	v1 =	vld [tilespmem:s0+$0x20];
	_ =	sdelay $0x4  }
0x86: {  	v1 =	vshrl.u32 v1, $0x10  }
0x87: {  	[tilespmem:$0x2920] =	vst v1  }
0x88: {  	v1 =	vld [tilespmem:s0+$0x30];
	_ =	sdelay $0x4  }
0x89: {  	v1 =	vshrl.u32 v1, $0x10  }
0x8a: {  	[tilespmem:$0x2930] =	vst v1  }
0x8b: {  	v1 =	vld [tilespmem:s0+$0x40];
	_ =	sdelay $0x4  }
0x8c: {  	v1 =	vshrl.u32 v1, $0x10  }
0x8d: {  	[tilespmem:$0x2940] =	vst v1  }
0x8e: {  	v1 =	vld [tilespmem:s0+$0x50];
	_ =	sdelay $0x4  }
0x8f: {  	v1 =	vshrl.u32 v1, $0x10  }
0x90: {  	[tilespmem:$0x2950] =	vst v1  }
0x91: {  	v1 =	vld [tilespmem:s0+$0x60];
	_ =	sdelay $0x4  }
0x92: {  	v1 =	vshrl.u32 v1, $0x10  }
0x93: {  	[tilespmem:$0x2960] =	vst v1  }
0x94: {  	v1 =	vld [tilespmem:s0+$0x70];
	_ =	sdelay $0x4  }
0x95: {  	v1 =	vshrl.u32 v1, $0x10  }
0x96: {  	[tilespmem:$0x2970] =	vst v1  }
0x97: {  	[spmem:s3] =	stream.indirect.scatter.add.f32 [tilespmem:s13], [sflag:$0x3], $0x80, s29, s14, $0xb8;
	[tilespmem:$0x1EA00] =	vst v63  }
0x98: {  	_ =	swait.ge [sflag:s12], $0x4000  }
0x99: {  	p0 =	seq.s32 s4, $0x9C00;
	[sflag:s12] =	ssyncset.done $0x0  }
0x9a: {  	s15 =	sshra.s32 @!p0 s4, $0x2;
	[sflag:s12] =	ssyncadd.s32 $0xFFFFC000  }
0x9b: {  	v1 =	vld @!p0 [tilespmem:s15+$0x100];
	_ =	sdelay $0x4  }
0x9c: {  	v1 =	vand.u32 @!p0 $0xFFFF, v1  }
0x9d: {  	[tilespmem:$0x2800] =	vst @!p0 v1  }
0x9e: {  	v1 =	vld @!p0 [tilespmem:s15+$0x110];
	_ =	sdelay $0x4  }
0x9f: {  	v1 =	vand.u32 @!p0 $0xFFFF, v1  }
0xa0: {  	[tilespmem:$0x2810] =	vst @!p0 v1  }
0xa1: {  	v1 =	vld @!p0 [tilespmem:s15+$0x120];
	_ =	sdelay $0x4  }
0xa2: {  	v1 =	vand.u32 @!p0 $0xFFFF, v1  }
0xa3: {  	[tilespmem:$0x2820] =	vst @!p0 v1  }
0xa4: {  	v1 =	vld @!p0 [tilespmem:s15+$0x130];
	_ =	sdelay $0x4  }
0xa5: {  	v1 =	vand.u32 @!p0 $0xFFFF, v1  }
0xa6: {  	[tilespmem:$0x2830] =	vst @!p0 v1  }
0xa7: {  	v1 =	vld @!p0 [tilespmem:s15+$0x140];
	_ =	sdelay $0x4  }
0xa8: {  	v1 =	vand.u32 @!p0 $0xFFFF, v1  }
0xa9: {  	[tilespmem:$0x2840] =	vst @!p0 v1  }
0xaa: {  	v1 =	vld @!p0 [tilespmem:s15+$0x150];
	_ =	sdelay $0x4  }
0xab: {  	v1 =	vand.u32 @!p0 $0xFFFF, v1  }
0xac: {  	[tilespmem:$0x2850] =	vst @!p0 v1  }
0xad: {  	v1 =	vld @!p0 [tilespmem:s15+$0x160];
	_ =	sdelay $0x4  }
0xae: {  	v1 =	vand.u32 @!p0 $0xFFFF, v1  }
0xaf: {  	[tilespmem:$0x2860] =	vst @!p0 v1  }
0xb0: {  	v1 =	vld @!p0 [tilespmem:s15+$0x170];
	_ =	sdelay $0x4  }
0xb1: {  	v1 =	vand.u32 @!p0 $0xFFFF, v1  }
0xb2: {  	s5 =	simm.s32 @!p0 $0x2800;
	s7 =	simm.s32 @!p0 $0x2A00;
	s15 =	simm.s32 @!p0 $0x80;
	[tilespmem:$0x2870] =	vst @!p0 v1  }
0xb3: {  	[tilespmem:s7], [sflag:$0x1] =	stream.indirect.gather @!p0 [hbm4b:s1+s15], $0x80, s5, s15, $0xb8;
	[tilespmem:$0x1EA00] =	vst v63  }
0xb4: {  	_ =	swait.ge [sflag:s30], $0x4000  }
0xb5: {  	[sflag:s30] =	ssyncset.done $0x0  }
0xb6: {  	[sflag:s30] =	ssyncadd.s32 $0xFFFFC000  }
0xb7: {  	v1 =	vld [tilespmem:s0+$0x80];
	_ =	sdelay $0x4  }
0xb8: {  	v1 =	vshrl.u32 v1, $0x10  }
0xb9: {  	[tilespmem:$0x2980] =	vst v1  }
0xba: {  	v1 =	vld [tilespmem:s0+$0x90];
	_ =	sdelay $0x4  }
0xbb: {  	v1 =	vshrl.u32 v1, $0x10  }
0xbc: {  	[tilespmem:$0x2990] =	vst v1  }
0xbd: {  	v1 =	vld [tilespmem:s0+$0xA0];
	_ =	sdelay $0x4  }
0xbe: {  	v1 =	vshrl.u32 v1, $0x10  }
0xbf: {  	[tilespmem:$0x29A0] =	vst v1  }
0xc0: {  	v1 =	vld [tilespmem:s0+$0xB0];
	_ =	sdelay $0x4  }
0xc1: {  	v1 =	vshrl.u32 v1, $0x10  }
0xc2: {  	[tilespmem:$0x29B0] =	vst v1  }
0xc3: {  	v1 =	vld [tilespmem:s0+$0xC0];
	_ =	sdelay $0x4  }
0xc4: {  	v1 =	vshrl.u32 v1, $0x10  }
0xc5: {  	[tilespmem:$0x29C0] =	vst v1  }
0xc6: {  	v1 =	vld [tilespmem:s0+$0xD0];
	_ =	sdelay $0x4  }
0xc7: {  	v1 =	vshrl.u32 v1, $0x10  }
0xc8: {  	[tilespmem:$0x29D0] =	vst v1  }
0xc9: {  	v1 =	vld [tilespmem:s0+$0xE0];
	_ =	sdelay $0x4  }
0xca: {  	v1 =	vshrl.u32 v1, $0x10  }
0xcb: {  	[tilespmem:$0x29E0] =	vst v1  }
0xcc: {  	v1 =	vld [tilespmem:s0+$0xF0];
	_ =	sdelay $0x4  }
0xcd: {  	v1 =	vshrl.u32 v1, $0x10  }
.Ltmp3:
0xce: {  	[tilespmem:$0x29F0] =	vst v1;
	(pc) =	sbr.rel @p0 .LBB2_6-.Ltmp3, $4  }
0xcf: {  	[spmem:s3] =	stream.indirect.scatter.add.f32 [tilespmem:s26], [sflag:$0x3], $0x80, s31, s14, $0xb8;
	[tilespmem:$0x1EA00] =	vst v63  }
0xd0: {  	_ =	swait.ge [sflag:s12], $0x4000  }
0xd1: {  	[sflag:s12] =	ssyncset.done $0x0  }
0xd2: {  	[sflag:s12] =	ssyncadd.s32 $0xFFFFC000  }
0xd3: {  	v1 =	vld [tilespmem:s0+$0x180];
	_ =	sdelay $0x4  }
0xd4: {  	v1 =	vand.u32 $0xFFFF, v1  }
0xd5: {  	[tilespmem:$0x2880] =	vst v1  }
0xd6: {  	v1 =	vld [tilespmem:s0+$0x190];
	_ =	sdelay $0x4  }
0xd7: {  	v1 =	vand.u32 $0xFFFF, v1  }
0xd8: {  	[tilespmem:$0x2890] =	vst v1  }
0xd9: {  	v1 =	vld [tilespmem:s0+$0x1A0];
	_ =	sdelay $0x4  }
0xda: {  	v1 =	vand.u32 $0xFFFF, v1  }
0xdb: {  	[tilespmem:$0x28A0] =	vst v1  }
0xdc: {  	v1 =	vld [tilespmem:s0+$0x1B0];
	_ =	sdelay $0x4  }
0xdd: {  	v1 =	vand.u32 $0xFFFF, v1  }
0xde: {  	[tilespmem:$0x28B0] =	vst v1  }
0xdf: {  	v1 =	vld [tilespmem:s0+$0x1C0];
	_ =	sdelay $0x4  }
0xe0: {  	v1 =	vand.u32 $0xFFFF, v1  }
0xe1: {  	[tilespmem:$0x28C0] =	vst v1  }
0xe2: {  	v1 =	vld [tilespmem:s0+$0x1D0];
	_ =	sdelay $0x4  }
0xe3: {  	v1 =	vand.u32 $0xFFFF, v1  }
0xe4: {  	[tilespmem:$0x28D0] =	vst v1  }
0xe5: {  	v1 =	vld [tilespmem:s0+$0x1E0];
	_ =	sdelay $0x4  }
0xe6: {  	v1 =	vand.u32 $0xFFFF, v1  }
0xe7: {  	[tilespmem:$0x28E0] =	vst v1  }
0xe8: {  	v1 =	vld [tilespmem:s0+$0x1F0];
	_ =	sdelay $0x2  }
.Ltmp4:
0xe9: {  	_ = 	snop;
	(pc) =	sbr.rel .LBB2_4-.Ltmp4, $4  }
0xea: {  	_ = 	snop  }
0xeb: {  	v1 =	vand.u32 $0xFFFF, v1  }
0xec: {  	s4 =	sadd.s32 $0x400, s4;
	[tilespmem:$0x28F0] =	vst v1  }
0xed: {  	[tilespmem:s26], [sflag:$0x2] =	stream.indirect.gather [hbm4b:s1+s14], $0x80, s21, s14, $0xb8;
	[tilespmem:$0x1EA00] =	vst v63  }
.LBB2_7:
0xee: {  	_ =	sfence.sel $0x180000  }
0xef: {  	[bflag:$0x0] =	sbarrier.arrive $0xFFFF  }
0xf0: {  	_ =	strace $0x9000004A  }
0xf1: {  	s0 =	stileid.u32;
	[bflag:$0x2] =	sbarrier.arrive $0xFFFF  }
0xf2: {  	p0 =	sne.s32 s0, $0x0;
	s0 =	rddreg [dreg:$0x3]  }
0xf3: {  	s0 =	sadd.s32 @!p0 $0x100000, s0  }
0xf4: {  	[sflag:s0] =	ssyncadd.tile.s32 @!p0 $0x1;
	_ =	shalt  }
.Lfunc_end2:
_tile_overlayer_lowered:
.L_overlay_start_2:
0xf5: {  	(tag) =	ssettag $0x2  }
0xf6: {  	s0 =	rddreg [dreg:$0x0];
	s2 =	stileid.u32  }
0xf7: {  	s1 =	rddreg [dreg:$0x1];
	p0 =	sne.s32 s2, $0x0  }
0xf8: {  	s3 =	rddreg [dreg:$0x2];
	[bflag:$0x3] =	sbarrier.arrive $0xFFFF;
	s2 =	simm.s32 @!p0 $0x1C03  }
0xf9: {  	[timem:s3], [sflag:s2] =	dma.local @!p0 [hbm:s0], s1  }
0xfa: {  	s0 =	simm.s32 @!p0 $0x3  }
0xfb: {  	_ =	swait.ge @!p0 [sflag:s0], s1  }
0xfc: {  	s1 =	ssub.s32 @!p0 $0x0, s1;
	[sflag:s0] =	ssyncset.done @!p0 $0x0  }
0xfd: {  	[sflag:s0] =	ssyncadd.s32 @!p0 s1  }
0xfe: {  	[bflag:$0x3] =	sbarrier.arrive $0xFFFF  }
0xff: {  	_ =	shalt  }

// kernel: kernel.16.cloned.1.call-start
scs
__scs_entry_jumppad:
0x0: {  	(pc) =	sbr.rel $0x88, $3  }
0x1: {  	(tag) =	ssettag $0x0;
	lr =	simm.s32 $0x1  }
0x2: {  	[smem:$0x3F99] =	sst lr;
	_ =	strace $0xD0000000  }
0x3: {  	_ = 	snop  }
0x4: {  	_ = 	snop  }
0x5: {  	_ = 	snop  }
0x6: {  	_ = 	snop  }
0x7: {  	_ = 	snop  }
__scs_overlays_trampoline_lowered:
0x8: {  	[smem:$0x3FA8] =	sst s0  }
0x9: {  	[smem:$0x3FA9] =	sst s1  }
0xa: {  	[smem:$0x3FAA] =	sst s2  }
0xb: {  	[smem:$0x3FAB] =	sst s3  }
0xc: {  	[smem:$0x3FAC] =	sst s4  }
0xd: {  	[smem:$0x3FAD] =	sst s5  }
0xe: {  	[smem:$0x3FAE] =	sst s6  }
0xf: {  	[smem:$0x3FAF] =	sst s7  }
0x10: {  	[smem:$0x3FB0] =	sst s8  }
0x11: {  	[smem:$0x3FB1] =	sst s9;
	s0 =	simm.s32 @!p0 $0x0  }
0x12: {  	s1 =	sld [smem:$0x3F97];
	s0 =	simm.s32 @p0 $0x1  }
0x13: {  	[smem:$0x3FB2] =	sst s0;
	s0 =	simm.s32 @!p1 $0x0  }
0x14: {  	s2 =	sld [smem:$0x3F96];
	s0 =	simm.s32 @p1 $0x1  }
0x15: {  	[smem:$0x3FB3] =	sst s0;
	s0 =	simm.s32 @!p2 $0x0  }
0x16: {  	s3 =	sld [smem:$0x3FDB];
	s0 =	simm.s32 @p2 $0x1  }
0x17: {  	s4 =	simm.s32 $0x1BF5;
	[smem:$0x3FB5] =	sst s0  }
0x18: {  	s0 =	sld [smem:$0x3F98];
	_ =	swait.ge [sflag:s4], $0x0  }
0x19: {  	s7 =	sld [smem:$0x3F99]  }
0x1a: {  	s8 =	sadd.s32 $0xFFFFE003, lr  }
0x1b: {  	s9 =	sadd.s32 $0xFFFFFEF7, lr;
	s5 =	simm.s32 $0xFFFFFFFF;
	p2 =	slt.u32 s8, $0xFFFFF086  }
0x1c: {  	p1 =	slt.u32 s9, $0xF7A;
	s5 =	simm.s32 @!p2 $0x0  }
0x1d: {  	s5 =	simm.s32 @p1 $0x1;
	p0 =	seq.s32 s7, s2  }
0x1e: {  	s7 =	smul.u32 @!p0 $0xF7A, s2;
	p2 =	seq.s32 @!p0 s5, $0x0  }
0x1f: {  	s9 =	smul.u32 $0xF7A, s1;
	s8 =	simm.s32 @!p0 $0x1BF5;
	p2 =	por !p2, p0  }
0x20: {  	[sflag:s8] =	ssyncset.s32 @!p0 $0xFFFFF086;
	s6 =	sadd.s32 @!p0 s3, s7;
	s7 =	simm.s32 @!p0 $0x108  }
0x21: {  	s3 =	sadd.s32 s3, s9;
	s6 =	sadd.s32 @!p0 $0x88, s6;
	s7 =	simm.s32 @p2 $0x1082  }
0x22: {  	[simem:s7], [sflag:s8] =	dma.local @!p0 [hbm:s6], $0xF7A  }
0x23: {  	s9 =	sor.u32 $0xD0000000, s2;
	s6 =	simm.s32 $0x108;
	_ =	swait.ge @!p0 [sflag:s8], $0x0  }
0x24: {  	s3 =	sadd.s32 $0x88, s3;
	s6 =	simm.s32 @!p1 $0x1082;
	[sflag:s4] =	ssyncset.s32 $0xFFFFF086  }
0x25: {  	[simem:s6], [sflag:s4] =	dma.local [hbm:s3], $0xF7A  }
0x26: {  	[smem:$0x3F99] =	sst s1;
	(tag) =	ssettag s2;
	_ =	strace s9  }
0x27: {  	s1 =	sld [smem:$0x3FA9]  }
0x28: {  	s2 =	sld [smem:$0x3FAA]  }
0x29: {  	s4 =	sld [smem:$0x3FAC]  }
0x2a: {  	p0 =	seq.s32 s5, $0x0;
	s5 =	sld [smem:$0x3FAD]  }
0x2b: {  	s6 =	sld [smem:$0x3FAE]  }
0x2c: {  	s7 =	sld [smem:$0x3FAF]  }
0x2d: {  	s3 =	simm.s32 $0x108;
	s8 =	sld [smem:$0x3FB0]  }
0x2e: {  	s3 =	simm.s32 @!p0 $0x1082;
	s9 =	sld [smem:$0x3FB1]  }
0x2f: {  	lr =	sadd.s32 s0, s3;
	s0 =	sld [smem:$0x3FA8]  }
0x30: {  	s3 =	sld [smem:$0x3FAB]  }
0x31: {  	[smem:$0x3FB4] =	sst s10  }
0x32: {  	s10 =	sld [smem:$0x3FB2];
	_ =	sdelay $0x3  }
0x33: {  	p0 =	seq.s32 s10, $0x1;
	s10 =	sld [smem:$0x3FB4];
	_ =	sdelay $0x3  }
0x34: {  	[smem:$0x3FB4] =	sst s10  }
0x35: {  	s10 =	sld [smem:$0x3FB3];
	_ =	sdelay $0x3  }
0x36: {  	p1 =	seq.s32 s10, $0x1;
	s10 =	sld [smem:$0x3FB4];
	_ =	sdelay $0x3  }
0x37: {  	[smem:$0x3FB4] =	sst s10  }
0x38: {  	s10 =	sld [smem:$0x3FB5]  }
0x39: {  	_ = 	snop;
	(pc) =	sbr.ind lr, $3  }
0x3a: {  	_ = 	snop  }
0x3b: {  	_ = 	snop  }
0x3c: {  	p2 =	seq.s32 s10, $0x1;
	s10 =	sld [smem:$0x3FB4]  }
0x3d: {  	_ =	shalt  }
0x3e: {  	_ =	shalt  }
0x3f: {  	_ =	shalt  }
0x40: {  	_ =	shalt  }
0x41: {  	_ =	shalt  }
0x42: {  	_ =	shalt  }
0x43: {  	_ =	shalt  }
0x44: {  	_ =	shalt  }
0x45: {  	_ =	shalt  }
0x46: {  	_ =	shalt  }
0x47: {  	_ =	shalt  }
0x48: {  	_ =	shalt  }
0x49: {  	_ =	shalt  }
0x4a: {  	_ =	shalt  }
0x4b: {  	_ =	shalt  }
0x4c: {  	_ =	shalt  }
0x4d: {  	_ =	shalt  }
0x4e: {  	_ =	shalt  }
0x4f: {  	_ =	shalt  }
0x50: {  	_ =	shalt  }
0x51: {  	_ =	shalt  }
0x52: {  	_ =	shalt  }
0x53: {  	_ =	shalt  }
0x54: {  	_ =	shalt  }
0x55: {  	_ =	shalt  }
0x56: {  	_ =	shalt  }
0x57: {  	_ =	shalt  }
0x58: {  	_ =	shalt  }
0x59: {  	_ =	shalt  }
0x5a: {  	_ =	shalt  }
0x5b: {  	_ =	shalt  }
0x5c: {  	_ =	shalt  }
0x5d: {  	_ =	shalt  }
0x5e: {  	_ =	shalt  }
0x5f: {  	_ =	shalt  }
0x60: {  	_ =	shalt  }
0x61: {  	_ =	shalt  }
0x62: {  	_ =	shalt  }
0x63: {  	_ =	shalt  }
0x64: {  	_ =	shalt  }
0x65: {  	_ =	shalt  }
0x66: {  	_ =	shalt  }
0x67: {  	_ =	shalt  }
0x68: {  	_ =	shalt  }
0x69: {  	_ =	shalt  }
0x6a: {  	_ =	shalt  }
0x6b: {  	_ =	shalt  }
0x6c: {  	_ =	shalt  }
0x6d: {  	_ =	shalt  }
0x6e: {  	_ =	shalt  }
0x6f: {  	_ =	shalt  }
0x70: {  	_ =	shalt  }
0x71: {  	_ =	shalt  }
0x72: {  	_ =	shalt  }
0x73: {  	_ =	shalt  }
0x74: {  	_ =	shalt  }
0x75: {  	_ =	shalt  }
0x76: {  	_ =	shalt  }
0x77: {  	_ =	shalt  }
0x78: {  	_ =	shalt  }
0x79: {  	_ =	shalt  }
0x7a: {  	_ =	shalt  }
0x7b: {  	_ =	shalt  }
0x7c: {  	_ =	shalt  }
0x7d: {  	_ =	shalt  }
0x7e: {  	_ =	shalt  }
0x7f: {  	_ =	shalt  }
0x80: {  	_ =	shalt  }
0x81: {  	_ =	shalt  }
0x82: {  	_ =	shalt  }
0x83: {  	_ =	shalt  }
0x84: {  	_ =	shalt  }
0x85: {  	_ =	shalt  }
0x86: {  	_ =	shalt  }
0x87: {  	_ =	shalt  }
.Lfunc_end0:
.L_simem_size_0:
called_computation.2_lowered:
.L_overlay_start_0:
0x88: {  	s2 =	sld [smem:$0x3FD9]  }
0x89: {  	s3 =	sld [smem:$0x3FFE];
	_ =	sdelay $0x1  }
0x8a: {  	s1 =	srdreg.scid  }
0x8b: {  	s0 =	sand.u32 $0x1, s1  }
0x8c: {  	s17 =	sshll.u32 s0, $0xA;
	s2 =	sadd.s32 s3, s2  }
0x8d: {  	s2 =	sadd.s32 s2, s17  }
0x8e: {  	[smem:$0x3FC0] =	sst s2  }
0x8f: {  	_ = 	snop  }
0x90: {  	s2 =	sld [smem:$0x3FD0];
	(tm) =	ssettm $0x1  }
0x91: {  	s18 =	sld [smem:$0x3FFB];
	_ =	sdelay $0x3  }
0x92: {  	_ =	strace s18  }
0x93: {  	s3 =	sld [smem:$0x3FFC];
	_ =	sdelay $0x3  }
0x94: {  	_ =	strace s3  }
0x95: {  	s3 =	sld [smem:$0x3FFD];
	_ =	sdelay $0x3  }
0x96: {  	_ =	strace s3  }
0x97: {  	_ =	strace $0x8FFFFFFF  }
0x98: {  	s19 =	sld [smem:$0x3FDB];
	_ =	sdelay $0x1  }
0x99: {  	s4 =	simm.s32 $_scs_section_size  }
0x9a: {  	s5 =	simm.s32 $_size__tile_overlayer_lowered;
	s6 =	simm.s32 $_tile_overlayer_lowered  }
0x9b: {  	s22 =	simm.s32 $0x1BFF;
	s21 =	sshll.u32 s6, $0x1;
	s3 =	sadd.s32 s4, s19  }
0x9c: {  	s7 =	simm.s32 $0x0;
	s20 =	sshll.u32 s5, $0x1;
	s5 =	sadd.s32 s21, s3  }
0x9d: {  	[timem:s7], [sflag:s22] =	dma.local [hbm:s5], s20  }
0x9e: {  	_ =	swait.ge [sflag:s22], s20  }
0x9f: {  	s4 =	ssub.s32 $0x0, s20;
	[sflag:s22] =	ssyncset.done $0x0  }
0xa0: {  	[sflag:s22] =	ssyncadd.s32 s4;
	_ =	sdelay $0x1  }
0xa1: {  	s23 =	simm.s32 $0x1B8B  }
0xa2: {  	_ =	swait.ge [sflag:s23], $0x1  }
0xa3: {  	[sflag:s23] =	ssyncset.done $0x0  }
0xa4: {  	s25 =	simm.s32 $0x1B8E;
	s24 =	sld [smem:$0x3FFE];
	[sflag:s23] =	ssyncadd.s32 $0xFFFFFFFF  }
0xa5: {  	s26 =	simm.s32 $execute0_lowered;
	[smem:$0x3FD2] =	sst s25  }
0xa6: {  	s5 =	sshll.u32 s26, $0x1;
	_ =	strace $0x8000004C;
	[dreg:$0x1] =	wrdreg $0xFFFFFFFF  }
0xa7: {  	s28 =	simm.s32 $_size_execute0_lowered;
	s3 =	sadd.s32 s3, s5;
	[dreg:$0x0] =	wrdreg $0x0  }
0xa8: {  	s5 =	sshll.u32 s28, $0x1;
	[dreg:$0x2] =	wrdreg s3  }
0xa9: {  	[dreg:$0x3] =	wrdreg s5  }
0xaa: {  	[dreg:$0x4] =	wrdreg $0xC0  }
0xab: {  	_ =	task [dreg:s7], $0x5FFFF  }
0xac: {  	[dreg:$0x1] =	wrdreg $0xFFFFFFFF  }
0xad: {  	[dreg:$0x0] =	wrdreg $0x60  }
0xae: {  	[dreg:$0x2] =	wrdreg s2  }
0xaf: {  	[dreg:$0x3] =	wrdreg s24  }
0xb0: {  	[dreg:$0x4] =	wrdreg $0xAA000  }
0xb1: {  	[dreg:$0x5] =	wrdreg $0x9  }
0xb2: {  	_ =	task.clear_ibuf [dreg:s7], $0x6FFFF;
	_ =	strace $0x9000004C  }
0xb3: {  	s29 =	simm.s32 $0x9;
	_ =	strace $0x8000004E  }
0xb4: {  	_ =	swait.ge [sflag:s29], $0x1  }
0xb5: {  	[sflag:s29] =	ssyncadd.s32 $0xFFFFFFFF  }
0xb6: {  	_ =	strace $0x9000004E  }
0xb7: {  	_ =	sfence  }
0xb8: {  	s30 =	sld [smem:$0x0];
	_ =	sdelay $0x2  }
0xb9: {  	s31 =	sshll.u32 s1, $0xD;
	s1 =	sshrl.u32 s1, $0x2  }
0xba: {  	s3 =	sand.u32 $0x4000, s31;
	s1 =	sadd.s32 s1, s30  }
0xbb: {  	s0 =	sor.u32 s3, s0;
	s1 =	sshll.u32 s1, $0x11  }
0xbc: {  	s0 =	sor.u32 s1, s0  }
0xbd: {  	s0 =	sadd.s32 $0x8F2B, s0  }
0xbe: {  	[sflag:s0] =	ssyncadd.remote.s32 $0x1  }
0xbf: {  	_ =	sfence.sel $0xFFFF  }
0xc0: {  	[dreg:$0x0] =	wrdreg $0xFFFFFFFF;
	(pc) =	sbr.abs _section_cstart, $3  }
0xc1: {  	[dreg:$0x1] =	wrdreg $0xFFFFFFFF  }
0xc2: {  	_ =	task.clear_ibuf [dreg:s7], $0x2FFFF;
	_ =	strace $0x9FFFFFFF  }
0xc3: {  	(tm) =	ssettm $0x7FFFFFFF  }
tec
execute0_lowered:
.L_overlay_start_1:
0x0: {  	(tag) =	ssettag $0x1  }
0x1: {  	s1 =	rddreg [dreg:$0x0]  }
0x2: {  	s0 =	srdreg.scid;
	s2 =	rddreg [dreg:$0x1]  }
0x3: {  	s7 =	stileid.u32;
	s3 =	rddreg [dreg:$0x2]  }
0x4: {  	s5 =	simm.s32 $0x0;
	s28 =	simm.s32 $0x1;
	s6 =	smul.u32 $0x50000, s7  }
0x5: {  	s29 =	simm.s32 $0x2900;
	s30 =	simm.s32 $0x2;
	s12 =	smul.u32 $0x280, s7  }
0x6: {  	s31 =	simm.s32 $0x2980;
	s0 =	sand.u32 $0x1, s0;
	s21 =	smul.u32 $0x2800, s7  }
0x7: {  	[smem:$0x7FF] =	sst s5;
	s4 =	sshll.u32 s0, $0x4;
	s18 =	smul.u32 $0x28000, s0  }
0x8: {  	_ =	strace $0x8000004D;
	s0 =	ssub.s32 $0x2, s0;
	s4 =	sor.u32 s7, s4  }
0x9: {  	s19 =	sshrl.u32 s0, $0x1;
	s20 =	sshrl.u32 s6, $0x2;
	s23 =	sadd.s32 $0x80, s12  }
0xa: {  	s14 =	sadd.s32 $0x100, s12;
	s25 =	sadd.s32 $0x180, s12;
	s12 =	sadd.s32 $0x200, s12  }
0xb: {  	s4 =	smul.u32 $0x500, s4;
	s0 =	ssub.s32 s0, s19;
	s6 =	sadd.s32 s20, s3  }
0xc: {  	s13 =	sshll.u32 s23, $0x7;
	s24 =	sshll.u32 s14, $0x7;
	s26 =	sshll.u32 s25, $0x7  }
0xd: {  	s15 =	sshll.u32 s12, $0x7;
	s19 =	sshll.u32 s25, $0x4;
	s20 =	sshll.u32 s12, $0x4  }
0xe: {  	s12 =	simm.s32 $0x3;
	s0 =	smax.u32 s0, $0x1;
	s8 =	sadd.s32 $0x4000, s6  }
0xf: {  	s9 =	sadd.s32 $0x8000, s6;
	s10 =	sadd.s32 $0xC000, s6;
	s11 =	sadd.s32 $0x10000, s6  }
0x10: {  	s22 =	sadd.s32 s13, s3;
	s25 =	sadd.s32 s15, s3;
	s13 =	simm.s32 $0x2A00  }
0x11: {  	s4 =	sadd.s32 s4, s2;
	s2 =	sadd.s32 s18, s2;
	[dreg:$0x5] =	wrdreg s0  }
0x12: {  	s0 =	sshll.u32 s23, $0x4;
	s23 =	sadd.s32 s24, s3;
	s18 =	sshll.u32 s14, $0x4  }
0x13: {  	s24 =	sadd.s32 s26, s3;
	s14 =	simm.s32 $0x80;
	s22 =	sshrl.u32 s22, $0x3  }
.Ltmp0:
0x14: {  	s25 =	sshrl.u32 s25, $0x3;
	s26 =	simm.s32 $0x6A00;
	(pc) =	sbr.rel .LBB2_1-.Ltmp0, $4  }
0x15: {  	s4 =	sadd.s32 $0x2800, s4;
	s2 =	sadd.s32 $0xC800, s2;
	s23 =	sshrl.u32 s23, $0x3  }
0x16: {  	s24 =	sshrl.u32 s24, $0x3;
	[dreg:$0x4] =	wrdreg s4;
	s16 =	sadd.s32 s21, s2  }
0x17: {  	s17 =	sadd.s32 s0, s2;
	s18 =	sadd.s32 s18, s2;
	s19 =	sadd.s32 s19, s2  }
0x18: {  	v0 =	vimm.f32 $0.0e+00;
	s20 =	sadd.s32 s20, s2;
	s21 =	simm.s32 $0x2880;
	s2 =	simm.s32 $0x0  }
.LBB2_6:
0x19: {  	s0 =	stileid.u32  }
0x1a: {  	s0 =	sshll.u32 s0, $0x6  }
0x1b: {  	[bflag:$0x0] =	sbarrier.arrive $0xFFFF;
	s4 =	sshrl.u32 s6, $0x3;
	s0 =	sor.u32 $0x1C03, s0  }
0x1c: {  	[hbm:s16], [sflag:s0] =	dma.local [spmem:s4], $0x800  }
0x1d: {  	_ =	swait.ge [sflag:s12], $0x800  }
0x1e: {  	[sflag:s12] =	ssyncset.done $0x0  }
0x1f: {  	[sflag:s12] =	ssyncadd.s32 $0xFFFFF800  }
0x20: {  	[hbm:s17], [sflag:s0] =	dma.local [spmem:s22], $0x800  }
0x21: {  	_ =	swait.ge [sflag:s12], $0x800  }
0x22: {  	[sflag:s12] =	ssyncset.done $0x0  }
0x23: {  	[sflag:s12] =	ssyncadd.s32 $0xFFFFF800  }
0x24: {  	[hbm:s18], [sflag:s0] =	dma.local [spmem:s23], $0x800  }
0x25: {  	_ =	swait.ge [sflag:s12], $0x800  }
0x26: {  	[sflag:s12] =	ssyncset.done $0x0  }
0x27: {  	[sflag:s12] =	ssyncadd.s32 $0xFFFFF800  }
0x28: {  	[hbm:s19], [sflag:s0] =	dma.local [spmem:s24], $0x800  }
0x29: {  	_ =	swait.ge [sflag:s12], $0x800  }
0x2a: {  	[sflag:s12] =	ssyncset.done $0x0  }
0x2b: {  	[sflag:s12] =	ssyncadd.s32 $0xFFFFF800  }
0x2c: {  	[hbm:s20], [sflag:s0] =	dma.local [spmem:s25], $0x800  }
0x2d: {  	_ =	swait.ge [sflag:s12], $0x800  }
0x2e: {  	s2 =	sadd.s32 $0x1, s2;
	s15 =	rddreg [dreg:$0x5]  }
0x2f: {  	p0 =	sne.s32 s2, s15  }
.Ltmp1:
0x30: {  	_ = 	snop;
	(pc) =	sbr.rel @!p0 .LBB2_7-.Ltmp1, $3  }
0x31: {  	_ =	sdelay $0x1  }
0x32: {  	[sflag:s12] =	ssyncset.done $0x0  }
0x33: {  	[sflag:s12] =	ssyncadd.s32 $0xFFFFF800  }
.LBB2_1:
0x34: {  	s0 =	simm.s32 $0x0;
	s4 =	rddreg [dreg:$0x4]  }
0x35: {  	[tilespmem:s0], [sflag:$0x3] =	stream.linear.gather [hbm4b:s4+s0], $0x2800, $0x38;
	[tilespmem:$0x1EA00] =	vst v63  }
0x36: {  	_ =	swait.ge [sflag:s12], $0x2800  }
0x37: {  	[sflag:s12] =	ssyncset.done $0x0  }
0x38: {  	s0 =	simm.s32 $0x0;
	s4 =	simm.s32 $0x200;
	[sflag:s12] =	ssyncadd.s32 $0xFFFFD800  }
.LBB2_2:
0x39: {  	p0 =	sne.s32 s4, $0xFE00;
	[tilespmem:s0+$0x2A70] =	vst v0  }
0x3a: {  	[tilespmem:s0+$0x2A00] =	vst v0  }
0x3b: {  	[tilespmem:s0+$0x2A10] =	vst v0  }
.Ltmp2:
0x3c: {  	[tilespmem:s0+$0x2A20] =	vst v0;
	(pc) =	sbr.rel @p0 .LBB2_2-.Ltmp2, $4  }
0x3d: {  	[tilespmem:s0+$0x2A30] =	vst v0  }
0x3e: {  	[tilespmem:s0+$0x2A40] =	vst v0  }
0x3f: {  	[tilespmem:s0+$0x2A50] =	vst v0  }
0x40: {  	[tilespmem:s0+$0x2A60] =	vst v0;
	s0 =	sshra.s32 s4, $0x2;
	s4 =	sadd.s32 $0x200, s4  }
0x41: {  	[tilespmem:s0+$0x2A70] =	vst v0  }
0x42: {  	[tilespmem:s0+$0x2A00] =	vst v0  }
0x43: {  	[tilespmem:s0+$0x2A10] =	vst v0  }
0x44: {  	[tilespmem:s0+$0x2A20] =	vst v0  }
0x45: {  	[tilespmem:s0+$0x2A30] =	vst v0  }
0x46: {  	[tilespmem:s0+$0x2A40] =	vst v0  }
0x47: {  	[tilespmem:s0+$0x2A50] =	vst v0  }
0x48: {  	[tilespmem:s0+$0x2A60] =	vst v0  }
0x49: {  	[spmem:s6] =	stream.linear.scatter [tilespmem:s13], [sflag:$0x3], $0x4000, $0x38;
	[tilespmem:$0x1EA00] =	vst v63  }
0x4a: {  	_ =	swait.ge [sflag:s12], $0x4000  }
0x4b: {  	[sflag:s12] =	ssyncset.done $0x0  }
0x4c: {  	[sflag:s12] =	ssyncadd.s32 $0xFFFFC000  }
0x4d: {  	[spmem:s8] =	stream.linear.scatter [tilespmem:s13], [sflag:$0x3], $0x4000, $0x38;
	[tilespmem:$0x1EA00] =	vst v63  }
0x4e: {  	_ =	swait.ge [sflag:s12], $0x4000  }
0x4f: {  	[sflag:s12] =	ssyncset.done $0x0  }
0x50: {  	[sflag:s12] =	ssyncadd.s32 $0xFFFFC000  }
0x51: {  	[spmem:s9] =	stream.linear.scatter [tilespmem:s13], [sflag:$0x3], $0x4000, $0x38;
	[tilespmem:$0x1EA00] =	vst v63  }
0x52: {  	_ =	swait.ge [sflag:s12], $0x4000  }
0x53: {  	[sflag:s12] =	ssyncset.done $0x0  }
0x54: {  	[sflag:s12] =	ssyncadd.s32 $0xFFFFC000  }
0x55: {  	[spmem:s10] =	stream.linear.scatter [tilespmem:s13], [sflag:$0x3], $0x4000, $0x38;
	[tilespmem:$0x1EA00] =	vst v63  }
0x56: {  	_ =	swait.ge [sflag:s12], $0x4000  }
0x57: {  	[sflag:s12] =	ssyncset.done $0x0  }
0x58: {  	[sflag:s12] =	ssyncadd.s32 $0xFFFFC000  }
0x59: {  	[spmem:s11] =	stream.linear.scatter [tilespmem:s13], [sflag:$0x3], $0x4000, $0x38;
	[tilespmem:$0x1EA00] =	vst v63  }
0x5a: {  	_ =	swait.ge [sflag:s12], $0x4000  }
0x5b: {  	[sflag:s12] =	ssyncset.done $0x0  }
0x5c: {  	[sflag:s12] =	ssyncadd.s32 $0xFFFFC000  }
0x5d: {  	[bflag:$0x0] =	sbarrier.arrive $0xFFFF  }
0x5e: {  	v1 =	vld [tilespmem:$0x0]  }
0x5f: {  	v2 =	vld [tilespmem:$0x10]  }
0x60: {  	v3 =	vld [tilespmem:$0x20]  }
0x61: {  	v4 =	vld [tilespmem:$0x30]  }
0x62: {  	v5 =	vld [tilespmem:$0x40]  }
0x63: {  	v6 =	vld [tilespmem:$0x50];
	v1 =	vand.u32 $0xFFFF, v1  }
0x64: {  	[tilespmem:$0x2800] =	vst v1;
	v1 =	vand.u32 $0xFFFF, v2;
	v2 =	vld [tilespmem:$0x60]  }
0x65: {  	[tilespmem:$0x2810] =	vst v1;
	v1 =	vand.u32 $0xFFFF, v3;
	v3 =	vld [tilespmem:$0x70]  }
0x66: {  	[tilespmem:$0x2820] =	vst v1;
	v1 =	vand.u32 $0xFFFF, v4  }
0x67: {  	[tilespmem:$0x2830] =	vst v1;
	v1 =	vand.u32 $0xFFFF, v5  }
0x68: {  	[tilespmem:$0x2840] =	vst v1;
	v1 =	vand.u32 $0xFFFF, v6  }
0x69: {  	[tilespmem:$0x2850] =	vst v1;
	v1 =	vand.u32 $0xFFFF, v2  }
0x6a: {  	[tilespmem:$0x2860] =	vst v1;
	v1 =	vand.u32 $0xFFFF, v3  }
0x6b: {  	s15 =	simm.s32 $0x2800;
	[tilespmem:$0x2870] =	vst v1  }
0x6c: {  	[tilespmem:s13], [sflag:$0x1] =	stream.indirect.gather [hbm4b:s1+s14], $0x80, s15, s14, $0xb8;
	[tilespmem:$0x1EA00] =	vst v63  }
0x6d: {  	v1 =	vld [tilespmem:$0x80]  }
0x6e: {  	v2 =	vld [tilespmem:$0x90]  }
0x6f: {  	v3 =	vld [tilespmem:$0xA0]  }
0x70: {  	v61 =	vld [tilespmem:$0xB0]  }
0x71: {  	v62 =	vld [tilespmem:$0xC0]  }
0x72: {  	v63 =	vld [tilespmem:$0xD0];
	v1 =	vand.u32 $0xFFFF, v1  }
0x73: {  	[tilespmem:$0x2880] =	vst v1;
	v1 =	vand.u32 $0xFFFF, v2;
	v2 =	vld [tilespmem:$0xE0]  }
0x74: {  	[tilespmem:$0x2890] =	vst v1;
	v1 =	vand.u32 $0xFFFF, v3;
	v3 =	vld [tilespmem:$0xF0]  }
0x75: {  	[tilespmem:$0x28A0] =	vst v1;
	v1 =	vand.u32 $0xFFFF, v61  }
0x76: {  	[tilespmem:$0x28B0] =	vst v1;
	v1 =	vand.u32 $0xFFFF, v62  }
0x77: {  	[tilespmem:$0x28C0] =	vst v1;
	v1 =	vand.u32 $0xFFFF, v63  }
0x78: {  	[tilespmem:$0x28D0] =	vst v1;
	v1 =	vand.u32 $0xFFFF, v2  }
0x79: {  	[tilespmem:$0x28E0] =	vst v1;
	v1 =	vand.u32 $0xFFFF, v3  }
0x7a: {  	s4 =	simm.s32 $0x0;
	[tilespmem:$0x28F0] =	vst v1  }
0x7b: {  	[tilespmem:s26], [sflag:$0x2] =	stream.indirect.gather [hbm4b:s1+s14], $0x80, s21, s14, $0xb8;
	[tilespmem:$0x1EA00] =	vst v63  }
.LBB2_4:
0x7c: {  	_ =	swait.ge [sflag:s28], $0x4000  }
0x7d: {  	[sflag:s28] =	ssyncset.done $0x0  }
0x7e: {  	s0 =	sshra.s32 s4, $0x2;
	[sflag:s28] =	ssyncadd.s32 $0xFFFFC000  }
0x7f: {  	v1 =	vld [tilespmem:s0+$0x0];
	_ =	sdelay $0x4  }
0x80: {  	v1 =	vshrl.u32 v1, $0x10  }
0x81: {  	[tilespmem:$0x2900] =	vst v1  }
0x82: {  	v1 =	vld [tilespmem:s0+$0x10];
	_ =	sdelay $0x4  }
0x83: {  	v1 =	vshrl.u32 v1, $0x10  }
0x84: {  	[tilespmem:$0x2910] =	vst v1  }
0x85: {  	v1 =	vld [tilespmem:s0+$0x20];
	_ =	sdelay $0x4  }
0x86: {  	v1 =	vshrl.u32 v1, $0x10  }
0x87: {  	[tilespmem:$0x2920] =	vst v1  }
0x88: {  	v1 =	vld [tilespmem:s0+$0x30];
	_ =	sdelay $0x4  }
0x89: {  	v1 =	vshrl.u32 v1, $0x10  }
0x8a: {  	[tilespmem:$0x2930] =	vst v1  }
0x8b: {  	v1 =	vld [tilespmem:s0+$0x40];
	_ =	sdelay $0x4  }
0x8c: {  	v1 =	vshrl.u32 v1, $0x10  }
0x8d: {  	[tilespmem:$0x2940] =	vst v1  }
0x8e: {  	v1 =	vld [tilespmem:s0+$0x50];
	_ =	sdelay $0x4  }
0x8f: {  	v1 =	vshrl.u32 v1, $0x10  }
0x90: {  	[tilespmem:$0x2950] =	vst v1  }
0x91: {  	v1 =	vld [tilespmem:s0+$0x60];
	_ =	sdelay $0x4  }
0x92: {  	v1 =	vshrl.u32 v1, $0x10  }
0x93: {  	[tilespmem:$0x2960] =	vst v1  }
0x94: {  	v1 =	vld [tilespmem:s0+$0x70];
	_ =	sdelay $0x4  }
0x95: {  	v1 =	vshrl.u32 v1, $0x10  }
0x96: {  	[tilespmem:$0x2970] =	vst v1  }
0x97: {  	[spmem:s3] =	stream.indirect.scatter.add.f32 [tilespmem:s13], [sflag:$0x3], $0x80, s29, s14, $0xb8;
	[tilespmem:$0x1EA00] =	vst v63  }
0x98: {  	_ =	swait.ge [sflag:s12], $0x4000  }
0x99: {  	p0 =	seq.s32 s4, $0x9C00;
	[sflag:s12] =	ssyncset.done $0x0  }
0x9a: {  	s15 =	sshra.s32 @!p0 s4, $0x2;
	[sflag:s12] =	ssyncadd.s32 $0xFFFFC000  }
0x9b: {  	v1 =	vld @!p0 [tilespmem:s15+$0x100];
	_ =	sdelay $0x4  }
0x9c: {  	v1 =	vand.u32 @!p0 $0xFFFF, v1  }
0x9d: {  	[tilespmem:$0x2800] =	vst @!p0 v1  }
0x9e: {  	v1 =	vld @!p0 [tilespmem:s15+$0x110];
	_ =	sdelay $0x4  }
0x9f: {  	v1 =	vand.u32 @!p0 $0xFFFF, v1  }
0xa0: {  	[tilespmem:$0x2810] =	vst @!p0 v1  }
0xa1: {  	v1 =	vld @!p0 [tilespmem:s15+$0x120];
	_ =	sdelay $0x4  }
0xa2: {  	v1 =	vand.u32 @!p0 $0xFFFF, v1  }
0xa3: {  	[tilespmem:$0x2820] =	vst @!p0 v1  }
0xa4: {  	v1 =	vld @!p0 [tilespmem:s15+$0x130];
	_ =	sdelay $0x4  }
0xa5: {  	v1 =	vand.u32 @!p0 $0xFFFF, v1  }
0xa6: {  	[tilespmem:$0x2830] =	vst @!p0 v1  }
0xa7: {  	v1 =	vld @!p0 [tilespmem:s15+$0x140];
	_ =	sdelay $0x4  }
0xa8: {  	v1 =	vand.u32 @!p0 $0xFFFF, v1  }
0xa9: {  	[tilespmem:$0x2840] =	vst @!p0 v1  }
0xaa: {  	v1 =	vld @!p0 [tilespmem:s15+$0x150];
	_ =	sdelay $0x4  }
0xab: {  	v1 =	vand.u32 @!p0 $0xFFFF, v1  }
0xac: {  	[tilespmem:$0x2850] =	vst @!p0 v1  }
0xad: {  	v1 =	vld @!p0 [tilespmem:s15+$0x160];
	_ =	sdelay $0x4  }
0xae: {  	v1 =	vand.u32 @!p0 $0xFFFF, v1  }
0xaf: {  	[tilespmem:$0x2860] =	vst @!p0 v1  }
0xb0: {  	v1 =	vld @!p0 [tilespmem:s15+$0x170];
	_ =	sdelay $0x4  }
0xb1: {  	v1 =	vand.u32 @!p0 $0xFFFF, v1  }
0xb2: {  	s5 =	simm.s32 @!p0 $0x2800;
	s7 =	simm.s32 @!p0 $0x2A00;
	s15 =	simm.s32 @!p0 $0x80;
	[tilespmem:$0x2870] =	vst @!p0 v1  }
0xb3: {  	[tilespmem:s7], [sflag:$0x1] =	stream.indirect.gather @!p0 [hbm4b:s1+s15], $0x80, s5, s15, $0xb8;
	[tilespmem:$0x1EA00] =	vst v63  }
0xb4: {  	_ =	swait.ge [sflag:s30], $0x4000  }
0xb5: {  	[sflag:s30] =	ssyncset.done $0x0  }
0xb6: {  	[sflag:s30] =	ssyncadd.s32 $0xFFFFC000  }
0xb7: {  	v1 =	vld [tilespmem:s0+$0x80];
	_ =	sdelay $0x4  }
0xb8: {  	v1 =	vshrl.u32 v1, $0x10  }
0xb9: {  	[tilespmem:$0x2980] =	vst v1  }
0xba: {  	v1 =	vld [tilespmem:s0+$0x90];
	_ =	sdelay $0x4  }
0xbb: {  	v1 =	vshrl.u32 v1, $0x10  }
0xbc: {  	[tilespmem:$0x2990] =	vst v1  }
0xbd: {  	v1 =	vld [tilespmem:s0+$0xA0];
	_ =	sdelay $0x4  }
0xbe: {  	v1 =	vshrl.u32 v1, $0x10  }
0xbf: {  	[tilespmem:$0x29A0] =	vst v1  }
0xc0: {  	v1 =	vld [tilespmem:s0+$0xB0];
	_ =	sdelay $0x4  }
0xc1: {  	v1 =	vshrl.u32 v1, $0x10  }
0xc2: {  	[tilespmem:$0x29B0] =	vst v1  }
0xc3: {  	v1 =	vld [tilespmem:s0+$0xC0];
	_ =	sdelay $0x4  }
0xc4: {  	v1 =	vshrl.u32 v1, $0x10  }
0xc5: {  	[tilespmem:$0x29C0] =	vst v1  }
0xc6: {  	v1 =	vld [tilespmem:s0+$0xD0];
	_ =	sdelay $0x4  }
0xc7: {  	v1 =	vshrl.u32 v1, $0x10  }
0xc8: {  	[tilespmem:$0x29D0] =	vst v1  }
0xc9: {  	v1 =	vld [tilespmem:s0+$0xE0];
	_ =	sdelay $0x4  }
0xca: {  	v1 =	vshrl.u32 v1, $0x10  }
0xcb: {  	[tilespmem:$0x29E0] =	vst v1  }
0xcc: {  	v1 =	vld [tilespmem:s0+$0xF0];
	_ =	sdelay $0x4  }
0xcd: {  	v1 =	vshrl.u32 v1, $0x10  }
.Ltmp3:
0xce: {  	[tilespmem:$0x29F0] =	vst v1;
	(pc) =	sbr.rel @p0 .LBB2_6-.Ltmp3, $4  }
0xcf: {  	[spmem:s3] =	stream.indirect.scatter.add.f32 [tilespmem:s26], [sflag:$0x3], $0x80, s31, s14, $0xb8;
	[tilespmem:$0x1EA00] =	vst v63  }
0xd0: {  	_ =	swait.ge [sflag:s12], $0x4000  }
0xd1: {  	[sflag:s12] =	ssyncset.done $0x0  }
0xd2: {  	[sflag:s12] =	ssyncadd.s32 $0xFFFFC000  }
0xd3: {  	v1 =	vld [tilespmem:s0+$0x180];
	_ =	sdelay $0x4  }
0xd4: {  	v1 =	vand.u32 $0xFFFF, v1  }
0xd5: {  	[tilespmem:$0x2880] =	vst v1  }
0xd6: {  	v1 =	vld [tilespmem:s0+$0x190];
	_ =	sdelay $0x4  }
0xd7: {  	v1 =	vand.u32 $0xFFFF, v1  }
0xd8: {  	[tilespmem:$0x2890] =	vst v1  }
0xd9: {  	v1 =	vld [tilespmem:s0+$0x1A0];
	_ =	sdelay $0x4  }
0xda: {  	v1 =	vand.u32 $0xFFFF, v1  }
0xdb: {  	[tilespmem:$0x28A0] =	vst v1  }
0xdc: {  	v1 =	vld [tilespmem:s0+$0x1B0];
	_ =	sdelay $0x4  }
0xdd: {  	v1 =	vand.u32 $0xFFFF, v1  }
0xde: {  	[tilespmem:$0x28B0] =	vst v1  }
0xdf: {  	v1 =	vld [tilespmem:s0+$0x1C0];
	_ =	sdelay $0x4  }
0xe0: {  	v1 =	vand.u32 $0xFFFF, v1  }
0xe1: {  	[tilespmem:$0x28C0] =	vst v1  }
0xe2: {  	v1 =	vld [tilespmem:s0+$0x1D0];
	_ =	sdelay $0x4  }
0xe3: {  	v1 =	vand.u32 $0xFFFF, v1  }
0xe4: {  	[tilespmem:$0x28D0] =	vst v1  }
0xe5: {  	v1 =	vld [tilespmem:s0+$0x1E0];
	_ =	sdelay $0x4  }
0xe6: {  	v1 =	vand.u32 $0xFFFF, v1  }
0xe7: {  	[tilespmem:$0x28E0] =	vst v1  }
0xe8: {  	v1 =	vld [tilespmem:s0+$0x1F0];
	_ =	sdelay $0x2  }
.Ltmp4:
0xe9: {  	_ = 	snop;
	(pc) =	sbr.rel .LBB2_4-.Ltmp4, $4  }
0xea: {  	_ = 	snop  }
0xeb: {  	v1 =	vand.u32 $0xFFFF, v1  }
0xec: {  	s4 =	sadd.s32 $0x400, s4;
	[tilespmem:$0x28F0] =	vst v1  }
0xed: {  	[tilespmem:s26], [sflag:$0x2] =	stream.indirect.gather [hbm4b:s1+s14], $0x80, s21, s14, $0xb8;
	[tilespmem:$0x1EA00] =	vst v63  }
.LBB2_7:
0xee: {  	_ =	sfence.sel $0x180000  }
0xef: {  	[bflag:$0x0] =	sbarrier.arrive $0xFFFF  }
0xf0: {  	_ =	strace $0x9000004D  }
0xf1: {  	s0 =	stileid.u32;
	[bflag:$0x2] =	sbarrier.arrive $0xFFFF  }
0xf2: {  	p0 =	sne.s32 s0, $0x0;
	s0 =	rddreg [dreg:$0x3]  }
0xf3: {  	s0 =	sadd.s32 @!p0 $0x100000, s0  }
0xf4: {  	[sflag:s0] =	ssyncadd.tile.s32 @!p0 $0x1;
	_ =	shalt  }
.Lfunc_end2:
_tile_overlayer_lowered:
.L_overlay_start_2:
0xf5: {  	(tag) =	ssettag $0x2  }
0xf6: {  	s0 =	rddreg [dreg:$0x0];
	s2 =	stileid.u32  }
0xf7: {  	s1 =	rddreg [dreg:$0x1];
	p0 =	sne.s32 s2, $0x0  }
0xf8: {  	s3 =	rddreg [dreg:$0x2];
	[bflag:$0x3] =	sbarrier.arrive $0xFFFF;
	s2 =	simm.s32 @!p0 $0x1C03  }
0xf9: {  	[timem:s3], [sflag:s2] =	dma.local @!p0 [hbm:s0], s1  }
0xfa: {  	s0 =	simm.s32 @!p0 $0x3  }
0xfb: {  	_ =	swait.ge @!p0 [sflag:s0], s1  }
0xfc: {  	s1 =	ssub.s32 @!p0 $0x0, s1;
	[sflag:s0] =	ssyncset.done @!p0 $0x0  }
0xfd: {  	[sflag:s0] =	ssyncadd.s32 @!p0 s1  }
0xfe: {  	[bflag:$0x3] =	sbarrier.arrive $0xFFFF  }
0xff: {  	_ =	shalt  }

</sc_bundles>
